<compile_context>
chip_gen: v7x
topology: tpu7x:2x2x1
jax: 0.10.2.dev20260603
libtpu: 0.0.44.dev20260713+nightly
codegen_flags: <defaults>
</compile_context>

<pallas_src>
import functools

import jax
import jax.numpy as jnp
from jax import lax
from jax.experimental import pallas as pl
from jax.experimental.pallas import tpu as pltpu
from jax.experimental.pallas import tpu_sc as plsc

N_NODES = 10000
NPAD = 10240
N_EDGES = 320000
D = 128
NC, NS = 2, 16
NW = NC * NS
CHUNK = 128
NCHUNKS = 2560
E_PAD = NCHUNKS * CHUNK
NITER = NCHUNKS // NW
ROWS_PER_TILE = NPAD // NS
NSTG = ROWS_PER_TILE // CHUNK
DEG_W = 16

_MESH = plsc.VectorSubcoreMesh(
    core_axis_name="c", subcore_axis_name="s", num_cores=NC, num_subcores=NS
)


def _seg_body(with_deg, feats, src, dst, zfeat, *rest):
    if with_deg:
        (ones_h, out, degout, s0b, s1b, s2b, s3b, dst_all,
         rows_a, rows_b, agg_sh, si0, si1, si2, si3, sga, sgb) = rest
    else:
        ones_h = degout = None
        (out, s0b, s1b, s2b, s3b, dst_all,
         rows_a, rows_b, agg_sh, si0, si1, si2, si3, sga, sgb) = rest
    c = lax.axis_index("c")
    s = lax.axis_index("s")
    w = s * NC + c
    srcb = [s0b, s1b, s2b, s3b]
    isem = [si0, si1, si2, si3]
    gsem = [sga, sgb]
    rows = [rows_a, rows_b]

    def src_sl(i):
        return src.at[pl.ds((w * NITER + i) * CHUNK, CHUNK)]

    r0 = s * ROWS_PER_TILE
    pltpu.sync_copy(zfeat, rows_a)
    for j in range(NSTG):
        pltpu.sync_copy(rows_a, agg_sh.at[pl.ds(r0 + j * CHUNK, CHUNK)])
    pltpu.sync_copy(dst.at[w], dst_all)
    plsc.subcore_barrier()

    if with_deg:
        pltpu.sync_copy(ones_h, rows_b)

        def dbody(i, carry):
            pltpu.sync_copy(rows_b, agg_sh.at[dst_all.at[i]], add=True)
            return carry

        lax.fori_loop(0, NITER, dbody, 0)
        plsc.subcore_barrier()
        for j in range(NSTG):
            sl = pl.ds(r0 + j * CHUNK, CHUNK)
            pltpu.sync_copy(agg_sh.at[sl], rows_a)
            pltpu.sync_copy(rows_a, degout.at[c, sl])
        pltpu.sync_copy(zfeat, rows_a)
        for j in range(NSTG):
            pltpu.sync_copy(rows_a, agg_sh.at[pl.ds(r0 + j * CHUNK, CHUNK)])
        plsc.subcore_barrier()

    for r in range(4):
        pltpu.async_copy(src_sl(r), srcb[r], isem[r])
    pltpu.make_async_copy(src_sl(0), s0b, si0).wait()
    pltpu.async_copy(feats.at[s0b], rows_a, sga)

    def step(i, r):
        rn = (r + 1) % 4

        @pl.when(i + 1 < NITER)
        def _():
            pltpu.make_async_copy(src_sl(i + 1), srcb[rn], isem[rn]).wait()
            pltpu.async_copy(feats.at[srcb[rn]], rows[(r + 1) % 2],
                             gsem[(r + 1) % 2])

        pltpu.make_async_copy(feats.at[srcb[r]], rows[r % 2], gsem[r % 2]).wait()
        pltpu.sync_copy(rows[r % 2], agg_sh.at[dst_all.at[i]], add=True)

        @pl.when(i + 4 < NITER)
        def _():
            pltpu.async_copy(src_sl(i + 4), srcb[r], isem[r])

    def qbody(q, carry):
        for r in range(4):
            step(4 * q + r, r)
        return carry

    lax.fori_loop(0, NITER // 4, qbody, 0)
    plsc.subcore_barrier()

    for j in range(NSTG):
        sl = pl.ds(r0 + j * CHUNK, CHUNK)
        pltpu.sync_copy(agg_sh.at[sl], rows_a)
        pltpu.sync_copy(rows_a, out.at[c, sl])


_SEG_SCRATCH = [
    pltpu.VMEM((CHUNK,), jnp.int32),
    pltpu.VMEM((CHUNK,), jnp.int32),
    pltpu.VMEM((CHUNK,), jnp.int32),
    pltpu.VMEM((CHUNK,), jnp.int32),
    pltpu.VMEM((NITER, CHUNK), jnp.int32),
    pltpu.VMEM((CHUNK, D), jnp.float32),
    pltpu.VMEM((CHUNK, D), jnp.float32),
    pltpu.VMEM_SHARED((NPAD, D), jnp.float32),
    pltpu.SemaphoreType.DMA,
    pltpu.SemaphoreType.DMA,
    pltpu.SemaphoreType.DMA,
    pltpu.SemaphoreType.DMA,
    pltpu.SemaphoreType.DMA,
    pltpu.SemaphoreType.DMA,
]

_sc_segsum_deg = functools.partial(
    pl.kernel,
    functools.partial(_seg_body, True),
    out_type=(
        jax.ShapeDtypeStruct((NC, NPAD, D), jnp.float32),
        jax.ShapeDtypeStruct((NC, NPAD, D), jnp.float32),
    ),
    mesh=_MESH,
    scratch_types=_SEG_SCRATCH,
)()

_sc_segsum = functools.partial(
    pl.kernel,
    functools.partial(_seg_body, False),
    out_type=jax.ShapeDtypeStruct((NC, NPAD, D), jnp.float32),
    mesh=_MESH,
    scratch_types=[
        pltpu.VMEM((CHUNK,), jnp.int32),
        pltpu.VMEM((CHUNK,), jnp.int32),
        pltpu.VMEM((CHUNK,), jnp.int32),
        pltpu.VMEM((CHUNK,), jnp.int32),
        pltpu.VMEM((NITER, CHUNK), jnp.int32),
        pltpu.VMEM((CHUNK, D), jnp.float32),
        pltpu.VMEM((CHUNK, D), jnp.float32),
        pltpu.VMEM_SHARED((NPAD, D), jnp.float32),
        pltpu.SemaphoreType.DMA,
        pltpu.SemaphoreType.DMA,
        pltpu.SemaphoreType.DMA,
        pltpu.SemaphoreType.DMA,
        pltpu.SemaphoreType.DMA,
        pltpu.SemaphoreType.DMA,
    ],
)()

def _dense_body(relu, aggp, degp, x, wl, b, wr, o):
    p = aggp[0] + aggp[1]
    deg = (jnp.sum(degp[0], axis=1) + jnp.sum(degp[1], axis=1)) * (1.0 / D)
    deg = jnp.maximum(deg, 1.0)
    mean = p / deg[:, None]
    acc = lax.dot_general(mean, wl[...], (((1,), (1,)), ((), ())),
                          preferred_element_type=jnp.float32)
    acc += lax.dot_general(x[...], wr[...], (((1,), (1,)), ((), ())),
                           preferred_element_type=jnp.float32)
    acc += b[...]
    o[...] = jnp.maximum(acc, 0.0) if relu else acc


def _dense(aggp, degp, x, wl, b, wr, relu, out_rows=NPAD):
    grid_n = 10
    r = out_rows // grid_n
    return pl.pallas_call(
        functools.partial(_dense_body, relu),
        out_shape=jax.ShapeDtypeStruct((out_rows, D), jnp.float32),
        grid=(grid_n,),
        in_specs=[
            pl.BlockSpec((NC, r, D), lambda i: (0, i, 0)),
            pl.BlockSpec((NC, r, D), lambda i: (0, i, 0)),
            pl.BlockSpec((r, D), lambda i: (i, 0)),
            pl.BlockSpec((D, D), lambda i: (0, 0)),
            pl.BlockSpec((1, D), lambda i: (0, 0)),
            pl.BlockSpec((D, D), lambda i: (0, 0)),
        ],
        out_specs=pl.BlockSpec((r, D), lambda i: (i, 0)),
    )(aggp, degp, x, wl, b, wr)


def kernel(x, edge_index, W_l1, b_l1, W_r1, W_l2, b_l2, W_r2):
    src = edge_index[0].astype(jnp.int32)
    dst = edge_index[1].astype(jnp.int32)
    npad_e = E_PAD - src.shape[0]
    cyc = jnp.arange(npad_e, dtype=jnp.int32) % (NPAD - N_NODES)
    src = jnp.concatenate([src, cyc])
    dst = jnp.concatenate([dst, N_NODES + cyc])
    dst = dst.reshape(NW, NITER, CHUNK)
    zfeat = jnp.zeros((CHUNK, D), jnp.float32)
    ones_h = jnp.ones((CHUNK, D), jnp.float32)

    aggp1, degp = _sc_segsum_deg(x, src, dst, zfeat, ones_h)
    h = _dense(aggp1, degp, x, W_l1, b_l1.reshape(1, -1), W_r1, relu=True,
               out_rows=N_NODES)
    aggp2 = _sc_segsum(h, src, dst, zfeat)
    return _dense(aggp2, degp, h, W_l2, b_l2.reshape(1, -1), W_r2, relu=False,
                  out_rows=N_NODES)

# --- scband reference (transcript-rebuilt; emitter-appended) ---
"""Pipeline reference for scband-homogeneous-gnn-19155554140462 (READ-ONLY COPY).

The authoritative reference and input builder live on the scoring server;
editing this copy changes nothing except your own understanding.
"""

import jax, jax.numpy as jnp
import numpy as np

N_NODES = 10000
N_EDGES = 320000
D_IN = 128
D_HID = 128
D_OUT = 128


def setup_inputs(seed: int = 0) -> dict:
    key = jax.random.key(seed)
    k_x, k_e, k1, k2, k3, k4 = jax.random.split(key, 6)
    x = jax.random.normal(k_x, (N_NODES, D_IN), dtype=jnp.float32)
    edge_index = jax.random.randint(k_e, (2, N_EDGES), 0, N_NODES, dtype=jnp.int64)
    # SAGEConv layer 1: lin_l (neighbors, with bias) and lin_r (root, no bias)
    s1 = 1.0 / np.sqrt(D_IN)
    W_l1 = jax.random.uniform(k1, (D_HID, D_IN), minval=-s1, maxval=s1, dtype=jnp.float32)
    b_l1 = jnp.zeros((D_HID,), dtype=jnp.float32)
    W_r1 = jax.random.uniform(k2, (D_HID, D_IN), minval=-s1, maxval=s1, dtype=jnp.float32)
    # SAGEConv layer 2
    s2 = 1.0 / np.sqrt(D_HID)
    W_l2 = jax.random.uniform(k3, (D_OUT, D_HID), minval=-s2, maxval=s2, dtype=jnp.float32)
    b_l2 = jnp.zeros((D_OUT,), dtype=jnp.float32)
    W_r2 = jax.random.uniform(k4, (D_OUT, D_HID), minval=-s2, maxval=s2, dtype=jnp.float32)
    return {"x": x, "edge_index": edge_index,
            "W_l1": W_l1, "b_l1": b_l1, "W_r1": W_r1,
            "W_l2": W_l2, "b_l2": b_l2, "W_r2": W_r2}


def _sage_conv(x, src, dst, W_l, b_l, W_r):
    # message: gather source node features
    msg = jnp.take(x, src, axis=0)
    # mean aggregation over destination nodes (scatter-add + degree normalize)
    agg = jax.ops.segment_sum(msg, dst, num_segments=N_NODES)
    deg = jax.ops.segment_sum(jnp.ones((src.shape[0],), dtype=x.dtype), dst, num_segments=N_NODES)
    deg = jnp.clip(deg, 1.0, None)
    mean = agg / deg[:, None]
    # out = lin_l(mean_neighbors) + lin_r(root)
    return mean @ W_l.T + b_l + x @ W_r.T


def reference(x, edge_index, W_l1, b_l1, W_r1, W_l2, b_l2, W_r2):
    src = edge_index[0]
    dst = edge_index[1]
    h = _sage_conv(x, src, dst, W_l1, b_l1, W_r1)
    h = jax.nn.relu(h)
    # dropout p=0.5 is identity in eval mode (training=False)
    out = _sage_conv(h, src, dst, W_l2, b_l2, W_r2)
    return out

if __name__ == "__main__":
    import jax
    _d = setup_inputs()
    print(jax.jit(kernel)(*tuple(_d.values())))

</pallas_src>

<mosaic_0001>
#map = affine_map<(d0, d1) -> (0, 0)>
#map1 = affine_map<(d0, d1) -> (0)>
#map2 = affine_map<(d0, d1) -> (0, 0, 0)>
module attributes {stable_mosaic.version = 14 : i64} {
  func.func @_seg_body(%arg0: i32, %arg1: i32, %arg2: memref<10000x128xf32, #tpu.memory_space<hbm>>, %arg3: memref<327680xi32, #tpu.memory_space<hbm>>, %arg4: memref<32x80x128xi32, #tpu.memory_space<hbm>>, %arg5: memref<128x128xf32, #tpu.memory_space<hbm>>, %arg6: memref<2x10240x128xf32, #tpu.memory_space<hbm>>, %arg7: memref<128xi32, #tpu.memory_space<vmem>>, %arg8: memref<128xi32, #tpu.memory_space<vmem>>, %arg9: memref<128xi32, #tpu.memory_space<vmem>>, %arg10: memref<128xi32, #tpu.memory_space<vmem>>, %arg11: memref<80x128xi32, #tpu.memory_space<vmem>>, %arg12: memref<128x128xf32, #tpu.memory_space<vmem>>, %arg13: memref<128x128xf32, #tpu.memory_space<vmem>>, %arg14: memref<10240x128xf32, #tpu.memory_space<vmem_shared>>, %arg15: memref<!tpu.dma_semaphore, #tpu.memory_space<semaphore_mem>>, %arg16: memref<!tpu.dma_semaphore, #tpu.memory_space<semaphore_mem>>, %arg17: memref<!tpu.dma_semaphore, #tpu.memory_space<semaphore_mem>>, %arg18: memref<!tpu.dma_semaphore, #tpu.memory_space<semaphore_mem>>, %arg19: memref<!tpu.dma_semaphore, #tpu.memory_space<semaphore_mem>>, %arg20: memref<!tpu.dma_semaphore, #tpu.memory_space<semaphore_mem>>) attributes {dimension_semantics = [#tpu.dimension_semantics<core_parallel>, #tpu.dimension_semantics<subcore_parallel>], iteration_bounds = array<i64: 2, 16>, scalar_prefetch = 0 : i64, scratch_operands = 14 : i64, tpu.core_type = #tpu.core_type<sc_vector_subcore>, window_params = [{transform_indices = #map}, {transform_indices = #map1}, {transform_indices = #map2}, {transform_indices = #map}, {transform_indices = #map2}]} {
    %mul3A = arith.constant 2 : i32
    %mul3A_0 = arith.muli %arg1, %mul3A : i32
    %add3A = arith.addi %mul3A_0, %arg0 : i32
    %mul3A_1 = arith.constant 640 : i32
    %mul3A_2 = arith.muli %arg1, %mul3A_1 : i32
    "tpu.region"() ({
      %run_scoped3A = tpu.sem_alloc : memref<!tpu.dma_semaphore, #tpu.memory_space<semaphore_mem>>
      tpu.enqueue_dma source(%arg5 : memref<128x128xf32, #tpu.memory_space<hbm>>) target(%arg12 : memref<128x128xf32, #tpu.memory_space<vmem>>) target_semaphore(%run_scoped3A : memref<!tpu.dma_semaphore, #tpu.memory_space<semaphore_mem>>)
      tpu.wait_dma2 semaphore(%run_scoped3A : memref<!tpu.dma_semaphore, #tpu.memory_space<semaphore_mem>>) src(%arg5 : memref<128x128xf32, #tpu.memory_space<hbm>>) dst(%arg12 : memref<128x128xf32, #tpu.memory_space<vmem>>)
      tpu.yield
    }) : () -> ()
    %add3A_3 = arith.constant 0 : i32
    %add3A_4 = arith.addi %mul3A_2, %add3A_3 : i32
    "tpu.region"() ({
      %run_scoped3A = tpu.sem_alloc : memref<!tpu.dma_semaphore, #tpu.memory_space<semaphore_mem>>
      %dma_start3A_70 = arith.constant 0 : i32
      %dma_start3A_71 = tpu.memref_slice %arg14[%add3A_4, %dma_start3A_70] : memref<10240x128xf32, #tpu.memory_space<vmem_shared>> -> memref<128x128xf32, #tpu.memory_space<vmem_shared>>
      %dma_start3A_72 = arith.constant 0 : i32
      %dma_start3A_73 = tpu.memref_slice %arg14[%add3A_4, %dma_start3A_72] : memref<10240x128xf32, #tpu.memory_space<vmem_shared>> -> memref<128x128xf32, #tpu.memory_space<vmem_shared>>
      tpu.enqueue_dma source(%arg12 : memref<128x128xf32, #tpu.memory_space<vmem>>) target(%dma_start3A_73 : memref<128x128xf32, #tpu.memory_space<vmem_shared>>) target_semaphore(%run_scoped3A : memref<!tpu.dma_semaphore, #tpu.memory_space<semaphore_mem>>)
      %dma_wait3A_74 = arith.constant 0 : i32
      %dma_wait3A_75 = tpu.memref_slice %arg14[%add3A_4, %dma_wait3A_74] : memref<10240x128xf32, #tpu.memory_space<vmem_shared>> -> memref<128x128xf32, #tpu.memory_space<vmem_shared>>
      %dma_wait3A_76 = arith.constant 0 : i32
      %dma_wait3A_77 = tpu.memref_slice %arg14[%add3A_4, %dma_wait3A_76] : memref<10240x128xf32, #tpu.memory_space<vmem_shared>> -> memref<128x128xf32, #tpu.memory_space<vmem_shared>>
      tpu.wait_dma2 semaphore(%run_scoped3A : memref<!tpu.dma_semaphore, #tpu.memory_space<semaphore_mem>>) src(%arg12 : memref<128x128xf32, #tpu.memory_space<vmem>>) dst(%dma_wait3A_77 : memref<128x128xf32, #tpu.memory_space<vmem_shared>>)
      tpu.yield
    }) : () -> ()
    %add3A_5 = arith.constant 128 : i32
    %add3A_6 = arith.addi %mul3A_2, %add3A_5 : i32
    "tpu.region"() ({
      %run_scoped3A = tpu.sem_alloc : memref<!tpu.dma_semaphore, #tpu.memory_space<semaphore_mem>>
      %dma_start3A_70 = arith.constant 0 : i32
      %dma_start3A_71 = tpu.memref_slice %arg14[%add3A_6, %dma_start3A_70] : memref<10240x128xf32, #tpu.memory_space<vmem_shared>> -> memref<128x128xf32, #tpu.memory_space<vmem_shared>>
      %dma_start3A_72 = arith.constant 0 : i32
      %dma_start3A_73 = tpu.memref_slice %arg14[%add3A_6, %dma_start3A_72] : memref<10240x128xf32, #tpu.memory_space<vmem_shared>> -> memref<128x128xf32, #tpu.memory_space<vmem_shared>>
      tpu.enqueue_dma source(%arg12 : memref<128x128xf32, #tpu.memory_space<vmem>>) target(%dma_start3A_73 : memref<128x128xf32, #tpu.memory_space<vmem_shared>>) target_semaphore(%run_scoped3A : memref<!tpu.dma_semaphore, #tpu.memory_space<semaphore_mem>>)
      %dma_wait3A_74 = arith.constant 0 : i32
      %dma_wait3A_75 = tpu.memref_slice %arg14[%add3A_6, %dma_wait3A_74] : memref<10240x128xf32, #tpu.memory_space<vmem_shared>> -> memref<128x128xf32, #tpu.memory_space<vmem_shared>>
      %dma_wait3A_76 = arith.constant 0 : i32
      %dma_wait3A_77 = tpu.memref_slice %arg14[%add3A_6, %dma_wait3A_76] : memref<10240x128xf32, #tpu.memory_space<vmem_shared>> -> memref<128x128xf32, #tpu.memory_space<vmem_shared>>
      tpu.wait_dma2 semaphore(%run_scoped3A : memref<!tpu.dma_semaphore, #tpu.memory_space<semaphore_mem>>) src(%arg12 : memref<128x128xf32, #tpu.memory_space<vmem>>) dst(%dma_wait3A_77 : memref<128x128xf32, #tpu.memory_space<vmem_shared>>)
      tpu.yield
    }) : () -> ()
    %add3A_7 = arith.constant 256 : i32
    %add3A_8 = arith.addi %mul3A_2, %add3A_7 : i32
    "tpu.region"() ({
      %run_scoped3A = tpu.sem_alloc : memref<!tpu.dma_semaphore, #tpu.memory_space<semaphore_mem>>
      %dma_start3A_70 = arith.constant 0 : i32
      %dma_start3A_71 = tpu.memref_slice %arg14[%add3A_8, %dma_start3A_70] : memref<10240x128xf32, #tpu.memory_space<vmem_shared>> -> memref<128x128xf32, #tpu.memory_space<vmem_shared>>
      %dma_start3A_72 = arith.constant 0 : i32
      %dma_start3A_73 = tpu.memref_slice %arg14[%add3A_8, %dma_start3A_72] : memref<10240x128xf32, #tpu.memory_space<vmem_shared>> -> memref<128x128xf32, #tpu.memory_space<vmem_shared>>
      tpu.enqueue_dma source(%arg12 : memref<128x128xf32, #tpu.memory_space<vmem>>) target(%dma_start3A_73 : memref<128x128xf32, #tpu.memory_space<vmem_shared>>) target_semaphore(%run_scoped3A : memref<!tpu.dma_semaphore, #tpu.memory_space<semaphore_mem>>)
      %dma_wait3A_74 = arith.constant 0 : i32
      %dma_wait3A_75 = tpu.memref_slice %arg14[%add3A_8, %dma_wait3A_74] : memref<10240x128xf32, #tpu.memory_space<vmem_shared>> -> memref<128x128xf32, #tpu.memory_space<vmem_shared>>
      %dma_wait3A_76 = arith.constant 0 : i32
      %dma_wait3A_77 = tpu.memref_slice %arg14[%add3A_8, %dma_wait3A_76] : memref<10240x128xf32, #tpu.memory_space<vmem_shared>> -> memref<128x128xf32, #tpu.memory_space<vmem_shared>>
      tpu.wait_dma2 semaphore(%run_scoped3A : memref<!tpu.dma_semaphore, #tpu.memory_space<semaphore_mem>>) src(%arg12 : memref<128x128xf32, #tpu.memory_space<vmem>>) dst(%dma_wait3A_77 : memref<128x128xf32, #tpu.memory_space<vmem_shared>>)
      tpu.yield
    }) : () -> ()
    %add3A_9 = arith.constant 384 : i32
    %add3A_10 = arith.addi %mul3A_2, %add3A_9 : i32
    "tpu.region"() ({
      %run_scoped3A = tpu.sem_alloc : memref<!tpu.dma_semaphore, #tpu.memory_space<semaphore_mem>>
      %dma_start3A_70 = arith.constant 0 : i32
      %dma_start3A_71 = tpu.memref_slice %arg14[%add3A_10, %dma_start3A_70] : memref<10240x128xf32, #tpu.memory_space<vmem_shared>> -> memref<128x128xf32, #tpu.memory_space<vmem_shared>>
      %dma_start3A_72 = arith.constant 0 : i32
      %dma_start3A_73 = tpu.memref_slice %arg14[%add3A_10, %dma_start3A_72] : memref<10240x128xf32, #tpu.memory_space<vmem_shared>> -> memref<128x128xf32, #tpu.memory_space<vmem_shared>>
      tpu.enqueue_dma source(%arg12 : memref<128x128xf32, #tpu.memory_space<vmem>>) target(%dma_start3A_73 : memref<128x128xf32, #tpu.memory_space<vmem_shared>>) target_semaphore(%run_scoped3A : memref<!tpu.dma_semaphore, #tpu.memory_space<semaphore_mem>>)
      %dma_wait3A_74 = arith.constant 0 : i32
      %dma_wait3A_75 = tpu.memref_slice %arg14[%add3A_10, %dma_wait3A_74] : memref<10240x128xf32, #tpu.memory_space<vmem_shared>> -> memref<128x128xf32, #tpu.memory_space<vmem_shared>>
      %dma_wait3A_76 = arith.constant 0 : i32
      %dma_wait3A_77 = tpu.memref_slice %arg14[%add3A_10, %dma_wait3A_76] : memref<10240x128xf32, #tpu.memory_space<vmem_shared>> -> memref<128x128xf32, #tpu.memory_space<vmem_shared>>
      tpu.wait_dma2 semaphore(%run_scoped3A : memref<!tpu.dma_semaphore, #tpu.memory_space<semaphore_mem>>) src(%arg12 : memref<128x128xf32, #tpu.memory_space<vmem>>) dst(%dma_wait3A_77 : memref<128x128xf32, #tpu.memory_space<vmem_shared>>)
      tpu.yield
    }) : () -> ()
    %add3A_11 = arith.constant 512 : i32
    %add3A_12 = arith.addi %mul3A_2, %add3A_11 : i32
    "tpu.region"() ({
      %run_scoped3A = tpu.sem_alloc : memref<!tpu.dma_semaphore, #tpu.memory_space<semaphore_mem>>
      %dma_start3A_70 = arith.constant 0 : i32
      %dma_start3A_71 = tpu.memref_slice %arg14[%add3A_12, %dma_start3A_70] : memref<10240x128xf32, #tpu.memory_space<vmem_shared>> -> memref<128x128xf32, #tpu.memory_space<vmem_shared>>
      %dma_start3A_72 = arith.constant 0 : i32
      %dma_start3A_73 = tpu.memref_slice %arg14[%add3A_12, %dma_start3A_72] : memref<10240x128xf32, #tpu.memory_space<vmem_shared>> -> memref<128x128xf32, #tpu.memory_space<vmem_shared>>
      tpu.enqueue_dma source(%arg12 : memref<128x128xf32, #tpu.memory_space<vmem>>) target(%dma_start3A_73 : memref<128x128xf32, #tpu.memory_space<vmem_shared>>) target_semaphore(%run_scoped3A : memref<!tpu.dma_semaphore, #tpu.memory_space<semaphore_mem>>)
      %dma_wait3A_74 = arith.constant 0 : i32
      %dma_wait3A_75 = tpu.memref_slice %arg14[%add3A_12, %dma_wait3A_74] : memref<10240x128xf32, #tpu.memory_space<vmem_shared>> -> memref<128x128xf32, #tpu.memory_space<vmem_shared>>
      %dma_wait3A_76 = arith.constant 0 : i32
      %dma_wait3A_77 = tpu.memref_slice %arg14[%add3A_12, %dma_wait3A_76] : memref<10240x128xf32, #tpu.memory_space<vmem_shared>> -> memref<128x128xf32, #tpu.memory_space<vmem_shared>>
      tpu.wait_dma2 semaphore(%run_scoped3A : memref<!tpu.dma_semaphore, #tpu.memory_space<semaphore_mem>>) src(%arg12 : memref<128x128xf32, #tpu.memory_space<vmem>>) dst(%dma_wait3A_77 : memref<128x128xf32, #tpu.memory_space<vmem_shared>>)
      tpu.yield
    }) : () -> ()
    "tpu.region"() ({
      %run_scoped3A = tpu.sem_alloc : memref<!tpu.dma_semaphore, #tpu.memory_space<semaphore_mem>>
      %dma_start3A_70 = arith.constant 0 : i32
      %dma_start3A_71 = arith.constant 0 : i32
      %dma_start3A_72 = tpu.memref_slice %arg4[%add3A, %dma_start3A_70, %dma_start3A_71] : memref<32x80x128xi32, #tpu.memory_space<hbm>> -> memref<1x80x128xi32, #tpu.memory_space<hbm>>
      %dma_start3A_73 = tpu.memref_squeeze %dma_start3A_72 : memref<1x80x128xi32, #tpu.memory_space<hbm>> -> memref<80x128xi32, #tpu.memory_space<hbm>>
      %dma_start3A_74 = arith.constant 0 : i32
      %dma_start3A_75 = arith.constant 0 : i32
      %dma_start3A_76 = tpu.memref_slice %arg4[%add3A, %dma_start3A_74, %dma_start3A_75] : memref<32x80x128xi32, #tpu.memory_space<hbm>> -> memref<1x80x128xi32, #tpu.memory_space<hbm>>
      %dma_start3A_77 = tpu.memref_squeeze %dma_start3A_76 : memref<1x80x128xi32, #tpu.memory_space<hbm>> -> memref<80x128xi32, #tpu.memory_space<hbm>>
      tpu.enqueue_dma source(%dma_start3A_77 : memref<80x128xi32, #tpu.memory_space<hbm>>) target(%arg11 : memref<80x128xi32, #tpu.memory_space<vmem>>) target_semaphore(%run_scoped3A : memref<!tpu.dma_semaphore, #tpu.memory_space<semaphore_mem>>)
      %dma_wait3A_78 = arith.constant 0 : i32
      %dma_wait3A_79 = arith.constant 0 : i32
      %dma_wait3A_80 = tpu.memref_slice %arg4[%add3A, %dma_wait3A_78, %dma_wait3A_79] : memref<32x80x128xi32, #tpu.memory_space<hbm>> -> memref<1x80x128xi32, #tpu.memory_space<hbm>>
      %dma_wait3A_81 = tpu.memref_squeeze %dma_wait3A_80 : memref<1x80x128xi32, #tpu.memory_space<hbm>> -> memref<80x128xi32, #tpu.memory_space<hbm>>
      %dma_wait3A_82 = arith.constant 0 : i32
      %dma_wait3A_83 = arith.constant 0 : i32
      %dma_wait3A_84 = tpu.memref_slice %arg4[%add3A, %dma_wait3A_82, %dma_wait3A_83] : memref<32x80x128xi32, #tpu.memory_space<hbm>> -> memref<1x80x128xi32, #tpu.memory_space<hbm>>
      %dma_wait3A_85 = tpu.memref_squeeze %dma_wait3A_84 : memref<1x80x128xi32, #tpu.memory_space<hbm>> -> memref<80x128xi32, #tpu.memory_space<hbm>>
      tpu.wait_dma2 semaphore(%run_scoped3A : memref<!tpu.dma_semaphore, #tpu.memory_space<semaphore_mem>>) src(%dma_wait3A_85 : memref<80x128xi32, #tpu.memory_space<hbm>>) dst(%arg11 : memref<80x128xi32, #tpu.memory_space<vmem>>)
      tpu.yield
    }) : () -> ()
    %barrier3A = arith.constant 0 : index
    tpu.barrier barrier_id(%barrier3A)
    %mul3A_13 = arith.constant 80 : i32
    %mul3A_14 = arith.muli %add3A, %mul3A_13 : i32
    %add3A_15 = arith.constant 0 : i32
    %add3A_16 = arith.addi %mul3A_14, %add3A_15 : i32
    %mul3A_17 = arith.constant 128 : i32
    %mul3A_18 = arith.muli %add3A_16, %mul3A_17 : i32
    %dma_start3A = tpu.memref_slice %arg3[%mul3A_18] : memref<327680xi32, #tpu.memory_space<hbm>> -> memref<128xi32, #tpu.memory_space<hbm>>
    %dma_start3A_19 = tpu.memref_slice %arg3[%mul3A_18] : memref<327680xi32, #tpu.memory_space<hbm>> -> memref<128xi32, #tpu.memory_space<hbm>>
    tpu.enqueue_dma source(%dma_start3A_19 : memref<128xi32, #tpu.memory_space<hbm>>) target(%arg7 : memref<128xi32, #tpu.memory_space<vmem>>) target_semaphore(%arg15 : memref<!tpu.dma_semaphore, #tpu.memory_space<semaphore_mem>>)
    %mul3A_20 = arith.constant 80 : i32
    %mul3A_21 = arith.muli %add3A, %mul3A_20 : i32
    %add3A_22 = arith.constant 1 : i32
    %add3A_23 = arith.addi %mul3A_21, %add3A_22 : i32
    %mul3A_24 = arith.constant 128 : i32
    %mul3A_25 = arith.muli %add3A_23, %mul3A_24 : i32
    %dma_start3A_26 = tpu.memref_slice %arg3[%mul3A_25] : memref<327680xi32, #tpu.memory_space<hbm>> -> memref<128xi32, #tpu.memory_space<hbm>>
    %dma_start3A_27 = tpu.memref_slice %arg3[%mul3A_25] : memref<327680xi32, #tpu.memory_space<hbm>> -> memref<128xi32, #tpu.memory_space<hbm>>
    tpu.enqueue_dma source(%dma_start3A_27 : memref<128xi32, #tpu.memory_space<hbm>>) target(%arg8 : memref<128xi32, #tpu.memory_space<vmem>>) target_semaphore(%arg16 : memref<!tpu.dma_semaphore, #tpu.memory_space<semaphore_mem>>)
    %mul3A_28 = arith.constant 80 : i32
    %mul3A_29 = arith.muli %add3A, %mul3A_28 : i32
    %add3A_30 = arith.constant 2 : i32
    %add3A_31 = arith.addi %mul3A_29, %add3A_30 : i32
    %mul3A_32 = arith.constant 128 : i32
    %mul3A_33 = arith.muli %add3A_31, %mul3A_32 : i32
    %dma_start3A_34 = tpu.memref_slice %arg3[%mul3A_33] : memref<327680xi32, #tpu.memory_space<hbm>> -> memref<128xi32, #tpu.memory_space<hbm>>
    %dma_start3A_35 = tpu.memref_slice %arg3[%mul3A_33] : memref<327680xi32, #tpu.memory_space<hbm>> -> memref<128xi32, #tpu.memory_space<hbm>>
    tpu.enqueue_dma source(%dma_start3A_35 : memref<128xi32, #tpu.memory_space<hbm>>) target(%arg9 : memref<128xi32, #tpu.memory_space<vmem>>) target_semaphore(%arg17 : memref<!tpu.dma_semaphore, #tpu.memory_space<semaphore_mem>>)
    %mul3A_36 = arith.constant 80 : i32
    %mul3A_37 = arith.muli %add3A, %mul3A_36 : i32
    %add3A_38 = arith.constant 3 : i32
    %add3A_39 = arith.addi %mul3A_37, %add3A_38 : i32
    %mul3A_40 = arith.constant 128 : i32
    %mul3A_41 = arith.muli %add3A_39, %mul3A_40 : i32
    %dma_start3A_42 = tpu.memref_slice %arg3[%mul3A_41] : memref<327680xi32, #tpu.memory_space<hbm>> -> memref<128xi32, #tpu.memory_space<hbm>>
    %dma_start3A_43 = tpu.memref_slice %arg3[%mul3A_41] : memref<327680xi32, #tpu.memory_space<hbm>> -> memref<128xi32, #tpu.memory_space<hbm>>
    tpu.enqueue_dma source(%dma_start3A_43 : memref<128xi32, #tpu.memory_space<hbm>>) target(%arg10 : memref<128xi32, #tpu.memory_space<vmem>>) target_semaphore(%arg18 : memref<!tpu.dma_semaphore, #tpu.memory_space<semaphore_mem>>)
    %mul3A_44 = arith.constant 80 : i32
    %mul3A_45 = arith.muli %add3A, %mul3A_44 : i32
    %add3A_46 = arith.constant 0 : i32
    %add3A_47 = arith.addi %mul3A_45, %add3A_46 : i32
    %mul3A_48 = arith.constant 128 : i32
    %mul3A_49 = arith.muli %add3A_47, %mul3A_48 : i32
    %dma_wait3A = tpu.memref_slice %arg3[%mul3A_49] : memref<327680xi32, #tpu.memory_space<hbm>> -> memref<128xi32, #tpu.memory_space<hbm>>
    %dma_wait3A_50 = tpu.memref_slice %arg3[%mul3A_49] : memref<327680xi32, #tpu.memory_space<hbm>> -> memref<128xi32, #tpu.memory_space<hbm>>
    tpu.wait_dma2 semaphore(%arg15 : memref<!tpu.dma_semaphore, #tpu.memory_space<semaphore_mem>>) src(%dma_wait3A_50 : memref<128xi32, #tpu.memory_space<hbm>>) dst(%arg7 : memref<128xi32, #tpu.memory_space<vmem>>)
    %dma_start3A_51 = arith.constant 0 : i32
    %dma_start3A_52 = arith.constant 0 : i32
    %dma_start3A_53 = tpu.memref_slice %arg2[%dma_start3A_51, %dma_start3A_52] : memref<10000x128xf32, #tpu.memory_space<hbm>> -> memref<10000x128xf32, #tpu.memory_space<hbm>>
    tpu.enqueue_indirect_dma source(%dma_start3A_53 : memref<10000x128xf32, #tpu.memory_space<hbm>>) target(%arg12 : memref<128x128xf32, #tpu.memory_space<vmem>>) offsets(%arg7 : memref<128xi32, #tpu.memory_space<vmem>>) semaphore(%arg19 : memref<!tpu.dma_semaphore, #tpu.memory_space<semaphore_mem>>)
    %scan3A = arith.constant 0 : i32
    %scan3A_54 = arith.constant 0 : i32
    %scan3A_55 = arith.constant 20 : i32
    %scan3A_56 = arith.addi %scan3A_54, %scan3A_55 : i32
    %scan3A_57 = arith.constant 1 : i32
    scf.for %scan3A_70 = %scan3A_54 to %scan3A_56 step %scan3A_57  : i32 {
      %mul3A_71 = arith.constant 4 : i32
      %mul3A_72 = arith.muli %mul3A_71, %scan3A_70 : i32
      %add3A_73 = arith.constant 0 : i32
      %add3A_74 = arith.addi %mul3A_72, %add3A_73 : i32
      %add3A_75 = arith.constant 1 : i32
      %add3A_76 = arith.addi %add3A_74, %add3A_75 : i32
      %lt3A = arith.constant 80 : i32
      %lt3A_77 = arith.cmpi slt, %add3A_76, %lt3A : i32
      %convert_element_type3A = arith.extui %lt3A_77 : i1 to i32
      %cond3A = arith.constant 0 : i32
      %cond3A_78 = arith.cmpi ne, %convert_element_type3A, %cond3A : i32
      scf.if %cond3A_78 {
        %add3A_152 = arith.constant 1 : i32
        %add3A_153 = arith.addi %add3A_74, %add3A_152 : i32
        %mul3A_154 = arith.constant 80 : i32
        %mul3A_155 = arith.muli %add3A, %mul3A_154 : i32
        %add3A_156 = arith.addi %mul3A_155, %add3A_153 : i32
        %mul3A_157 = arith.constant 128 : i32
        %mul3A_158 = arith.muli %add3A_156, %mul3A_157 : i32
        %dma_wait3A_159 = tpu.memref_slice %arg3[%mul3A_158] : memref<327680xi32, #tpu.memory_space<hbm>> -> memref<128xi32, #tpu.memory_space<hbm>>
        %dma_wait3A_160 = tpu.memref_slice %arg3[%mul3A_158] : memref<327680xi32, #tpu.memory_space<hbm>> -> memref<128xi32, #tpu.memory_space<hbm>>
        tpu.wait_dma2 semaphore(%arg16 : memref<!tpu.dma_semaphore, #tpu.memory_space<semaphore_mem>>) src(%dma_wait3A_160 : memref<128xi32, #tpu.memory_space<hbm>>) dst(%arg8 : memref<128xi32, #tpu.memory_space<vmem>>)
        %dma_start3A_161 = arith.constant 0 : i32
        %dma_start3A_162 = arith.constant 0 : i32
        %dma_start3A_163 = tpu.memref_slice %arg2[%dma_start3A_161, %dma_start3A_162] : memref<10000x128xf32, #tpu.memory_space<hbm>> -> memref<10000x128xf32, #tpu.memory_space<hbm>>
        tpu.enqueue_indirect_dma source(%dma_start3A_163 : memref<10000x128xf32, #tpu.memory_space<hbm>>) target(%arg13 : memref<128x128xf32, #tpu.memory_space<vmem>>) offsets(%arg8 : memref<128xi32, #tpu.memory_space<vmem>>) semaphore(%arg20 : memref<!tpu.dma_semaphore, #tpu.memory_space<semaphore_mem>>)
      } else {
      }
      %dma_wait3A_79 = arith.constant 0 : i32
      %dma_wait3A_80 = arith.constant 0 : i32
      %dma_wait3A_81 = tpu.memref_slice %arg2[%dma_wait3A_79, %dma_wait3A_80] : memref<10000x128xf32, #tpu.memory_space<hbm>> -> memref<10000x128xf32, #tpu.memory_space<hbm>>
      tpu.wait_indirect_dma semaphore(%arg19 : memref<!tpu.dma_semaphore, #tpu.memory_space<semaphore_mem>>) src(%dma_wait3A_81 : memref<10000x128xf32, #tpu.memory_space<hbm>>) dst(%arg12 : memref<128x128xf32, #tpu.memory_space<vmem>>)
      "tpu.region"() ({
        %run_scoped3A = tpu.sem_alloc : memref<!tpu.dma_semaphore, #tpu.memory_space<semaphore_mem>>
        %dma_start3A_152 = arith.constant 0 : i32
        %dma_start3A_153 = tpu.memref_slice %arg11[%add3A_74, %dma_start3A_152] : memref<80x128xi32, #tpu.memory_space<vmem>> -> memref<1x128xi32, #tpu.memory_space<vmem>>
        %dma_start3A_154 = tpu.memref_squeeze %dma_start3A_153 : memref<1x128xi32, #tpu.memory_space<vmem>> -> memref<128xi32, #tpu.memory_space<vmem>>
        %dma_start3A_155 = arith.constant 0 : i32
        %dma_start3A_156 = arith.constant 0 : i32
        %dma_start3A_157 = tpu.memref_slice %arg14[%dma_start3A_155, %dma_start3A_156] : memref<10240x128xf32, #tpu.memory_space<vmem_shared>> -> memref<10240x128xf32, #tpu.memory_space<vmem_shared>>
        tpu.enqueue_indirect_dma source(%arg12 : memref<128x128xf32, #tpu.memory_space<vmem>>) target(%dma_start3A_157 : memref<10240x128xf32, #tpu.memory_space<vmem_shared>>) offsets(%dma_start3A_154 : memref<128xi32, #tpu.memory_space<vmem>>) semaphore(%run_scoped3A : memref<!tpu.dma_semaphore, #tpu.memory_space<semaphore_mem>>) {add = true}
        %dma_wait3A_158 = arith.constant 0 : i32
        %dma_wait3A_159 = tpu.memref_slice %arg11[%add3A_74, %dma_wait3A_158] : memref<80x128xi32, #tpu.memory_space<vmem>> -> memref<1x128xi32, #tpu.memory_space<vmem>>
        %dma_wait3A_160 = tpu.memref_squeeze %dma_wait3A_159 : memref<1x128xi32, #tpu.memory_space<vmem>> -> memref<128xi32, #tpu.memory_space<vmem>>
        %dma_wait3A_161 = arith.constant 0 : i32
        %dma_wait3A_162 = arith.constant 0 : i32
        %dma_wait3A_163 = tpu.memref_slice %arg14[%dma_wait3A_161, %dma_wait3A_162] : memref<10240x128xf32, #tpu.memory_space<vmem_shared>> -> memref<10240x128xf32, #tpu.memory_space<vmem_shared>>
        tpu.wait_indirect_dma semaphore(%run_scoped3A : memref<!tpu.dma_semaphore, #tpu.memory_space<semaphore_mem>>) src(%arg12 : memref<128x128xf32, #tpu.memory_space<vmem>>) dst(%dma_wait3A_163 : memref<10240x128xf32, #tpu.memory_space<vmem_shared>>)
        tpu.yield
      }) : () -> ()
      %add3A_82 = arith.constant 4 : i32
      %add3A_83 = arith.addi %add3A_74, %add3A_82 : i32
      %lt3A_84 = arith.constant 80 : i32
      %lt3A_85 = arith.cmpi slt, %add3A_83, %lt3A_84 : i32
      %convert_element_type3A_86 = arith.extui %lt3A_85 : i1 to i32
      %cond3A_87 = arith.constant 0 : i32
      %cond3A_88 = arith.cmpi ne, %convert_element_type3A_86, %cond3A_87 : i32
      scf.if %cond3A_88 {
        %add3A_152 = arith.constant 4 : i32
        %add3A_153 = arith.addi %add3A_74, %add3A_152 : i32
        %mul3A_154 = arith.constant 80 : i32
        %mul3A_155 = arith.muli %add3A, %mul3A_154 : i32
        %add3A_156 = arith.addi %mul3A_155, %add3A_153 : i32
        %mul3A_157 = arith.constant 128 : i32
        %mul3A_158 = arith.muli %add3A_156, %mul3A_157 : i32
        %dma_start3A_159 = tpu.memref_slice %arg3[%mul3A_158] : memref<327680xi32, #tpu.memory_space<hbm>> -> memref<128xi32, #tpu.memory_space<hbm>>
        %dma_start3A_160 = tpu.memref_slice %arg3[%mul3A_158] : memref<327680xi32, #tpu.memory_space<hbm>> -> memref<128xi32, #tpu.memory_space<hbm>>
        tpu.enqueue_dma source(%dma_start3A_160 : memref<128xi32, #tpu.memory_space<hbm>>) target(%arg7 : memref<128xi32, #tpu.memory_space<vmem>>) target_semaphore(%arg15 : memref<!tpu.dma_semaphore, #tpu.memory_space<semaphore_mem>>)
      } else {
      }
      %mul3A_89 = arith.constant 4 : i32
      %mul3A_90 = arith.muli %mul3A_89, %scan3A_70 : i32
      %add3A_91 = arith.constant 1 : i32
      %add3A_92 = arith.addi %mul3A_90, %add3A_91 : i32
      %add3A_93 = arith.constant 1 : i32
      %add3A_94 = arith.addi %add3A_92, %add3A_93 : i32
      %lt3A_95 = arith.constant 80 : i32
      %lt3A_96 = arith.cmpi slt, %add3A_94, %lt3A_95 : i32
      %convert_element_type3A_97 = arith.extui %lt3A_96 : i1 to i32
      %cond3A_98 = arith.constant 0 : i32
      %cond3A_99 = arith.cmpi ne, %convert_element_type3A_97, %cond3A_98 : i32
      scf.if %cond3A_99 {
        %add3A_152 = arith.constant 1 : i32
        %add3A_153 = arith.addi %add3A_92, %add3A_152 : i32
        %mul3A_154 = arith.constant 80 : i32
        %mul3A_155 = arith.muli %add3A, %mul3A_154 : i32
        %add3A_156 = arith.addi %mul3A_155, %add3A_153 : i32
        %mul3A_157 = arith.constant 128 : i32
        %mul3A_158 = arith.muli %add3A_156, %mul3A_157 : i32
        %dma_wait3A_159 = tpu.memref_slice %arg3[%mul3A_158] : memref<327680xi32, #tpu.memory_space<hbm>> -> memref<128xi32, #tpu.memory_space<hbm>>
        %dma_wait3A_160 = tpu.memref_slice %arg3[%mul3A_158] : memref<327680xi32, #tpu.memory_space<hbm>> -> memref<128xi32, #tpu.memory_space<hbm>>
        tpu.wait_dma2 semaphore(%arg17 : memref<!tpu.dma_semaphore, #tpu.memory_space<semaphore_mem>>) src(%dma_wait3A_160 : memref<128xi32, #tpu.memory_space<hbm>>) dst(%arg9 : memref<128xi32, #tpu.memory_space<vmem>>)
        %dma_start3A_161 = arith.constant 0 : i32
        %dma_start3A_162 = arith.constant 0 : i32
        %dma_start3A_163 = tpu.memref_slice %arg2[%dma_start3A_161, %dma_start3A_162] : memref<10000x128xf32, #tpu.memory_space<hbm>> -> memref<10000x128xf32, #tpu.memory_space<hbm>>
        tpu.enqueue_indirect_dma source(%dma_start3A_163 : memref<10000x128xf32, #tpu.memory_space<hbm>>) target(%arg12 : memref<128x128xf32, #tpu.memory_space<vmem>>) offsets(%arg9 : memref<128xi32, #tpu.memory_space<vmem>>) semaphore(%arg19 : memref<!tpu.dma_semaphore, #tpu.memory_space<semaphore_mem>>)
      } else {
      }
      %dma_wait3A_100 = arith.constant 0 : i32
      %dma_wait3A_101 = arith.constant 0 : i32
      %dma_wait3A_102 = tpu.memref_slice %arg2[%dma_wait3A_100, %dma_wait3A_101] : memref<10000x128xf32, #tpu.memory_space<hbm>> -> memref<10000x128xf32, #tpu.memory_space<hbm>>
      tpu.wait_indirect_dma semaphore(%arg20 : memref<!tpu.dma_semaphore, #tpu.memory_space<semaphore_mem>>) src(%dma_wait3A_102 : memref<10000x128xf32, #tpu.memory_space<hbm>>) dst(%arg13 : memref<128x128xf32, #tpu.memory_space<vmem>>)
      "tpu.region"() ({
        %run_scoped3A = tpu.sem_alloc : memref<!tpu.dma_semaphore, #tpu.memory_space<semaphore_mem>>
        %dma_start3A_152 = arith.constant 0 : i32
        %dma_start3A_153 = tpu.memref_slice %arg11[%add3A_92, %dma_start3A_152] : memref<80x128xi32, #tpu.memory_space<vmem>> -> memref<1x128xi32, #tpu.memory_space<vmem>>
        %dma_start3A_154 = tpu.memref_squeeze %dma_start3A_153 : memref<1x128xi32, #tpu.memory_space<vmem>> -> memref<128xi32, #tpu.memory_space<vmem>>
        %dma_start3A_155 = arith.constant 0 : i32
        %dma_start3A_156 = arith.constant 0 : i32
        %dma_start3A_157 = tpu.memref_slice %arg14[%dma_start3A_155, %dma_start3A_156] : memref<10240x128xf32, #tpu.memory_space<vmem_shared>> -> memref<10240x128xf32, #tpu.memory_space<vmem_shared>>
        tpu.enqueue_indirect_dma source(%arg13 : memref<128x128xf32, #tpu.memory_space<vmem>>) target(%dma_start3A_157 : memref<10240x128xf32, #tpu.memory_space<vmem_shared>>) offsets(%dma_start3A_154 : memref<128xi32, #tpu.memory_space<vmem>>) semaphore(%run_scoped3A : memref<!tpu.dma_semaphore, #tpu.memory_space<semaphore_mem>>) {add = true}
        %dma_wait3A_158 = arith.constant 0 : i32
        %dma_wait3A_159 = tpu.memref_slice %arg11[%add3A_92, %dma_wait3A_158] : memref<80x128xi32, #tpu.memory_space<vmem>> -> memref<1x128xi32, #tpu.memory_space<vmem>>
        %dma_wait3A_160 = tpu.memref_squeeze %dma_wait3A_159 : memref<1x128xi32, #tpu.memory_space<vmem>> -> memref<128xi32, #tpu.memory_space<vmem>>
        %dma_wait3A_161 = arith.constant 0 : i32
        %dma_wait3A_162 = arith.constant 0 : i32
        %dma_wait3A_163 = tpu.memref_slice %arg14[%dma_wait3A_161, %dma_wait3A_162] : memref<10240x128xf32, #tpu.memory_space<vmem_shared>> -> memref<10240x128xf32, #tpu.memory_space<vmem_shared>>
        tpu.wait_indirect_dma semaphore(%run_scoped3A : memref<!tpu.dma_semaphore, #tpu.memory_space<semaphore_mem>>) src(%arg13 : memref<128x128xf32, #tpu.memory_space<vmem>>) dst(%dma_wait3A_163 : memref<10240x128xf32, #tpu.memory_space<vmem_shared>>)
        tpu.yield
      }) : () -> ()
      %add3A_103 = arith.constant 4 : i32
      %add3A_104 = arith.addi %add3A_92, %add3A_103 : i32
      %lt3A_105 = arith.constant 80 : i32
      %lt3A_106 = arith.cmpi slt, %add3A_104, %lt3A_105 : i32
      %convert_element_type3A_107 = arith.extui %lt3A_106 : i1 to i32
      %cond3A_108 = arith.constant 0 : i32
      %cond3A_109 = arith.cmpi ne, %convert_element_type3A_107, %cond3A_108 : i32
      scf.if %cond3A_109 {
        %add3A_152 = arith.constant 4 : i32
        %add3A_153 = arith.addi %add3A_92, %add3A_152 : i32
        %mul3A_154 = arith.constant 80 : i32
        %mul3A_155 = arith.muli %add3A, %mul3A_154 : i32
        %add3A_156 = arith.addi %mul3A_155, %add3A_153 : i32
        %mul3A_157 = arith.constant 128 : i32
        %mul3A_158 = arith.muli %add3A_156, %mul3A_157 : i32
        %dma_start3A_159 = tpu.memref_slice %arg3[%mul3A_158] : memref<327680xi32, #tpu.memory_space<hbm>> -> memref<128xi32, #tpu.memory_space<hbm>>
        %dma_start3A_160 = tpu.memref_slice %arg3[%mul3A_158] : memref<327680xi32, #tpu.memory_space<hbm>> -> memref<128xi32, #tpu.memory_space<hbm>>
        tpu.enqueue_dma source(%dma_start3A_160 : memref<128xi32, #tpu.memory_space<hbm>>) target(%arg8 : memref<128xi32, #tpu.memory_space<vmem>>) target_semaphore(%arg16 : memref<!tpu.dma_semaphore, #tpu.memory_space<semaphore_mem>>)
      } else {
      }
      %mul3A_110 = arith.constant 4 : i32
      %mul3A_111 = arith.muli %mul3A_110, %scan3A_70 : i32
      %add3A_112 = arith.constant 2 : i32
      %add3A_113 = arith.addi %mul3A_111, %add3A_112 : i32
      %add3A_114 = arith.constant 1 : i32
      %add3A_115 = arith.addi %add3A_113, %add3A_114 : i32
      %lt3A_116 = arith.constant 80 : i32
      %lt3A_117 = arith.cmpi slt, %add3A_115, %lt3A_116 : i32
      %convert_element_type3A_118 = arith.extui %lt3A_117 : i1 to i32
      %cond3A_119 = arith.constant 0 : i32
      %cond3A_120 = arith.cmpi ne, %convert_element_type3A_118, %cond3A_119 : i32
      scf.if %cond3A_120 {
        %add3A_152 = arith.constant 1 : i32
        %add3A_153 = arith.addi %add3A_113, %add3A_152 : i32
        %mul3A_154 = arith.constant 80 : i32
        %mul3A_155 = arith.muli %add3A, %mul3A_154 : i32
        %add3A_156 = arith.addi %mul3A_155, %add3A_153 : i32
        %mul3A_157 = arith.constant 128 : i32
        %mul3A_158 = arith.muli %add3A_156, %mul3A_157 : i32
        %dma_wait3A_159 = tpu.memref_slice %arg3[%mul3A_158] : memref<327680xi32, #tpu.memory_space<hbm>> -> memref<128xi32, #tpu.memory_space<hbm>>
        %dma_wait3A_160 = tpu.memref_slice %arg3[%mul3A_158] : memref<327680xi32, #tpu.memory_space<hbm>> -> memref<128xi32, #tpu.memory_space<hbm>>
        tpu.wait_dma2 semaphore(%arg18 : memref<!tpu.dma_semaphore, #tpu.memory_space<semaphore_mem>>) src(%dma_wait3A_160 : memref<128xi32, #tpu.memory_space<hbm>>) dst(%arg10 : memref<128xi32, #tpu.memory_space<vmem>>)
        %dma_start3A_161 = arith.constant 0 : i32
        %dma_start3A_162 = arith.constant 0 : i32
        %dma_start3A_163 = tpu.memref_slice %arg2[%dma_start3A_161, %dma_start3A_162] : memref<10000x128xf32, #tpu.memory_space<hbm>> -> memref<10000x128xf32, #tpu.memory_space<hbm>>
        tpu.enqueue_indirect_dma source(%dma_start3A_163 : memref<10000x128xf32, #tpu.memory_space<hbm>>) target(%arg13 : memref<128x128xf32, #tpu.memory_space<vmem>>) offsets(%arg10 : memref<128xi32, #tpu.memory_space<vmem>>) semaphore(%arg20 : memref<!tpu.dma_semaphore, #tpu.memory_space<semaphore_mem>>)
      } else {
      }
      %dma_wait3A_121 = arith.constant 0 : i32
      %dma_wait3A_122 = arith.constant 0 : i32
      %dma_wait3A_123 = tpu.memref_slice %arg2[%dma_wait3A_121, %dma_wait3A_122] : memref<10000x128xf32, #tpu.memory_space<hbm>> -> memref<10000x128xf32, #tpu.memory_space<hbm>>
      tpu.wait_indirect_dma semaphore(%arg19 : memref<!tpu.dma_semaphore, #tpu.memory_space<semaphore_mem>>) src(%dma_wait3A_123 : memref<10000x128xf32, #tpu.memory_space<hbm>>) dst(%arg12 : memref<128x128xf32, #tpu.memory_space<vmem>>)
      "tpu.region"() ({
        %run_scoped3A = tpu.sem_alloc : memref<!tpu.dma_semaphore, #tpu.memory_space<semaphore_mem>>
        %dma_start3A_152 = arith.constant 0 : i32
        %dma_start3A_153 = tpu.memref_slice %arg11[%add3A_113, %dma_start3A_152] : memref<80x128xi32, #tpu.memory_space<vmem>> -> memref<1x128xi32, #tpu.memory_space<vmem>>
        %dma_start3A_154 = tpu.memref_squeeze %dma_start3A_153 : memref<1x128xi32, #tpu.memory_space<vmem>> -> memref<128xi32, #tpu.memory_space<vmem>>
        %dma_start3A_155 = arith.constant 0 : i32
        %dma_start3A_156 = arith.constant 0 : i32
        %dma_start3A_157 = tpu.memref_slice %arg14[%dma_start3A_155, %dma_start3A_156] : memref<10240x128xf32, #tpu.memory_space<vmem_shared>> -> memref<10240x128xf32, #tpu.memory_space<vmem_shared>>
        tpu.enqueue_indirect_dma source(%arg12 : memref<128x128xf32, #tpu.memory_space<vmem>>) target(%dma_start3A_157 : memref<10240x128xf32, #tpu.memory_space<vmem_shared>>) offsets(%dma_start3A_154 : memref<128xi32, #tpu.memory_space<vmem>>) semaphore(%run_scoped3A : memref<!tpu.dma_semaphore, #tpu.memory_space<semaphore_mem>>) {add = true}
        %dma_wait3A_158 = arith.constant 0 : i32
        %dma_wait3A_159 = tpu.memref_slice %arg11[%add3A_113, %dma_wait3A_158] : memref<80x128xi32, #tpu.memory_space<vmem>> -> memref<1x128xi32, #tpu.memory_space<vmem>>
        %dma_wait3A_160 = tpu.memref_squeeze %dma_wait3A_159 : memref<1x128xi32, #tpu.memory_space<vmem>> -> memref<128xi32, #tpu.memory_space<vmem>>
        %dma_wait3A_161 = arith.constant 0 : i32
        %dma_wait3A_162 = arith.constant 0 : i32
        %dma_wait3A_163 = tpu.memref_slice %arg14[%dma_wait3A_161, %dma_wait3A_162] : memref<10240x128xf32, #tpu.memory_space<vmem_shared>> -> memref<10240x128xf32, #tpu.memory_space<vmem_shared>>
        tpu.wait_indirect_dma semaphore(%run_scoped3A : memref<!tpu.dma_semaphore, #tpu.memory_space<semaphore_mem>>) src(%arg12 : memref<128x128xf32, #tpu.memory_space<vmem>>) dst(%dma_wait3A_163 : memref<10240x128xf32, #tpu.memory_space<vmem_shared>>)
        tpu.yield
      }) : () -> ()
      %add3A_124 = arith.constant 4 : i32
      %add3A_125 = arith.addi %add3A_113, %add3A_124 : i32
      %lt3A_126 = arith.constant 80 : i32
      %lt3A_127 = arith.cmpi slt, %add3A_125, %lt3A_126 : i32
      %convert_element_type3A_128 = arith.extui %lt3A_127 : i1 to i32
      %cond3A_129 = arith.constant 0 : i32
      %cond3A_130 = arith.cmpi ne, %convert_element_type3A_128, %cond3A_129 : i32
      scf.if %cond3A_130 {
        %add3A_152 = arith.constant 4 : i32
        %add3A_153 = arith.addi %add3A_113, %add3A_152 : i32
        %mul3A_154 = arith.constant 80 : i32
        %mul3A_155 = arith.muli %add3A, %mul3A_154 : i32
        %add3A_156 = arith.addi %mul3A_155, %add3A_153 : i32
        %mul3A_157 = arith.constant 128 : i32
        %mul3A_158 = arith.muli %add3A_156, %mul3A_157 : i32
        %dma_start3A_159 = tpu.memref_slice %arg3[%mul3A_158] : memref<327680xi32, #tpu.memory_space<hbm>> -> memref<128xi32, #tpu.memory_space<hbm>>
        %dma_start3A_160 = tpu.memref_slice %arg3[%mul3A_158] : memref<327680xi32, #tpu.memory_space<hbm>> -> memref<128xi32, #tpu.memory_space<hbm>>
        tpu.enqueue_dma source(%dma_start3A_160 : memref<128xi32, #tpu.memory_space<hbm>>) target(%arg9 : memref<128xi32, #tpu.memory_space<vmem>>) target_semaphore(%arg17 : memref<!tpu.dma_semaphore, #tpu.memory_space<semaphore_mem>>)
      } else {
      }
      %mul3A_131 = arith.constant 4 : i32
      %mul3A_132 = arith.muli %mul3A_131, %scan3A_70 : i32
      %add3A_133 = arith.constant 3 : i32
      %add3A_134 = arith.addi %mul3A_132, %add3A_133 : i32
      %add3A_135 = arith.constant 1 : i32
      %add3A_136 = arith.addi %add3A_134, %add3A_135 : i32
      %lt3A_137 = arith.constant 80 : i32
      %lt3A_138 = arith.cmpi slt, %add3A_136, %lt3A_137 : i32
      %convert_element_type3A_139 = arith.extui %lt3A_138 : i1 to i32
      %cond3A_140 = arith.constant 0 : i32
      %cond3A_141 = arith.cmpi ne, %convert_element_type3A_139, %cond3A_140 : i32
      scf.if %cond3A_141 {
        %add3A_152 = arith.constant 1 : i32
        %add3A_153 = arith.addi %add3A_134, %add3A_152 : i32
        %mul3A_154 = arith.constant 80 : i32
        %mul3A_155 = arith.muli %add3A, %mul3A_154 : i32
        %add3A_156 = arith.addi %mul3A_155, %add3A_153 : i32
        %mul3A_157 = arith.constant 128 : i32
        %mul3A_158 = arith.muli %add3A_156, %mul3A_157 : i32
        %dma_wait3A_159 = tpu.memref_slice %arg3[%mul3A_158] : memref<327680xi32, #tpu.memory_space<hbm>> -> memref<128xi32, #tpu.memory_space<hbm>>
        %dma_wait3A_160 = tpu.memref_slice %arg3[%mul3A_158] : memref<327680xi32, #tpu.memory_space<hbm>> -> memref<128xi32, #tpu.memory_space<hbm>>
        tpu.wait_dma2 semaphore(%arg15 : memref<!tpu.dma_semaphore, #tpu.memory_space<semaphore_mem>>) src(%dma_wait3A_160 : memref<128xi32, #tpu.memory_space<hbm>>) dst(%arg7 : memref<128xi32, #tpu.memory_space<vmem>>)
        %dma_start3A_161 = arith.constant 0 : i32
        %dma_start3A_162 = arith.constant 0 : i32
        %dma_start3A_163 = tpu.memref_slice %arg2[%dma_start3A_161, %dma_start3A_162] : memref<10000x128xf32, #tpu.memory_space<hbm>> -> memref<10000x128xf32, #tpu.memory_space<hbm>>
        tpu.enqueue_indirect_dma source(%dma_start3A_163 : memref<10000x128xf32, #tpu.memory_space<hbm>>) target(%arg12 : memref<128x128xf32, #tpu.memory_space<vmem>>) offsets(%arg7 : memref<128xi32, #tpu.memory_space<vmem>>) semaphore(%arg19 : memref<!tpu.dma_semaphore, #tpu.memory_space<semaphore_mem>>)
      } else {
      }
      %dma_wait3A_142 = arith.constant 0 : i32
      %dma_wait3A_143 = arith.constant 0 : i32
      %dma_wait3A_144 = tpu.memref_slice %arg2[%dma_wait3A_142, %dma_wait3A_143] : memref<10000x128xf32, #tpu.memory_space<hbm>> -> memref<10000x128xf32, #tpu.memory_space<hbm>>
      tpu.wait_indirect_dma semaphore(%arg20 : memref<!tpu.dma_semaphore, #tpu.memory_space<semaphore_mem>>) src(%dma_wait3A_144 : memref<10000x128xf32, #tpu.memory_space<hbm>>) dst(%arg13 : memref<128x128xf32, #tpu.memory_space<vmem>>)
      "tpu.region"() ({
        %run_scoped3A = tpu.sem_alloc : memref<!tpu.dma_semaphore, #tpu.memory_space<semaphore_mem>>
        %dma_start3A_152 = arith.constant 0 : i32
        %dma_start3A_153 = tpu.memref_slice %arg11[%add3A_134, %dma_start3A_152] : memref<80x128xi32, #tpu.memory_space<vmem>> -> memref<1x128xi32, #tpu.memory_space<vmem>>
        %dma_start3A_154 = tpu.memref_squeeze %dma_start3A_153 : memref<1x128xi32, #tpu.memory_space<vmem>> -> memref<128xi32, #tpu.memory_space<vmem>>
        %dma_start3A_155 = arith.constant 0 : i32
        %dma_start3A_156 = arith.constant 0 : i32
        %dma_start3A_157 = tpu.memref_slice %arg14[%dma_start3A_155, %dma_start3A_156] : memref<10240x128xf32, #tpu.memory_space<vmem_shared>> -> memref<10240x128xf32, #tpu.memory_space<vmem_shared>>
        tpu.enqueue_indirect_dma source(%arg13 : memref<128x128xf32, #tpu.memory_space<vmem>>) target(%dma_start3A_157 : memref<10240x128xf32, #tpu.memory_space<vmem_shared>>) offsets(%dma_start3A_154 : memref<128xi32, #tpu.memory_space<vmem>>) semaphore(%run_scoped3A : memref<!tpu.dma_semaphore, #tpu.memory_space<semaphore_mem>>) {add = true}
        %dma_wait3A_158 = arith.constant 0 : i32
        %dma_wait3A_159 = tpu.memref_slice %arg11[%add3A_134, %dma_wait3A_158] : memref<80x128xi32, #tpu.memory_space<vmem>> -> memref<1x128xi32, #tpu.memory_space<vmem>>
        %dma_wait3A_160 = tpu.memref_squeeze %dma_wait3A_159 : memref<1x128xi32, #tpu.memory_space<vmem>> -> memref<128xi32, #tpu.memory_space<vmem>>
        %dma_wait3A_161 = arith.constant 0 : i32
        %dma_wait3A_162 = arith.constant 0 : i32
        %dma_wait3A_163 = tpu.memref_slice %arg14[%dma_wait3A_161, %dma_wait3A_162] : memref<10240x128xf32, #tpu.memory_space<vmem_shared>> -> memref<10240x128xf32, #tpu.memory_space<vmem_shared>>
        tpu.wait_indirect_dma semaphore(%run_scoped3A : memref<!tpu.dma_semaphore, #tpu.memory_space<semaphore_mem>>) src(%arg13 : memref<128x128xf32, #tpu.memory_space<vmem>>) dst(%dma_wait3A_163 : memref<10240x128xf32, #tpu.memory_space<vmem_shared>>)
        tpu.yield
      }) : () -> ()
      %add3A_145 = arith.constant 4 : i32
      %add3A_146 = arith.addi %add3A_134, %add3A_145 : i32
      %lt3A_147 = arith.constant 80 : i32
      %lt3A_148 = arith.cmpi slt, %add3A_146, %lt3A_147 : i32
      %convert_element_type3A_149 = arith.extui %lt3A_148 : i1 to i32
      %cond3A_150 = arith.constant 0 : i32
      %cond3A_151 = arith.cmpi ne, %convert_element_type3A_149, %cond3A_150 : i32
      scf.if %cond3A_151 {
        %add3A_152 = arith.constant 4 : i32
        %add3A_153 = arith.addi %add3A_134, %add3A_152 : i32
        %mul3A_154 = arith.constant 80 : i32
        %mul3A_155 = arith.muli %add3A, %mul3A_154 : i32
        %add3A_156 = arith.addi %mul3A_155, %add3A_153 : i32
        %mul3A_157 = arith.constant 128 : i32
        %mul3A_158 = arith.muli %add3A_156, %mul3A_157 : i32
        %dma_start3A_159 = tpu.memref_slice %arg3[%mul3A_158] : memref<327680xi32, #tpu.memory_space<hbm>> -> memref<128xi32, #tpu.memory_space<hbm>>
        %dma_start3A_160 = tpu.memref_slice %arg3[%mul3A_158] : memref<327680xi32, #tpu.memory_space<hbm>> -> memref<128xi32, #tpu.memory_space<hbm>>
        tpu.enqueue_dma source(%dma_start3A_160 : memref<128xi32, #tpu.memory_space<hbm>>) target(%arg10 : memref<128xi32, #tpu.memory_space<vmem>>) target_semaphore(%arg18 : memref<!tpu.dma_semaphore, #tpu.memory_space<semaphore_mem>>)
      } else {
      }
    }
    %scan3A_58 = arith.constant 20 : i32
    %barrier3A_59 = arith.constant 0 : index
    tpu.barrier barrier_id(%barrier3A_59)
    %add3A_60 = arith.constant 0 : i32
    %add3A_61 = arith.addi %mul3A_2, %add3A_60 : i32
    "tpu.region"() ({
      %run_scoped3A = tpu.sem_alloc : memref<!tpu.dma_semaphore, #tpu.memory_space<semaphore_mem>>
      %dma_start3A_70 = arith.constant 0 : i32
      %dma_start3A_71 = tpu.memref_slice %arg14[%add3A_61, %dma_start3A_70] : memref<10240x128xf32, #tpu.memory_space<vmem_shared>> -> memref<128x128xf32, #tpu.memory_space<vmem_shared>>
      %dma_start3A_72 = arith.constant 0 : i32
      %dma_start3A_73 = tpu.memref_slice %arg14[%add3A_61, %dma_start3A_72] : memref<10240x128xf32, #tpu.memory_space<vmem_shared>> -> memref<128x128xf32, #tpu.memory_space<vmem_shared>>
      tpu.enqueue_dma source(%dma_start3A_73 : memref<128x128xf32, #tpu.memory_space<vmem_shared>>) target(%arg12 : memref<128x128xf32, #tpu.memory_space<vmem>>) target_semaphore(%run_scoped3A : memref<!tpu.dma_semaphore, #tpu.memory_space<semaphore_mem>>)
      %dma_wait3A_74 = arith.constant 0 : i32
      %dma_wait3A_75 = tpu.memref_slice %arg14[%add3A_61, %dma_wait3A_74] : memref<10240x128xf32, #tpu.memory_space<vmem_shared>> -> memref<128x128xf32, #tpu.memory_space<vmem_shared>>
      %dma_wait3A_76 = arith.constant 0 : i32
      %dma_wait3A_77 = tpu.memref_slice %arg14[%add3A_61, %dma_wait3A_76] : memref<10240x128xf32, #tpu.memory_space<vmem_shared>> -> memref<128x128xf32, #tpu.memory_space<vmem_shared>>
      tpu.wait_dma2 semaphore(%run_scoped3A : memref<!tpu.dma_semaphore, #tpu.memory_space<semaphore_mem>>) src(%dma_wait3A_77 : memref<128x128xf32, #tpu.memory_space<vmem_shared>>) dst(%arg12 : memref<128x128xf32, #tpu.memory_space<vmem>>)
      tpu.yield
    }) : () -> ()
    "tpu.region"() ({
      %run_scoped3A = tpu.sem_alloc : memref<!tpu.dma_semaphore, #tpu.memory_space<semaphore_mem>>
      %dma_start3A_70 = arith.constant 0 : i32
      %dma_start3A_71 = tpu.memref_slice %arg6[%arg0, %add3A_61, %dma_start3A_70] : memref<2x10240x128xf32, #tpu.memory_space<hbm>> -> memref<1x128x128xf32, #tpu.memory_space<hbm>>
      %dma_start3A_72 = tpu.memref_squeeze %dma_start3A_71 : memref<1x128x128xf32, #tpu.memory_space<hbm>> -> memref<128x128xf32, #tpu.memory_space<hbm>>
      %dma_start3A_73 = arith.constant 0 : i32
      %dma_start3A_74 = tpu.memref_slice %arg6[%arg0, %add3A_61, %dma_start3A_73] : memref<2x10240x128xf32, #tpu.memory_space<hbm>> -> memref<1x128x128xf32, #tpu.memory_space<hbm>>
      %dma_start3A_75 = tpu.memref_squeeze %dma_start3A_74 : memref<1x128x128xf32, #tpu.memory_space<hbm>> -> memref<128x128xf32, #tpu.memory_space<hbm>>
      tpu.enqueue_dma source(%arg12 : memref<128x128xf32, #tpu.memory_space<vmem>>) target(%dma_start3A_75 : memref<128x128xf32, #tpu.memory_space<hbm>>) target_semaphore(%run_scoped3A : memref<!tpu.dma_semaphore, #tpu.memory_space<semaphore_mem>>)
      %dma_wait3A_76 = arith.constant 0 : i32
      %dma_wait3A_77 = tpu.memref_slice %arg6[%arg0, %add3A_61, %dma_wait3A_76] : memref<2x10240x128xf32, #tpu.memory_space<hbm>> -> memref<1x128x128xf32, #tpu.memory_space<hbm>>
      %dma_wait3A_78 = tpu.memref_squeeze %dma_wait3A_77 : memref<1x128x128xf32, #tpu.memory_space<hbm>> -> memref<128x128xf32, #tpu.memory_space<hbm>>
      %dma_wait3A_79 = arith.constant 0 : i32
      %dma_wait3A_80 = tpu.memref_slice %arg6[%arg0, %add3A_61, %dma_wait3A_79] : memref<2x10240x128xf32, #tpu.memory_space<hbm>> -> memref<1x128x128xf32, #tpu.memory_space<hbm>>
      %dma_wait3A_81 = tpu.memref_squeeze %dma_wait3A_80 : memref<1x128x128xf32, #tpu.memory_space<hbm>> -> memref<128x128xf32, #tpu.memory_space<hbm>>
      tpu.wait_dma2 semaphore(%run_scoped3A : memref<!tpu.dma_semaphore, #tpu.memory_space<semaphore_mem>>) src(%arg12 : memref<128x128xf32, #tpu.memory_space<vmem>>) dst(%dma_wait3A_81 : memref<128x128xf32, #tpu.memory_space<hbm>>)
      tpu.yield
    }) : () -> ()
    %add3A_62 = arith.constant 128 : i32
    %add3A_63 = arith.addi %mul3A_2, %add3A_62 : i32
    "tpu.region"() ({
      %run_scoped3A = tpu.sem_alloc : memref<!tpu.dma_semaphore, #tpu.memory_space<semaphore_mem>>
      %dma_start3A_70 = arith.constant 0 : i32
      %dma_start3A_71 = tpu.memref_slice %arg14[%add3A_63, %dma_start3A_70] : memref<10240x128xf32, #tpu.memory_space<vmem_shared>> -> memref<128x128xf32, #tpu.memory_space<vmem_shared>>
      %dma_start3A_72 = arith.constant 0 : i32
      %dma_start3A_73 = tpu.memref_slice %arg14[%add3A_63, %dma_start3A_72] : memref<10240x128xf32, #tpu.memory_space<vmem_shared>> -> memref<128x128xf32, #tpu.memory_space<vmem_shared>>
      tpu.enqueue_dma source(%dma_start3A_73 : memref<128x128xf32, #tpu.memory_space<vmem_shared>>) target(%arg12 : memref<128x128xf32, #tpu.memory_space<vmem>>) target_semaphore(%run_scoped3A : memref<!tpu.dma_semaphore, #tpu.memory_space<semaphore_mem>>)
      %dma_wait3A_74 = arith.constant 0 : i32
      %dma_wait3A_75 = tpu.memref_slice %arg14[%add3A_63, %dma_wait3A_74] : memref<10240x128xf32, #tpu.memory_space<vmem_shared>> -> memref<128x128xf32, #tpu.memory_space<vmem_shared>>
      %dma_wait3A_76 = arith.constant 0 : i32
      %dma_wait3A_77 = tpu.memref_slice %arg14[%add3A_63, %dma_wait3A_76] : memref<10240x128xf32, #tpu.memory_space<vmem_shared>> -> memref<128x128xf32, #tpu.memory_space<vmem_shared>>
      tpu.wait_dma2 semaphore(%run_scoped3A : memref<!tpu.dma_semaphore, #tpu.memory_space<semaphore_mem>>) src(%dma_wait3A_77 : memref<128x128xf32, #tpu.memory_space<vmem_shared>>) dst(%arg12 : memref<128x128xf32, #tpu.memory_space<vmem>>)
      tpu.yield
    }) : () -> ()
    "tpu.region"() ({
      %run_scoped3A = tpu.sem_alloc : memref<!tpu.dma_semaphore, #tpu.memory_space<semaphore_mem>>
      %dma_start3A_70 = arith.constant 0 : i32
      %dma_start3A_71 = tpu.memref_slice %arg6[%arg0, %add3A_63, %dma_start3A_70] : memref<2x10240x128xf32, #tpu.memory_space<hbm>> -> memref<1x128x128xf32, #tpu.memory_space<hbm>>
      %dma_start3A_72 = tpu.memref_squeeze %dma_start3A_71 : memref<1x128x128xf32, #tpu.memory_space<hbm>> -> memref<128x128xf32, #tpu.memory_space<hbm>>
      %dma_start3A_73 = arith.constant 0 : i32
      %dma_start3A_74 = tpu.memref_slice %arg6[%arg0, %add3A_63, %dma_start3A_73] : memref<2x10240x128xf32, #tpu.memory_space<hbm>> -> memref<1x128x128xf32, #tpu.memory_space<hbm>>
      %dma_start3A_75 = tpu.memref_squeeze %dma_start3A_74 : memref<1x128x128xf32, #tpu.memory_space<hbm>> -> memref<128x128xf32, #tpu.memory_space<hbm>>
      tpu.enqueue_dma source(%arg12 : memref<128x128xf32, #tpu.memory_space<vmem>>) target(%dma_start3A_75 : memref<128x128xf32, #tpu.memory_space<hbm>>) target_semaphore(%run_scoped3A : memref<!tpu.dma_semaphore, #tpu.memory_space<semaphore_mem>>)
      %dma_wait3A_76 = arith.constant 0 : i32
      %dma_wait3A_77 = tpu.memref_slice %arg6[%arg0, %add3A_63, %dma_wait3A_76] : memref<2x10240x128xf32, #tpu.memory_space<hbm>> -> memref<1x128x128xf32, #tpu.memory_space<hbm>>
      %dma_wait3A_78 = tpu.memref_squeeze %dma_wait3A_77 : memref<1x128x128xf32, #tpu.memory_space<hbm>> -> memref<128x128xf32, #tpu.memory_space<hbm>>
      %dma_wait3A_79 = arith.constant 0 : i32
      %dma_wait3A_80 = tpu.memref_slice %arg6[%arg0, %add3A_63, %dma_wait3A_79] : memref<2x10240x128xf32, #tpu.memory_space<hbm>> -> memref<1x128x128xf32, #tpu.memory_space<hbm>>
      %dma_wait3A_81 = tpu.memref_squeeze %dma_wait3A_80 : memref<1x128x128xf32, #tpu.memory_space<hbm>> -> memref<128x128xf32, #tpu.memory_space<hbm>>
      tpu.wait_dma2 semaphore(%run_scoped3A : memref<!tpu.dma_semaphore, #tpu.memory_space<semaphore_mem>>) src(%arg12 : memref<128x128xf32, #tpu.memory_space<vmem>>) dst(%dma_wait3A_81 : memref<128x128xf32, #tpu.memory_space<hbm>>)
      tpu.yield
    }) : () -> ()
    %add3A_64 = arith.constant 256 : i32
    %add3A_65 = arith.addi %mul3A_2, %add3A_64 : i32
    "tpu.region"() ({
      %run_scoped3A = tpu.sem_alloc : memref<!tpu.dma_semaphore, #tpu.memory_space<semaphore_mem>>
      %dma_start3A_70 = arith.constant 0 : i32
      %dma_start3A_71 = tpu.memref_slice %arg14[%add3A_65, %dma_start3A_70] : memref<10240x128xf32, #tpu.memory_space<vmem_shared>> -> memref<128x128xf32, #tpu.memory_space<vmem_shared>>
      %dma_start3A_72 = arith.constant 0 : i32
      %dma_start3A_73 = tpu.memref_slice %arg14[%add3A_65, %dma_start3A_72] : memref<10240x128xf32, #tpu.memory_space<vmem_shared>> -> memref<128x128xf32, #tpu.memory_space<vmem_shared>>
      tpu.enqueue_dma source(%dma_start3A_73 : memref<128x128xf32, #tpu.memory_space<vmem_shared>>) target(%arg12 : memref<128x128xf32, #tpu.memory_space<vmem>>) target_semaphore(%run_scoped3A : memref<!tpu.dma_semaphore, #tpu.memory_space<semaphore_mem>>)
      %dma_wait3A_74 = arith.constant 0 : i32
      %dma_wait3A_75 = tpu.memref_slice %arg14[%add3A_65, %dma_wait3A_74] : memref<10240x128xf32, #tpu.memory_space<vmem_shared>> -> memref<128x128xf32, #tpu.memory_space<vmem_shared>>
      %dma_wait3A_76 = arith.constant 0 : i32
      %dma_wait3A_77 = tpu.memref_slice %arg14[%add3A_65, %dma_wait3A_76] : memref<10240x128xf32, #tpu.memory_space<vmem_shared>> -> memref<128x128xf32, #tpu.memory_space<vmem_shared>>
      tpu.wait_dma2 semaphore(%run_scoped3A : memref<!tpu.dma_semaphore, #tpu.memory_space<semaphore_mem>>) src(%dma_wait3A_77 : memref<128x128xf32, #tpu.memory_space<vmem_shared>>) dst(%arg12 : memref<128x128xf32, #tpu.memory_space<vmem>>)
      tpu.yield
    }) : () -> ()
    "tpu.region"() ({
      %run_scoped3A = tpu.sem_alloc : memref<!tpu.dma_semaphore, #tpu.memory_space<semaphore_mem>>
      %dma_start3A_70 = arith.constant 0 : i32
      %dma_start3A_71 = tpu.memref_slice %arg6[%arg0, %add3A_65, %dma_start3A_70] : memref<2x10240x128xf32, #tpu.memory_space<hbm>> -> memref<1x128x128xf32, #tpu.memory_space<hbm>>
      %dma_start3A_72 = tpu.memref_squeeze %dma_start3A_71 : memref<1x128x128xf32, #tpu.memory_space<hbm>> -> memref<128x128xf32, #tpu.memory_space<hbm>>
      %dma_start3A_73 = arith.constant 0 : i32
      %dma_start3A_74 = tpu.memref_slice %arg6[%arg0, %add3A_65, %dma_start3A_73] : memref<2x10240x128xf32, #tpu.memory_space<hbm>> -> memref<1x128x128xf32, #tpu.memory_space<hbm>>
      %dma_start3A_75 = tpu.memref_squeeze %dma_start3A_74 : memref<1x128x128xf32, #tpu.memory_space<hbm>> -> memref<128x128xf32, #tpu.memory_space<hbm>>
      tpu.enqueue_dma source(%arg12 : memref<128x128xf32, #tpu.memory_space<vmem>>) target(%dma_start3A_75 : memref<128x128xf32, #tpu.memory_space<hbm>>) target_semaphore(%run_scoped3A : memref<!tpu.dma_semaphore, #tpu.memory_space<semaphore_mem>>)
      %dma_wait3A_76 = arith.constant 0 : i32
      %dma_wait3A_77 = tpu.memref_slice %arg6[%arg0, %add3A_65, %dma_wait3A_76] : memref<2x10240x128xf32, #tpu.memory_space<hbm>> -> memref<1x128x128xf32, #tpu.memory_space<hbm>>
      %dma_wait3A_78 = tpu.memref_squeeze %dma_wait3A_77 : memref<1x128x128xf32, #tpu.memory_space<hbm>> -> memref<128x128xf32, #tpu.memory_space<hbm>>
      %dma_wait3A_79 = arith.constant 0 : i32
      %dma_wait3A_80 = tpu.memref_slice %arg6[%arg0, %add3A_65, %dma_wait3A_79] : memref<2x10240x128xf32, #tpu.memory_space<hbm>> -> memref<1x128x128xf32, #tpu.memory_space<hbm>>
      %dma_wait3A_81 = tpu.memref_squeeze %dma_wait3A_80 : memref<1x128x128xf32, #tpu.memory_space<hbm>> -> memref<128x128xf32, #tpu.memory_space<hbm>>
      tpu.wait_dma2 semaphore(%run_scoped3A : memref<!tpu.dma_semaphore, #tpu.memory_space<semaphore_mem>>) src(%arg12 : memref<128x128xf32, #tpu.memory_space<vmem>>) dst(%dma_wait3A_81 : memref<128x128xf32, #tpu.memory_space<hbm>>)
      tpu.yield
    }) : () -> ()
    %add3A_66 = arith.constant 384 : i32
    %add3A_67 = arith.addi %mul3A_2, %add3A_66 : i32
    "tpu.region"() ({
      %run_scoped3A = tpu.sem_alloc : memref<!tpu.dma_semaphore, #tpu.memory_space<semaphore_mem>>
      %dma_start3A_70 = arith.constant 0 : i32
      %dma_start3A_71 = tpu.memref_slice %arg14[%add3A_67, %dma_start3A_70] : memref<10240x128xf32, #tpu.memory_space<vmem_shared>> -> memref<128x128xf32, #tpu.memory_space<vmem_shared>>
      %dma_start3A_72 = arith.constant 0 : i32
      %dma_start3A_73 = tpu.memref_slice %arg14[%add3A_67, %dma_start3A_72] : memref<10240x128xf32, #tpu.memory_space<vmem_shared>> -> memref<128x128xf32, #tpu.memory_space<vmem_shared>>
      tpu.enqueue_dma source(%dma_start3A_73 : memref<128x128xf32, #tpu.memory_space<vmem_shared>>) target(%arg12 : memref<128x128xf32, #tpu.memory_space<vmem>>) target_semaphore(%run_scoped3A : memref<!tpu.dma_semaphore, #tpu.memory_space<semaphore_mem>>)
      %dma_wait3A_74 = arith.constant 0 : i32
      %dma_wait3A_75 = tpu.memref_slice %arg14[%add3A_67, %dma_wait3A_74] : memref<10240x128xf32, #tpu.memory_space<vmem_shared>> -> memref<128x128xf32, #tpu.memory_space<vmem_shared>>
      %dma_wait3A_76 = arith.constant 0 : i32
      %dma_wait3A_77 = tpu.memref_slice %arg14[%add3A_67, %dma_wait3A_76] : memref<10240x128xf32, #tpu.memory_space<vmem_shared>> -> memref<128x128xf32, #tpu.memory_space<vmem_shared>>
      tpu.wait_dma2 semaphore(%run_scoped3A : memref<!tpu.dma_semaphore, #tpu.memory_space<semaphore_mem>>) src(%dma_wait3A_77 : memref<128x128xf32, #tpu.memory_space<vmem_shared>>) dst(%arg12 : memref<128x128xf32, #tpu.memory_space<vmem>>)
      tpu.yield
    }) : () -> ()
    "tpu.region"() ({
      %run_scoped3A = tpu.sem_alloc : memref<!tpu.dma_semaphore, #tpu.memory_space<semaphore_mem>>
      %dma_start3A_70 = arith.constant 0 : i32
      %dma_start3A_71 = tpu.memref_slice %arg6[%arg0, %add3A_67, %dma_start3A_70] : memref<2x10240x128xf32, #tpu.memory_space<hbm>> -> memref<1x128x128xf32, #tpu.memory_space<hbm>>
      %dma_start3A_72 = tpu.memref_squeeze %dma_start3A_71 : memref<1x128x128xf32, #tpu.memory_space<hbm>> -> memref<128x128xf32, #tpu.memory_space<hbm>>
      %dma_start3A_73 = arith.constant 0 : i32
      %dma_start3A_74 = tpu.memref_slice %arg6[%arg0, %add3A_67, %dma_start3A_73] : memref<2x10240x128xf32, #tpu.memory_space<hbm>> -> memref<1x128x128xf32, #tpu.memory_space<hbm>>
      %dma_start3A_75 = tpu.memref_squeeze %dma_start3A_74 : memref<1x128x128xf32, #tpu.memory_space<hbm>> -> memref<128x128xf32, #tpu.memory_space<hbm>>
      tpu.enqueue_dma source(%arg12 : memref<128x128xf32, #tpu.memory_space<vmem>>) target(%dma_start3A_75 : memref<128x128xf32, #tpu.memory_space<hbm>>) target_semaphore(%run_scoped3A : memref<!tpu.dma_semaphore, #tpu.memory_space<semaphore_mem>>)
      %dma_wait3A_76 = arith.constant 0 : i32
      %dma_wait3A_77 = tpu.memref_slice %arg6[%arg0, %add3A_67, %dma_wait3A_76] : memref<2x10240x128xf32, #tpu.memory_space<hbm>> -> memref<1x128x128xf32, #tpu.memory_space<hbm>>
      %dma_wait3A_78 = tpu.memref_squeeze %dma_wait3A_77 : memref<1x128x128xf32, #tpu.memory_space<hbm>> -> memref<128x128xf32, #tpu.memory_space<hbm>>
      %dma_wait3A_79 = arith.constant 0 : i32
      %dma_wait3A_80 = tpu.memref_slice %arg6[%arg0, %add3A_67, %dma_wait3A_79] : memref<2x10240x128xf32, #tpu.memory_space<hbm>> -> memref<1x128x128xf32, #tpu.memory_space<hbm>>
      %dma_wait3A_81 = tpu.memref_squeeze %dma_wait3A_80 : memref<1x128x128xf32, #tpu.memory_space<hbm>> -> memref<128x128xf32, #tpu.memory_space<hbm>>
      tpu.wait_dma2 semaphore(%run_scoped3A : memref<!tpu.dma_semaphore, #tpu.memory_space<semaphore_mem>>) src(%arg12 : memref<128x128xf32, #tpu.memory_space<vmem>>) dst(%dma_wait3A_81 : memref<128x128xf32, #tpu.memory_space<hbm>>)
      tpu.yield
    }) : () -> ()
    %add3A_68 = arith.constant 512 : i32
    %add3A_69 = arith.addi %mul3A_2, %add3A_68 : i32
    "tpu.region"() ({
      %run_scoped3A = tpu.sem_alloc : memref<!tpu.dma_semaphore, #tpu.memory_space<semaphore_mem>>
      %dma_start3A_70 = arith.constant 0 : i32
      %dma_start3A_71 = tpu.memref_slice %arg14[%add3A_69, %dma_start3A_70] : memref<10240x128xf32, #tpu.memory_space<vmem_shared>> -> memref<128x128xf32, #tpu.memory_space<vmem_shared>>
      %dma_start3A_72 = arith.constant 0 : i32
      %dma_start3A_73 = tpu.memref_slice %arg14[%add3A_69, %dma_start3A_72] : memref<10240x128xf32, #tpu.memory_space<vmem_shared>> -> memref<128x128xf32, #tpu.memory_space<vmem_shared>>
      tpu.enqueue_dma source(%dma_start3A_73 : memref<128x128xf32, #tpu.memory_space<vmem_shared>>) target(%arg12 : memref<128x128xf32, #tpu.memory_space<vmem>>) target_semaphore(%run_scoped3A : memref<!tpu.dma_semaphore, #tpu.memory_space<semaphore_mem>>)
      %dma_wait3A_74 = arith.constant 0 : i32
      %dma_wait3A_75 = tpu.memref_slice %arg14[%add3A_69, %dma_wait3A_74] : memref<10240x128xf32, #tpu.memory_space<vmem_shared>> -> memref<128x128xf32, #tpu.memory_space<vmem_shared>>
      %dma_wait3A_76 = arith.constant 0 : i32
      %dma_wait3A_77 = tpu.memref_slice %arg14[%add3A_69, %dma_wait3A_76] : memref<10240x128xf32, #tpu.memory_space<vmem_shared>> -> memref<128x128xf32, #tpu.memory_space<vmem_shared>>
      tpu.wait_dma2 semaphore(%run_scoped3A : memref<!tpu.dma_semaphore, #tpu.memory_space<semaphore_mem>>) src(%dma_wait3A_77 : memref<128x128xf32, #tpu.memory_space<vmem_shared>>) dst(%arg12 : memref<128x128xf32, #tpu.memory_space<vmem>>)
      tpu.yield
    }) : () -> ()
    "tpu.region"() ({
      %run_scoped3A = tpu.sem_alloc : memref<!tpu.dma_semaphore, #tpu.memory_space<semaphore_mem>>
      %dma_start3A_70 = arith.constant 0 : i32
      %dma_start3A_71 = tpu.memref_slice %arg6[%arg0, %add3A_69, %dma_start3A_70] : memref<2x10240x128xf32, #tpu.memory_space<hbm>> -> memref<1x128x128xf32, #tpu.memory_space<hbm>>
      %dma_start3A_72 = tpu.memref_squeeze %dma_start3A_71 : memref<1x128x128xf32, #tpu.memory_space<hbm>> -> memref<128x128xf32, #tpu.memory_space<hbm>>
      %dma_start3A_73 = arith.constant 0 : i32
      %dma_start3A_74 = tpu.memref_slice %arg6[%arg0, %add3A_69, %dma_start3A_73] : memref<2x10240x128xf32, #tpu.memory_space<hbm>> -> memref<1x128x128xf32, #tpu.memory_space<hbm>>
      %dma_start3A_75 = tpu.memref_squeeze %dma_start3A_74 : memref<1x128x128xf32, #tpu.memory_space<hbm>> -> memref<128x128xf32, #tpu.memory_space<hbm>>
      tpu.enqueue_dma source(%arg12 : memref<128x128xf32, #tpu.memory_space<vmem>>) target(%dma_start3A_75 : memref<128x128xf32, #tpu.memory_space<hbm>>) target_semaphore(%run_scoped3A : memref<!tpu.dma_semaphore, #tpu.memory_space<semaphore_mem>>)
      %dma_wait3A_76 = arith.constant 0 : i32
      %dma_wait3A_77 = tpu.memref_slice %arg6[%arg0, %add3A_69, %dma_wait3A_76] : memref<2x10240x128xf32, #tpu.memory_space<hbm>> -> memref<1x128x128xf32, #tpu.memory_space<hbm>>
      %dma_wait3A_78 = tpu.memref_squeeze %dma_wait3A_77 : memref<1x128x128xf32, #tpu.memory_space<hbm>> -> memref<128x128xf32, #tpu.memory_space<hbm>>
      %dma_wait3A_79 = arith.constant 0 : i32
      %dma_wait3A_80 = tpu.memref_slice %arg6[%arg0, %add3A_69, %dma_wait3A_79] : memref<2x10240x128xf32, #tpu.memory_space<hbm>> -> memref<1x128x128xf32, #tpu.memory_space<hbm>>
      %dma_wait3A_81 = tpu.memref_squeeze %dma_wait3A_80 : memref<1x128x128xf32, #tpu.memory_space<hbm>> -> memref<128x128xf32, #tpu.memory_space<hbm>>
      tpu.wait_dma2 semaphore(%run_scoped3A : memref<!tpu.dma_semaphore, #tpu.memory_space<semaphore_mem>>) src(%arg12 : memref<128x128xf32, #tpu.memory_space<vmem>>) dst(%dma_wait3A_81 : memref<128x128xf32, #tpu.memory_space<hbm>>)
      tpu.yield
    }) : () -> ()
    return
  }
}

#map = affine_map<(d0, d1) -> (0, 0)>
#map1 = affine_map<(d0, d1) -> (0)>
#map2 = affine_map<(d0, d1) -> (0, 0, 0)>
module attributes {stable_mosaic.version = 14 : i64} {
  func.func @_seg_body(%arg0: i32, %arg1: i32, %arg2: memref<10000x128xf32, #tpu.memory_space<hbm>>, %arg3: memref<327680xi32, #tpu.memory_space<hbm>>, %arg4: memref<32x80x128xi32, #tpu.memory_space<hbm>>, %arg5: memref<128x128xf32, #tpu.memory_space<hbm>>, %arg6: memref<128x128xf32, #tpu.memory_space<hbm>>, %arg7: memref<2x10240x128xf32, #tpu.memory_space<hbm>>, %arg8: memref<2x10240x128xf32, #tpu.memory_space<hbm>>, %arg9: memref<128xi32, #tpu.memory_space<vmem>>, %arg10: memref<128xi32, #tpu.memory_space<vmem>>, %arg11: memref<128xi32, #tpu.memory_space<vmem>>, %arg12: memref<128xi32, #tpu.memory_space<vmem>>, %arg13: memref<80x128xi32, #tpu.memory_space<vmem>>, %arg14: memref<128x128xf32, #tpu.memory_space<vmem>>, %arg15: memref<128x128xf32, #tpu.memory_space<vmem>>, %arg16: memref<10240x128xf32, #tpu.memory_space<vmem_shared>>, %arg17: memref<!tpu.dma_semaphore, #tpu.memory_space<semaphore_mem>>, %arg18: memref<!tpu.dma_semaphore, #tpu.memory_space<semaphore_mem>>, %arg19: memref<!tpu.dma_semaphore, #tpu.memory_space<semaphore_mem>>, %arg20: memref<!tpu.dma_semaphore, #tpu.memory_space<semaphore_mem>>, %arg21: memref<!tpu.dma_semaphore, #tpu.memory_space<semaphore_mem>>, %arg22: memref<!tpu.dma_semaphore, #tpu.memory_space<semaphore_mem>>) attributes {dimension_semantics = [#tpu.dimension_semantics<core_parallel>, #tpu.dimension_semantics<subcore_parallel>], iteration_bounds = array<i64: 2, 16>, scalar_prefetch = 0 : i64, scratch_operands = 14 : i64, tpu.core_type = #tpu.core_type<sc_vector_subcore>, window_params = [{transform_indices = #map}, {transform_indices = #map1}, {transform_indices = #map2}, {transform_indices = #map}, {transform_indices = #map}, {transform_indices = #map2}, {transform_indices = #map2}]} {
    %mul3A = arith.constant 2 : i32
    %mul3A_0 = arith.muli %arg1, %mul3A : i32
    %add3A = arith.addi %mul3A_0, %arg0 : i32
    %mul3A_1 = arith.constant 640 : i32
    %mul3A_2 = arith.muli %arg1, %mul3A_1 : i32
    "tpu.region"() ({
      %run_scoped3A = tpu.sem_alloc : memref<!tpu.dma_semaphore, #tpu.memory_space<semaphore_mem>>
      tpu.enqueue_dma source(%arg5 : memref<128x128xf32, #tpu.memory_space<hbm>>) target(%arg14 : memref<128x128xf32, #tpu.memory_space<vmem>>) target_semaphore(%run_scoped3A : memref<!tpu.dma_semaphore, #tpu.memory_space<semaphore_mem>>)
      tpu.wait_dma2 semaphore(%run_scoped3A : memref<!tpu.dma_semaphore, #tpu.memory_space<semaphore_mem>>) src(%arg5 : memref<128x128xf32, #tpu.memory_space<hbm>>) dst(%arg14 : memref<128x128xf32, #tpu.memory_space<vmem>>)
      tpu.yield
    }) : () -> ()
    %add3A_3 = arith.constant 0 : i32
    %add3A_4 = arith.addi %mul3A_2, %add3A_3 : i32
    "tpu.region"() ({
      %run_scoped3A = tpu.sem_alloc : memref<!tpu.dma_semaphore, #tpu.memory_space<semaphore_mem>>
      %dma_start3A_98 = arith.constant 0 : i32
      %dma_start3A_99 = tpu.memref_slice %arg16[%add3A_4, %dma_start3A_98] : memref<10240x128xf32, #tpu.memory_space<vmem_shared>> -> memref<128x128xf32, #tpu.memory_space<vmem_shared>>
      %dma_start3A_100 = arith.constant 0 : i32
      %dma_start3A_101 = tpu.memref_slice %arg16[%add3A_4, %dma_start3A_100] : memref<10240x128xf32, #tpu.memory_space<vmem_shared>> -> memref<128x128xf32, #tpu.memory_space<vmem_shared>>
      tpu.enqueue_dma source(%arg14 : memref<128x128xf32, #tpu.memory_space<vmem>>) target(%dma_start3A_101 : memref<128x128xf32, #tpu.memory_space<vmem_shared>>) target_semaphore(%run_scoped3A : memref<!tpu.dma_semaphore, #tpu.memory_space<semaphore_mem>>)
      %dma_wait3A_102 = arith.constant 0 : i32
      %dma_wait3A_103 = tpu.memref_slice %arg16[%add3A_4, %dma_wait3A_102] : memref<10240x128xf32, #tpu.memory_space<vmem_shared>> -> memref<128x128xf32, #tpu.memory_space<vmem_shared>>
      %dma_wait3A_104 = arith.constant 0 : i32
      %dma_wait3A_105 = tpu.memref_slice %arg16[%add3A_4, %dma_wait3A_104] : memref<10240x128xf32, #tpu.memory_space<vmem_shared>> -> memref<128x128xf32, #tpu.memory_space<vmem_shared>>
      tpu.wait_dma2 semaphore(%run_scoped3A : memref<!tpu.dma_semaphore, #tpu.memory_space<semaphore_mem>>) src(%arg14 : memref<128x128xf32, #tpu.memory_space<vmem>>) dst(%dma_wait3A_105 : memref<128x128xf32, #tpu.memory_space<vmem_shared>>)
      tpu.yield
    }) : () -> ()
    %add3A_5 = arith.constant 128 : i32
    %add3A_6 = arith.addi %mul3A_2, %add3A_5 : i32
    "tpu.region"() ({
      %run_scoped3A = tpu.sem_alloc : memref<!tpu.dma_semaphore, #tpu.memory_space<semaphore_mem>>
      %dma_start3A_98 = arith.constant 0 : i32
      %dma_start3A_99 = tpu.memref_slice %arg16[%add3A_6, %dma_start3A_98] : memref<10240x128xf32, #tpu.memory_space<vmem_shared>> -> memref<128x128xf32, #tpu.memory_space<vmem_shared>>
      %dma_start3A_100 = arith.constant 0 : i32
      %dma_start3A_101 = tpu.memref_slice %arg16[%add3A_6, %dma_start3A_100] : memref<10240x128xf32, #tpu.memory_space<vmem_shared>> -> memref<128x128xf32, #tpu.memory_space<vmem_shared>>
      tpu.enqueue_dma source(%arg14 : memref<128x128xf32, #tpu.memory_space<vmem>>) target(%dma_start3A_101 : memref<128x128xf32, #tpu.memory_space<vmem_shared>>) target_semaphore(%run_scoped3A : memref<!tpu.dma_semaphore, #tpu.memory_space<semaphore_mem>>)
      %dma_wait3A_102 = arith.constant 0 : i32
      %dma_wait3A_103 = tpu.memref_slice %arg16[%add3A_6, %dma_wait3A_102] : memref<10240x128xf32, #tpu.memory_space<vmem_shared>> -> memref<128x128xf32, #tpu.memory_space<vmem_shared>>
      %dma_wait3A_104 = arith.constant 0 : i32
      %dma_wait3A_105 = tpu.memref_slice %arg16[%add3A_6, %dma_wait3A_104] : memref<10240x128xf32, #tpu.memory_space<vmem_shared>> -> memref<128x128xf32, #tpu.memory_space<vmem_shared>>
      tpu.wait_dma2 semaphore(%run_scoped3A : memref<!tpu.dma_semaphore, #tpu.memory_space<semaphore_mem>>) src(%arg14 : memref<128x128xf32, #tpu.memory_space<vmem>>) dst(%dma_wait3A_105 : memref<128x128xf32, #tpu.memory_space<vmem_shared>>)
      tpu.yield
    }) : () -> ()
    %add3A_7 = arith.constant 256 : i32
    %add3A_8 = arith.addi %mul3A_2, %add3A_7 : i32
    "tpu.region"() ({
      %run_scoped3A = tpu.sem_alloc : memref<!tpu.dma_semaphore, #tpu.memory_space<semaphore_mem>>
      %dma_start3A_98 = arith.constant 0 : i32
      %dma_start3A_99 = tpu.memref_slice %arg16[%add3A_8, %dma_start3A_98] : memref<10240x128xf32, #tpu.memory_space<vmem_shared>> -> memref<128x128xf32, #tpu.memory_space<vmem_shared>>
      %dma_start3A_100 = arith.constant 0 : i32
      %dma_start3A_101 = tpu.memref_slice %arg16[%add3A_8, %dma_start3A_100] : memref<10240x128xf32, #tpu.memory_space<vmem_shared>> -> memref<128x128xf32, #tpu.memory_space<vmem_shared>>
      tpu.enqueue_dma source(%arg14 : memref<128x128xf32, #tpu.memory_space<vmem>>) target(%dma_start3A_101 : memref<128x128xf32, #tpu.memory_space<vmem_shared>>) target_semaphore(%run_scoped3A : memref<!tpu.dma_semaphore, #tpu.memory_space<semaphore_mem>>)
      %dma_wait3A_102 = arith.constant 0 : i32
      %dma_wait3A_103 = tpu.memref_slice %arg16[%add3A_8, %dma_wait3A_102] : memref<10240x128xf32, #tpu.memory_space<vmem_shared>> -> memref<128x128xf32, #tpu.memory_space<vmem_shared>>
      %dma_wait3A_104 = arith.constant 0 : i32
      %dma_wait3A_105 = tpu.memref_slice %arg16[%add3A_8, %dma_wait3A_104] : memref<10240x128xf32, #tpu.memory_space<vmem_shared>> -> memref<128x128xf32, #tpu.memory_space<vmem_shared>>
      tpu.wait_dma2 semaphore(%run_scoped3A : memref<!tpu.dma_semaphore, #tpu.memory_space<semaphore_mem>>) src(%arg14 : memref<128x128xf32, #tpu.memory_space<vmem>>) dst(%dma_wait3A_105 : memref<128x128xf32, #tpu.memory_space<vmem_shared>>)
      tpu.yield
    }) : () -> ()
    %add3A_9 = arith.constant 384 : i32
    %add3A_10 = arith.addi %mul3A_2, %add3A_9 : i32
    "tpu.region"() ({
      %run_scoped3A = tpu.sem_alloc : memref<!tpu.dma_semaphore, #tpu.memory_space<semaphore_mem>>
      %dma_start3A_98 = arith.constant 0 : i32
      %dma_start3A_99 = tpu.memref_slice %arg16[%add3A_10, %dma_start3A_98] : memref<10240x128xf32, #tpu.memory_space<vmem_shared>> -> memref<128x128xf32, #tpu.memory_space<vmem_shared>>
      %dma_start3A_100 = arith.constant 0 : i32
      %dma_start3A_101 = tpu.memref_slice %arg16[%add3A_10, %dma_start3A_100] : memref<10240x128xf32, #tpu.memory_space<vmem_shared>> -> memref<128x128xf32, #tpu.memory_space<vmem_shared>>
      tpu.enqueue_dma source(%arg14 : memref<128x128xf32, #tpu.memory_space<vmem>>) target(%dma_start3A_101 : memref<128x128xf32, #tpu.memory_space<vmem_shared>>) target_semaphore(%run_scoped3A : memref<!tpu.dma_semaphore, #tpu.memory_space<semaphore_mem>>)
      %dma_wait3A_102 = arith.constant 0 : i32
      %dma_wait3A_103 = tpu.memref_slice %arg16[%add3A_10, %dma_wait3A_102] : memref<10240x128xf32, #tpu.memory_space<vmem_shared>> -> memref<128x128xf32, #tpu.memory_space<vmem_shared>>
      %dma_wait3A_104 = arith.constant 0 : i32
      %dma_wait3A_105 = tpu.memref_slice %arg16[%add3A_10, %dma_wait3A_104] : memref<10240x128xf32, #tpu.memory_space<vmem_shared>> -> memref<128x128xf32, #tpu.memory_space<vmem_shared>>
      tpu.wait_dma2 semaphore(%run_scoped3A : memref<!tpu.dma_semaphore, #tpu.memory_space<semaphore_mem>>) src(%arg14 : memref<128x128xf32, #tpu.memory_space<vmem>>) dst(%dma_wait3A_105 : memref<128x128xf32, #tpu.memory_space<vmem_shared>>)
      tpu.yield
    }) : () -> ()
    %add3A_11 = arith.constant 512 : i32
    %add3A_12 = arith.addi %mul3A_2, %add3A_11 : i32
    "tpu.region"() ({
      %run_scoped3A = tpu.sem_alloc : memref<!tpu.dma_semaphore, #tpu.memory_space<semaphore_mem>>
      %dma_start3A_98 = arith.constant 0 : i32
      %dma_start3A_99 = tpu.memref_slice %arg16[%add3A_12, %dma_start3A_98] : memref<10240x128xf32, #tpu.memory_space<vmem_shared>> -> memref<128x128xf32, #tpu.memory_space<vmem_shared>>
      %dma_start3A_100 = arith.constant 0 : i32
      %dma_start3A_101 = tpu.memref_slice %arg16[%add3A_12, %dma_start3A_100] : memref<10240x128xf32, #tpu.memory_space<vmem_shared>> -> memref<128x128xf32, #tpu.memory_space<vmem_shared>>
      tpu.enqueue_dma source(%arg14 : memref<128x128xf32, #tpu.memory_space<vmem>>) target(%dma_start3A_101 : memref<128x128xf32, #tpu.memory_space<vmem_shared>>) target_semaphore(%run_scoped3A : memref<!tpu.dma_semaphore, #tpu.memory_space<semaphore_mem>>)
      %dma_wait3A_102 = arith.constant 0 : i32
      %dma_wait3A_103 = tpu.memref_slice %arg16[%add3A_12, %dma_wait3A_102] : memref<10240x128xf32, #tpu.memory_space<vmem_shared>> -> memref<128x128xf32, #tpu.memory_space<vmem_shared>>
      %dma_wait3A_104 = arith.constant 0 : i32
      %dma_wait3A_105 = tpu.memref_slice %arg16[%add3A_12, %dma_wait3A_104] : memref<10240x128xf32, #tpu.memory_space<vmem_shared>> -> memref<128x128xf32, #tpu.memory_space<vmem_shared>>
      tpu.wait_dma2 semaphore(%run_scoped3A : memref<!tpu.dma_semaphore, #tpu.memory_space<semaphore_mem>>) src(%arg14 : memref<128x128xf32, #tpu.memory_space<vmem>>) dst(%dma_wait3A_105 : memref<128x128xf32, #tpu.memory_space<vmem_shared>>)
      tpu.yield
    }) : () -> ()
    "tpu.region"() ({
      %run_scoped3A = tpu.sem_alloc : memref<!tpu.dma_semaphore, #tpu.memory_space<semaphore_mem>>
      %dma_start3A_98 = arith.constant 0 : i32
      %dma_start3A_99 = arith.constant 0 : i32
      %dma_start3A_100 = tpu.memref_slice %arg4[%add3A, %dma_start3A_98, %dma_start3A_99] : memref<32x80x128xi32, #tpu.memory_space<hbm>> -> memref<1x80x128xi32, #tpu.memory_space<hbm>>
      %dma_start3A_101 = tpu.memref_squeeze %dma_start3A_100 : memref<1x80x128xi32, #tpu.memory_space<hbm>> -> memref<80x128xi32, #tpu.memory_space<hbm>>
      %dma_start3A_102 = arith.constant 0 : i32
      %dma_start3A_103 = arith.constant 0 : i32
      %dma_start3A_104 = tpu.memref_slice %arg4[%add3A, %dma_start3A_102, %dma_start3A_103] : memref<32x80x128xi32, #tpu.memory_space<hbm>> -> memref<1x80x128xi32, #tpu.memory_space<hbm>>
      %dma_start3A_105 = tpu.memref_squeeze %dma_start3A_104 : memref<1x80x128xi32, #tpu.memory_space<hbm>> -> memref<80x128xi32, #tpu.memory_space<hbm>>
      tpu.enqueue_dma source(%dma_start3A_105 : memref<80x128xi32, #tpu.memory_space<hbm>>) target(%arg13 : memref<80x128xi32, #tpu.memory_space<vmem>>) target_semaphore(%run_scoped3A : memref<!tpu.dma_semaphore, #tpu.memory_space<semaphore_mem>>)
      %dma_wait3A_106 = arith.constant 0 : i32
      %dma_wait3A_107 = arith.constant 0 : i32
      %dma_wait3A_108 = tpu.memref_slice %arg4[%add3A, %dma_wait3A_106, %dma_wait3A_107] : memref<32x80x128xi32, #tpu.memory_space<hbm>> -> memref<1x80x128xi32, #tpu.memory_space<hbm>>
      %dma_wait3A_109 = tpu.memref_squeeze %dma_wait3A_108 : memref<1x80x128xi32, #tpu.memory_space<hbm>> -> memref<80x128xi32, #tpu.memory_space<hbm>>
      %dma_wait3A_110 = arith.constant 0 : i32
      %dma_wait3A_111 = arith.constant 0 : i32
      %dma_wait3A_112 = tpu.memref_slice %arg4[%add3A, %dma_wait3A_110, %dma_wait3A_111] : memref<32x80x128xi32, #tpu.memory_space<hbm>> -> memref<1x80x128xi32, #tpu.memory_space<hbm>>
      %dma_wait3A_113 = tpu.memref_squeeze %dma_wait3A_112 : memref<1x80x128xi32, #tpu.memory_space<hbm>> -> memref<80x128xi32, #tpu.memory_space<hbm>>
      tpu.wait_dma2 semaphore(%run_scoped3A : memref<!tpu.dma_semaphore, #tpu.memory_space<semaphore_mem>>) src(%dma_wait3A_113 : memref<80x128xi32, #tpu.memory_space<hbm>>) dst(%arg13 : memref<80x128xi32, #tpu.memory_space<vmem>>)
      tpu.yield
    }) : () -> ()
    %barrier3A = arith.constant 0 : index
    tpu.barrier barrier_id(%barrier3A)
    "tpu.region"() ({
      %run_scoped3A = tpu.sem_alloc : memref<!tpu.dma_semaphore, #tpu.memory_space<semaphore_mem>>
      tpu.enqueue_dma source(%arg6 : memref<128x128xf32, #tpu.memory_space<hbm>>) target(%arg15 : memref<128x128xf32, #tpu.memory_space<vmem>>) target_semaphore(%run_scoped3A : memref<!tpu.dma_semaphore, #tpu.memory_space<semaphore_mem>>)
      tpu.wait_dma2 semaphore(%run_scoped3A : memref<!tpu.dma_semaphore, #tpu.memory_space<semaphore_mem>>) src(%arg6 : memref<128x128xf32, #tpu.memory_space<hbm>>) dst(%arg15 : memref<128x128xf32, #tpu.memory_space<vmem>>)
      tpu.yield
    }) : () -> ()
    %scan3A = arith.constant 0 : i32
    %scan3A_13 = arith.constant 0 : i32
    %scan3A_14 = arith.constant 80 : i32
    %scan3A_15 = arith.addi %scan3A_13, %scan3A_14 : i32
    %scan3A_16 = arith.constant 1 : i32
    scf.for %scan3A_98 = %scan3A_13 to %scan3A_15 step %scan3A_16  : i32 {
      "tpu.region"() ({
        %run_scoped3A = tpu.sem_alloc : memref<!tpu.dma_semaphore, #tpu.memory_space<semaphore_mem>>
        %dma_start3A_99 = arith.constant 0 : i32
        %dma_start3A_100 = tpu.memref_slice %arg13[%scan3A_98, %dma_start3A_99] : memref<80x128xi32, #tpu.memory_space<vmem>> -> memref<1x128xi32, #tpu.memory_space<vmem>>
        %dma_start3A_101 = tpu.memref_squeeze %dma_start3A_100 : memref<1x128xi32, #tpu.memory_space<vmem>> -> memref<128xi32, #tpu.memory_space<vmem>>
        %dma_start3A_102 = arith.constant 0 : i32
        %dma_start3A_103 = arith.constant 0 : i32
        %dma_start3A_104 = tpu.memref_slice %arg16[%dma_start3A_102, %dma_start3A_103] : memref<10240x128xf32, #tpu.memory_space<vmem_shared>> -> memref<10240x128xf32, #tpu.memory_space<vmem_shared>>
        tpu.enqueue_indirect_dma source(%arg15 : memref<128x128xf32, #tpu.memory_space<vmem>>) target(%dma_start3A_104 : memref<10240x128xf32, #tpu.memory_space<vmem_shared>>) offsets(%dma_start3A_101 : memref<128xi32, #tpu.memory_space<vmem>>) semaphore(%run_scoped3A : memref<!tpu.dma_semaphore, #tpu.memory_space<semaphore_mem>>) {add = true}
        %dma_wait3A_105 = arith.constant 0 : i32
        %dma_wait3A_106 = tpu.memref_slice %arg13[%scan3A_98, %dma_wait3A_105] : memref<80x128xi32, #tpu.memory_space<vmem>> -> memref<1x128xi32, #tpu.memory_space<vmem>>
        %dma_wait3A_107 = tpu.memref_squeeze %dma_wait3A_106 : memref<1x128xi32, #tpu.memory_space<vmem>> -> memref<128xi32, #tpu.memory_space<vmem>>
        %dma_wait3A_108 = arith.constant 0 : i32
        %dma_wait3A_109 = arith.constant 0 : i32
        %dma_wait3A_110 = tpu.memref_slice %arg16[%dma_wait3A_108, %dma_wait3A_109] : memref<10240x128xf32, #tpu.memory_space<vmem_shared>> -> memref<10240x128xf32, #tpu.memory_space<vmem_shared>>
        tpu.wait_indirect_dma semaphore(%run_scoped3A : memref<!tpu.dma_semaphore, #tpu.memory_space<semaphore_mem>>) src(%arg15 : memref<128x128xf32, #tpu.memory_space<vmem>>) dst(%dma_wait3A_110 : memref<10240x128xf32, #tpu.memory_space<vmem_shared>>)
        tpu.yield
      }) : () -> ()
    }
    %scan3A_17 = arith.constant 80 : i32
    %barrier3A_18 = arith.constant 0 : index
    tpu.barrier barrier_id(%barrier3A_18)
    %add3A_19 = arith.constant 0 : i32
    %add3A_20 = arith.addi %mul3A_2, %add3A_19 : i32
    "tpu.region"() ({
      %run_scoped3A = tpu.sem_alloc : memref<!tpu.dma_semaphore, #tpu.memory_space<semaphore_mem>>
      %dma_start3A_98 = arith.constant 0 : i32
      %dma_start3A_99 = tpu.memref_slice %arg16[%add3A_20, %dma_start3A_98] : memref<10240x128xf32, #tpu.memory_space<vmem_shared>> -> memref<128x128xf32, #tpu.memory_space<vmem_shared>>
      %dma_start3A_100 = arith.constant 0 : i32
      %dma_start3A_101 = tpu.memref_slice %arg16[%add3A_20, %dma_start3A_100] : memref<10240x128xf32, #tpu.memory_space<vmem_shared>> -> memref<128x128xf32, #tpu.memory_space<vmem_shared>>
      tpu.enqueue_dma source(%dma_start3A_101 : memref<128x128xf32, #tpu.memory_space<vmem_shared>>) target(%arg14 : memref<128x128xf32, #tpu.memory_space<vmem>>) target_semaphore(%run_scoped3A : memref<!tpu.dma_semaphore, #tpu.memory_space<semaphore_mem>>)
      %dma_wait3A_102 = arith.constant 0 : i32
      %dma_wait3A_103 = tpu.memref_slice %arg16[%add3A_20, %dma_wait3A_102] : memref<10240x128xf32, #tpu.memory_space<vmem_shared>> -> memref<128x128xf32, #tpu.memory_space<vmem_shared>>
      %dma_wait3A_104 = arith.constant 0 : i32
      %dma_wait3A_105 = tpu.memref_slice %arg16[%add3A_20, %dma_wait3A_104] : memref<10240x128xf32, #tpu.memory_space<vmem_shared>> -> memref<128x128xf32, #tpu.memory_space<vmem_shared>>
      tpu.wait_dma2 semaphore(%run_scoped3A : memref<!tpu.dma_semaphore, #tpu.memory_space<semaphore_mem>>) src(%dma_wait3A_105 : memref<128x128xf32, #tpu.memory_space<vmem_shared>>) dst(%arg14 : memref<128x128xf32, #tpu.memory_space<vmem>>)
      tpu.yield
    }) : () -> ()
    "tpu.region"() ({
      %run_scoped3A = tpu.sem_alloc : memref<!tpu.dma_semaphore, #tpu.memory_space<semaphore_mem>>
      %dma_start3A_98 = arith.constant 0 : i32
      %dma_start3A_99 = tpu.memref_slice %arg8[%arg0, %add3A_20, %dma_start3A_98] : memref<2x10240x128xf32, #tpu.memory_space<hbm>> -> memref<1x128x128xf32, #tpu.memory_space<hbm>>
      %dma_start3A_100 = tpu.memref_squeeze %dma_start3A_99 : memref<1x128x128xf32, #tpu.memory_space<hbm>> -> memref<128x128xf32, #tpu.memory_space<hbm>>
      %dma_start3A_101 = arith.constant 0 : i32
      %dma_start3A_102 = tpu.memref_slice %arg8[%arg0, %add3A_20, %dma_start3A_101] : memref<2x10240x128xf32, #tpu.memory_space<hbm>> -> memref<1x128x128xf32, #tpu.memory_space<hbm>>
      %dma_start3A_103 = tpu.memref_squeeze %dma_start3A_102 : memref<1x128x128xf32, #tpu.memory_space<hbm>> -> memref<128x128xf32, #tpu.memory_space<hbm>>
      tpu.enqueue_dma source(%arg14 : memref<128x128xf32, #tpu.memory_space<vmem>>) target(%dma_start3A_103 : memref<128x128xf32, #tpu.memory_space<hbm>>) target_semaphore(%run_scoped3A : memref<!tpu.dma_semaphore, #tpu.memory_space<semaphore_mem>>)
      %dma_wait3A_104 = arith.constant 0 : i32
      %dma_wait3A_105 = tpu.memref_slice %arg8[%arg0, %add3A_20, %dma_wait3A_104] : memref<2x10240x128xf32, #tpu.memory_space<hbm>> -> memref<1x128x128xf32, #tpu.memory_space<hbm>>
      %dma_wait3A_106 = tpu.memref_squeeze %dma_wait3A_105 : memref<1x128x128xf32, #tpu.memory_space<hbm>> -> memref<128x128xf32, #tpu.memory_space<hbm>>
      %dma_wait3A_107 = arith.constant 0 : i32
      %dma_wait3A_108 = tpu.memref_slice %arg8[%arg0, %add3A_20, %dma_wait3A_107] : memref<2x10240x128xf32, #tpu.memory_space<hbm>> -> memref<1x128x128xf32, #tpu.memory_space<hbm>>
      %dma_wait3A_109 = tpu.memref_squeeze %dma_wait3A_108 : memref<1x128x128xf32, #tpu.memory_space<hbm>> -> memref<128x128xf32, #tpu.memory_space<hbm>>
      tpu.wait_dma2 semaphore(%run_scoped3A : memref<!tpu.dma_semaphore, #tpu.memory_space<semaphore_mem>>) src(%arg14 : memref<128x128xf32, #tpu.memory_space<vmem>>) dst(%dma_wait3A_109 : memref<128x128xf32, #tpu.memory_space<hbm>>)
      tpu.yield
    }) : () -> ()
    %add3A_21 = arith.constant 128 : i32
    %add3A_22 = arith.addi %mul3A_2, %add3A_21 : i32
    "tpu.region"() ({
      %run_scoped3A = tpu.sem_alloc : memref<!tpu.dma_semaphore, #tpu.memory_space<semaphore_mem>>
      %dma_start3A_98 = arith.constant 0 : i32
      %dma_start3A_99 = tpu.memref_slice %arg16[%add3A_22, %dma_start3A_98] : memref<10240x128xf32, #tpu.memory_space<vmem_shared>> -> memref<128x128xf32, #tpu.memory_space<vmem_shared>>
      %dma_start3A_100 = arith.constant 0 : i32
      %dma_start3A_101 = tpu.memref_slice %arg16[%add3A_22, %dma_start3A_100] : memref<10240x128xf32, #tpu.memory_space<vmem_shared>> -> memref<128x128xf32, #tpu.memory_space<vmem_shared>>
      tpu.enqueue_dma source(%dma_start3A_101 : memref<128x128xf32, #tpu.memory_space<vmem_shared>>) target(%arg14 : memref<128x128xf32, #tpu.memory_space<vmem>>) target_semaphore(%run_scoped3A : memref<!tpu.dma_semaphore, #tpu.memory_space<semaphore_mem>>)
      %dma_wait3A_102 = arith.constant 0 : i32
      %dma_wait3A_103 = tpu.memref_slice %arg16[%add3A_22, %dma_wait3A_102] : memref<10240x128xf32, #tpu.memory_space<vmem_shared>> -> memref<128x128xf32, #tpu.memory_space<vmem_shared>>
      %dma_wait3A_104 = arith.constant 0 : i32
      %dma_wait3A_105 = tpu.memref_slice %arg16[%add3A_22, %dma_wait3A_104] : memref<10240x128xf32, #tpu.memory_space<vmem_shared>> -> memref<128x128xf32, #tpu.memory_space<vmem_shared>>
      tpu.wait_dma2 semaphore(%run_scoped3A : memref<!tpu.dma_semaphore, #tpu.memory_space<semaphore_mem>>) src(%dma_wait3A_105 : memref<128x128xf32, #tpu.memory_space<vmem_shared>>) dst(%arg14 : memref<128x128xf32, #tpu.memory_space<vmem>>)
      tpu.yield
    }) : () -> ()
    "tpu.region"() ({
      %run_scoped3A = tpu.sem_alloc : memref<!tpu.dma_semaphore, #tpu.memory_space<semaphore_mem>>
      %dma_start3A_98 = arith.constant 0 : i32
      %dma_start3A_99 = tpu.memref_slice %arg8[%arg0, %add3A_22, %dma_start3A_98] : memref<2x10240x128xf32, #tpu.memory_space<hbm>> -> memref<1x128x128xf32, #tpu.memory_space<hbm>>
      %dma_start3A_100 = tpu.memref_squeeze %dma_start3A_99 : memref<1x128x128xf32, #tpu.memory_space<hbm>> -> memref<128x128xf32, #tpu.memory_space<hbm>>
      %dma_start3A_101 = arith.constant 0 : i32
      %dma_start3A_102 = tpu.memref_slice %arg8[%arg0, %add3A_22, %dma_start3A_101] : memref<2x10240x128xf32, #tpu.memory_space<hbm>> -> memref<1x128x128xf32, #tpu.memory_space<hbm>>
      %dma_start3A_103 = tpu.memref_squeeze %dma_start3A_102 : memref<1x128x128xf32, #tpu.memory_space<hbm>> -> memref<128x128xf32, #tpu.memory_space<hbm>>
      tpu.enqueue_dma source(%arg14 : memref<128x128xf32, #tpu.memory_space<vmem>>) target(%dma_start3A_103 : memref<128x128xf32, #tpu.memory_space<hbm>>) target_semaphore(%run_scoped3A : memref<!tpu.dma_semaphore, #tpu.memory_space<semaphore_mem>>)
      %dma_wait3A_104 = arith.constant 0 : i32
      %dma_wait3A_105 = tpu.memref_slice %arg8[%arg0, %add3A_22, %dma_wait3A_104] : memref<2x10240x128xf32, #tpu.memory_space<hbm>> -> memref<1x128x128xf32, #tpu.memory_space<hbm>>
      %dma_wait3A_106 = tpu.memref_squeeze %dma_wait3A_105 : memref<1x128x128xf32, #tpu.memory_space<hbm>> -> memref<128x128xf32, #tpu.memory_space<hbm>>
      %dma_wait3A_107 = arith.constant 0 : i32
      %dma_wait3A_108 = tpu.memref_slice %arg8[%arg0, %add3A_22, %dma_wait3A_107] : memref<2x10240x128xf32, #tpu.memory_space<hbm>> -> memref<1x128x128xf32, #tpu.memory_space<hbm>>
      %dma_wait3A_109 = tpu.memref_squeeze %dma_wait3A_108 : memref<1x128x128xf32, #tpu.memory_space<hbm>> -> memref<128x128xf32, #tpu.memory_space<hbm>>
      tpu.wait_dma2 semaphore(%run_scoped3A : memref<!tpu.dma_semaphore, #tpu.memory_space<semaphore_mem>>) src(%arg14 : memref<128x128xf32, #tpu.memory_space<vmem>>) dst(%dma_wait3A_109 : memref<128x128xf32, #tpu.memory_space<hbm>>)
      tpu.yield
    }) : () -> ()
    %add3A_23 = arith.constant 256 : i32
    %add3A_24 = arith.addi %mul3A_2, %add3A_23 : i32
    "tpu.region"() ({
      %run_scoped3A = tpu.sem_alloc : memref<!tpu.dma_semaphore, #tpu.memory_space<semaphore_mem>>
      %dma_start3A_98 = arith.constant 0 : i32
      %dma_start3A_99 = tpu.memref_slice %arg16[%add3A_24, %dma_start3A_98] : memref<10240x128xf32, #tpu.memory_space<vmem_shared>> -> memref<128x128xf32, #tpu.memory_space<vmem_shared>>
      %dma_start3A_100 = arith.constant 0 : i32
      %dma_start3A_101 = tpu.memref_slice %arg16[%add3A_24, %dma_start3A_100] : memref<10240x128xf32, #tpu.memory_space<vmem_shared>> -> memref<128x128xf32, #tpu.memory_space<vmem_shared>>
      tpu.enqueue_dma source(%dma_start3A_101 : memref<128x128xf32, #tpu.memory_space<vmem_shared>>) target(%arg14 : memref<128x128xf32, #tpu.memory_space<vmem>>) target_semaphore(%run_scoped3A : memref<!tpu.dma_semaphore, #tpu.memory_space<semaphore_mem>>)
      %dma_wait3A_102 = arith.constant 0 : i32
      %dma_wait3A_103 = tpu.memref_slice %arg16[%add3A_24, %dma_wait3A_102] : memref<10240x128xf32, #tpu.memory_space<vmem_shared>> -> memref<128x128xf32, #tpu.memory_space<vmem_shared>>
      %dma_wait3A_104 = arith.constant 0 : i32
      %dma_wait3A_105 = tpu.memref_slice %arg16[%add3A_24, %dma_wait3A_104] : memref<10240x128xf32, #tpu.memory_space<vmem_shared>> -> memref<128x128xf32, #tpu.memory_space<vmem_shared>>
      tpu.wait_dma2 semaphore(%run_scoped3A : memref<!tpu.dma_semaphore, #tpu.memory_space<semaphore_mem>>) src(%dma_wait3A_105 : memref<128x128xf32, #tpu.memory_space<vmem_shared>>) dst(%arg14 : memref<128x128xf32, #tpu.memory_space<vmem>>)
      tpu.yield
    }) : () -> ()
    "tpu.region"() ({
      %run_scoped3A = tpu.sem_alloc : memref<!tpu.dma_semaphore, #tpu.memory_space<semaphore_mem>>
      %dma_start3A_98 = arith.constant 0 : i32
      %dma_start3A_99 = tpu.memref_slice %arg8[%arg0, %add3A_24, %dma_start3A_98] : memref<2x10240x128xf32, #tpu.memory_space<hbm>> -> memref<1x128x128xf32, #tpu.memory_space<hbm>>
      %dma_start3A_100 = tpu.memref_squeeze %dma_start3A_99 : memref<1x128x128xf32, #tpu.memory_space<hbm>> -> memref<128x128xf32, #tpu.memory_space<hbm>>
      %dma_start3A_101 = arith.constant 0 : i32
      %dma_start3A_102 = tpu.memref_slice %arg8[%arg0, %add3A_24, %dma_start3A_101] : memref<2x10240x128xf32, #tpu.memory_space<hbm>> -> memref<1x128x128xf32, #tpu.memory_space<hbm>>
      %dma_start3A_103 = tpu.memref_squeeze %dma_start3A_102 : memref<1x128x128xf32, #tpu.memory_space<hbm>> -> memref<128x128xf32, #tpu.memory_space<hbm>>
      tpu.enqueue_dma source(%arg14 : memref<128x128xf32, #tpu.memory_space<vmem>>) target(%dma_start3A_103 : memref<128x128xf32, #tpu.memory_space<hbm>>) target_semaphore(%run_scoped3A : memref<!tpu.dma_semaphore, #tpu.memory_space<semaphore_mem>>)
      %dma_wait3A_104 = arith.constant 0 : i32
      %dma_wait3A_105 = tpu.memref_slice %arg8[%arg0, %add3A_24, %dma_wait3A_104] : memref<2x10240x128xf32, #tpu.memory_space<hbm>> -> memref<1x128x128xf32, #tpu.memory_space<hbm>>
      %dma_wait3A_106 = tpu.memref_squeeze %dma_wait3A_105 : memref<1x128x128xf32, #tpu.memory_space<hbm>> -> memref<128x128xf32, #tpu.memory_space<hbm>>
      %dma_wait3A_107 = arith.constant 0 : i32
      %dma_wait3A_108 = tpu.memref_slice %arg8[%arg0, %add3A_24, %dma_wait3A_107] : memref<2x10240x128xf32, #tpu.memory_space<hbm>> -> memref<1x128x128xf32, #tpu.memory_space<hbm>>
      %dma_wait3A_109 = tpu.memref_squeeze %dma_wait3A_108 : memref<1x128x128xf32, #tpu.memory_space<hbm>> -> memref<128x128xf32, #tpu.memory_space<hbm>>
      tpu.wait_dma2 semaphore(%run_scoped3A : memref<!tpu.dma_semaphore, #tpu.memory_space<semaphore_mem>>) src(%arg14 : memref<128x128xf32, #tpu.memory_space<vmem>>) dst(%dma_wait3A_109 : memref<128x128xf32, #tpu.memory_space<hbm>>)
      tpu.yield
    }) : () -> ()
    %add3A_25 = arith.constant 384 : i32
    %add3A_26 = arith.addi %mul3A_2, %add3A_25 : i32
    "tpu.region"() ({
      %run_scoped3A = tpu.sem_alloc : memref<!tpu.dma_semaphore, #tpu.memory_space<semaphore_mem>>
      %dma_start3A_98 = arith.constant 0 : i32
      %dma_start3A_99 = tpu.memref_slice %arg16[%add3A_26, %dma_start3A_98] : memref<10240x128xf32, #tpu.memory_space<vmem_shared>> -> memref<128x128xf32, #tpu.memory_space<vmem_shared>>
      %dma_start3A_100 = arith.constant 0 : i32
      %dma_start3A_101 = tpu.memref_slice %arg16[%add3A_26, %dma_start3A_100] : memref<10240x128xf32, #tpu.memory_space<vmem_shared>> -> memref<128x128xf32, #tpu.memory_space<vmem_shared>>
      tpu.enqueue_dma source(%dma_start3A_101 : memref<128x128xf32, #tpu.memory_space<vmem_shared>>) target(%arg14 : memref<128x128xf32, #tpu.memory_space<vmem>>) target_semaphore(%run_scoped3A : memref<!tpu.dma_semaphore, #tpu.memory_space<semaphore_mem>>)
      %dma_wait3A_102 = arith.constant 0 : i32
      %dma_wait3A_103 = tpu.memref_slice %arg16[%add3A_26, %dma_wait3A_102] : memref<10240x128xf32, #tpu.memory_space<vmem_shared>> -> memref<128x128xf32, #tpu.memory_space<vmem_shared>>
      %dma_wait3A_104 = arith.constant 0 : i32
      %dma_wait3A_105 = tpu.memref_slice %arg16[%add3A_26, %dma_wait3A_104] : memref<10240x128xf32, #tpu.memory_space<vmem_shared>> -> memref<128x128xf32, #tpu.memory_space<vmem_shared>>
      tpu.wait_dma2 semaphore(%run_scoped3A : memref<!tpu.dma_semaphore, #tpu.memory_space<semaphore_mem>>) src(%dma_wait3A_105 : memref<128x128xf32, #tpu.memory_space<vmem_shared>>) dst(%arg14 : memref<128x128xf32, #tpu.memory_space<vmem>>)
      tpu.yield
    }) : () -> ()
    "tpu.region"() ({
      %run_scoped3A = tpu.sem_alloc : memref<!tpu.dma_semaphore, #tpu.memory_space<semaphore_mem>>
      %dma_start3A_98 = arith.constant 0 : i32
      %dma_start3A_99 = tpu.memref_slice %arg8[%arg0, %add3A_26, %dma_start3A_98] : memref<2x10240x128xf32, #tpu.memory_space<hbm>> -> memref<1x128x128xf32, #tpu.memory_space<hbm>>
      %dma_start3A_100 = tpu.memref_squeeze %dma_start3A_99 : memref<1x128x128xf32, #tpu.memory_space<hbm>> -> memref<128x128xf32, #tpu.memory_space<hbm>>
      %dma_start3A_101 = arith.constant 0 : i32
      %dma_start3A_102 = tpu.memref_slice %arg8[%arg0, %add3A_26, %dma_start3A_101] : memref<2x10240x128xf32, #tpu.memory_space<hbm>> -> memref<1x128x128xf32, #tpu.memory_space<hbm>>
      %dma_start3A_103 = tpu.memref_squeeze %dma_start3A_102 : memref<1x128x128xf32, #tpu.memory_space<hbm>> -> memref<128x128xf32, #tpu.memory_space<hbm>>
      tpu.enqueue_dma source(%arg14 : memref<128x128xf32, #tpu.memory_space<vmem>>) target(%dma_start3A_103 : memref<128x128xf32, #tpu.memory_space<hbm>>) target_semaphore(%run_scoped3A : memref<!tpu.dma_semaphore, #tpu.memory_space<semaphore_mem>>)
      %dma_wait3A_104 = arith.constant 0 : i32
      %dma_wait3A_105 = tpu.memref_slice %arg8[%arg0, %add3A_26, %dma_wait3A_104] : memref<2x10240x128xf32, #tpu.memory_space<hbm>> -> memref<1x128x128xf32, #tpu.memory_space<hbm>>
      %dma_wait3A_106 = tpu.memref_squeeze %dma_wait3A_105 : memref<1x128x128xf32, #tpu.memory_space<hbm>> -> memref<128x128xf32, #tpu.memory_space<hbm>>
      %dma_wait3A_107 = arith.constant 0 : i32
      %dma_wait3A_108 = tpu.memref_slice %arg8[%arg0, %add3A_26, %dma_wait3A_107] : memref<2x10240x128xf32, #tpu.memory_space<hbm>> -> memref<1x128x128xf32, #tpu.memory_space<hbm>>
      %dma_wait3A_109 = tpu.memref_squeeze %dma_wait3A_108 : memref<1x128x128xf32, #tpu.memory_space<hbm>> -> memref<128x128xf32, #tpu.memory_space<hbm>>
      tpu.wait_dma2 semaphore(%run_scoped3A : memref<!tpu.dma_semaphore, #tpu.memory_space<semaphore_mem>>) src(%arg14 : memref<128x128xf32, #tpu.memory_space<vmem>>) dst(%dma_wait3A_109 : memref<128x128xf32, #tpu.memory_space<hbm>>)
      tpu.yield
    }) : () -> ()
    %add3A_27 = arith.constant 512 : i32
    %add3A_28 = arith.addi %mul3A_2, %add3A_27 : i32
    "tpu.region"() ({
      %run_scoped3A = tpu.sem_alloc : memref<!tpu.dma_semaphore, #tpu.memory_space<semaphore_mem>>
      %dma_start3A_98 = arith.constant 0 : i32
      %dma_start3A_99 = tpu.memref_slice %arg16[%add3A_28, %dma_start3A_98] : memref<10240x128xf32, #tpu.memory_space<vmem_shared>> -> memref<128x128xf32, #tpu.memory_space<vmem_shared>>
      %dma_start3A_100 = arith.constant 0 : i32
      %dma_start3A_101 = tpu.memref_slice %arg16[%add3A_28, %dma_start3A_100] : memref<10240x128xf32, #tpu.memory_space<vmem_shared>> -> memref<128x128xf32, #tpu.memory_space<vmem_shared>>
      tpu.enqueue_dma source(%dma_start3A_101 : memref<128x128xf32, #tpu.memory_space<vmem_shared>>) target(%arg14 : memref<128x128xf32, #tpu.memory_space<vmem>>) target_semaphore(%run_scoped3A : memref<!tpu.dma_semaphore, #tpu.memory_space<semaphore_mem>>)
      %dma_wait3A_102 = arith.constant 0 : i32
      %dma_wait3A_103 = tpu.memref_slice %arg16[%add3A_28, %dma_wait3A_102] : memref<10240x128xf32, #tpu.memory_space<vmem_shared>> -> memref<128x128xf32, #tpu.memory_space<vmem_shared>>
      %dma_wait3A_104 = arith.constant 0 : i32
      %dma_wait3A_105 = tpu.memref_slice %arg16[%add3A_28, %dma_wait3A_104] : memref<10240x128xf32, #tpu.memory_space<vmem_shared>> -> memref<128x128xf32, #tpu.memory_space<vmem_shared>>
      tpu.wait_dma2 semaphore(%run_scoped3A : memref<!tpu.dma_semaphore, #tpu.memory_space<semaphore_mem>>) src(%dma_wait3A_105 : memref<128x128xf32, #tpu.memory_space<vmem_shared>>) dst(%arg14 : memref<128x128xf32, #tpu.memory_space<vmem>>)
      tpu.yield
    }) : () -> ()
    "tpu.region"() ({
      %run_scoped3A = tpu.sem_alloc : memref<!tpu.dma_semaphore, #tpu.memory_space<semaphore_mem>>
      %dma_start3A_98 = arith.constant 0 : i32
      %dma_start3A_99 = tpu.memref_slice %arg8[%arg0, %add3A_28, %dma_start3A_98] : memref<2x10240x128xf32, #tpu.memory_space<hbm>> -> memref<1x128x128xf32, #tpu.memory_space<hbm>>
      %dma_start3A_100 = tpu.memref_squeeze %dma_start3A_99 : memref<1x128x128xf32, #tpu.memory_space<hbm>> -> memref<128x128xf32, #tpu.memory_space<hbm>>
      %dma_start3A_101 = arith.constant 0 : i32
      %dma_start3A_102 = tpu.memref_slice %arg8[%arg0, %add3A_28, %dma_start3A_101] : memref<2x10240x128xf32, #tpu.memory_space<hbm>> -> memref<1x128x128xf32, #tpu.memory_space<hbm>>
      %dma_start3A_103 = tpu.memref_squeeze %dma_start3A_102 : memref<1x128x128xf32, #tpu.memory_space<hbm>> -> memref<128x128xf32, #tpu.memory_space<hbm>>
      tpu.enqueue_dma source(%arg14 : memref<128x128xf32, #tpu.memory_space<vmem>>) target(%dma_start3A_103 : memref<128x128xf32, #tpu.memory_space<hbm>>) target_semaphore(%run_scoped3A : memref<!tpu.dma_semaphore, #tpu.memory_space<semaphore_mem>>)
      %dma_wait3A_104 = arith.constant 0 : i32
      %dma_wait3A_105 = tpu.memref_slice %arg8[%arg0, %add3A_28, %dma_wait3A_104] : memref<2x10240x128xf32, #tpu.memory_space<hbm>> -> memref<1x128x128xf32, #tpu.memory_space<hbm>>
      %dma_wait3A_106 = tpu.memref_squeeze %dma_wait3A_105 : memref<1x128x128xf32, #tpu.memory_space<hbm>> -> memref<128x128xf32, #tpu.memory_space<hbm>>
      %dma_wait3A_107 = arith.constant 0 : i32
      %dma_wait3A_108 = tpu.memref_slice %arg8[%arg0, %add3A_28, %dma_wait3A_107] : memref<2x10240x128xf32, #tpu.memory_space<hbm>> -> memref<1x128x128xf32, #tpu.memory_space<hbm>>
      %dma_wait3A_109 = tpu.memref_squeeze %dma_wait3A_108 : memref<1x128x128xf32, #tpu.memory_space<hbm>> -> memref<128x128xf32, #tpu.memory_space<hbm>>
      tpu.wait_dma2 semaphore(%run_scoped3A : memref<!tpu.dma_semaphore, #tpu.memory_space<semaphore_mem>>) src(%arg14 : memref<128x128xf32, #tpu.memory_space<vmem>>) dst(%dma_wait3A_109 : memref<128x128xf32, #tpu.memory_space<hbm>>)
      tpu.yield
    }) : () -> ()
    "tpu.region"() ({
      %run_scoped3A = tpu.sem_alloc : memref<!tpu.dma_semaphore, #tpu.memory_space<semaphore_mem>>
      tpu.enqueue_dma source(%arg5 : memref<128x128xf32, #tpu.memory_space<hbm>>) target(%arg14 : memref<128x128xf32, #tpu.memory_space<vmem>>) target_semaphore(%run_scoped3A : memref<!tpu.dma_semaphore, #tpu.memory_space<semaphore_mem>>)
      tpu.wait_dma2 semaphore(%run_scoped3A : memref<!tpu.dma_semaphore, #tpu.memory_space<semaphore_mem>>) src(%arg5 : memref<128x128xf32, #tpu.memory_space<hbm>>) dst(%arg14 : memref<128x128xf32, #tpu.memory_space<vmem>>)
      tpu.yield
    }) : () -> ()
    %add3A_29 = arith.constant 0 : i32
    %add3A_30 = arith.addi %mul3A_2, %add3A_29 : i32
    "tpu.region"() ({
      %run_scoped3A = tpu.sem_alloc : memref<!tpu.dma_semaphore, #tpu.memory_space<semaphore_mem>>
      %dma_start3A_98 = arith.constant 0 : i32
      %dma_start3A_99 = tpu.memref_slice %arg16[%add3A_30, %dma_start3A_98] : memref<10240x128xf32, #tpu.memory_space<vmem_shared>> -> memref<128x128xf32, #tpu.memory_space<vmem_shared>>
      %dma_start3A_100 = arith.constant 0 : i32
      %dma_start3A_101 = tpu.memref_slice %arg16[%add3A_30, %dma_start3A_100] : memref<10240x128xf32, #tpu.memory_space<vmem_shared>> -> memref<128x128xf32, #tpu.memory_space<vmem_shared>>
      tpu.enqueue_dma source(%arg14 : memref<128x128xf32, #tpu.memory_space<vmem>>) target(%dma_start3A_101 : memref<128x128xf32, #tpu.memory_space<vmem_shared>>) target_semaphore(%run_scoped3A : memref<!tpu.dma_semaphore, #tpu.memory_space<semaphore_mem>>)
      %dma_wait3A_102 = arith.constant 0 : i32
      %dma_wait3A_103 = tpu.memref_slice %arg16[%add3A_30, %dma_wait3A_102] : memref<10240x128xf32, #tpu.memory_space<vmem_shared>> -> memref<128x128xf32, #tpu.memory_space<vmem_shared>>
      %dma_wait3A_104 = arith.constant 0 : i32
      %dma_wait3A_105 = tpu.memref_slice %arg16[%add3A_30, %dma_wait3A_104] : memref<10240x128xf32, #tpu.memory_space<vmem_shared>> -> memref<128x128xf32, #tpu.memory_space<vmem_shared>>
      tpu.wait_dma2 semaphore(%run_scoped3A : memref<!tpu.dma_semaphore, #tpu.memory_space<semaphore_mem>>) src(%arg14 : memref<128x128xf32, #tpu.memory_space<vmem>>) dst(%dma_wait3A_105 : memref<128x128xf32, #tpu.memory_space<vmem_shared>>)
      tpu.yield
    }) : () -> ()
    %add3A_31 = arith.constant 128 : i32
    %add3A_32 = arith.addi %mul3A_2, %add3A_31 : i32
    "tpu.region"() ({
      %run_scoped3A = tpu.sem_alloc : memref<!tpu.dma_semaphore, #tpu.memory_space<semaphore_mem>>
      %dma_start3A_98 = arith.constant 0 : i32
      %dma_start3A_99 = tpu.memref_slice %arg16[%add3A_32, %dma_start3A_98] : memref<10240x128xf32, #tpu.memory_space<vmem_shared>> -> memref<128x128xf32, #tpu.memory_space<vmem_shared>>
      %dma_start3A_100 = arith.constant 0 : i32
      %dma_start3A_101 = tpu.memref_slice %arg16[%add3A_32, %dma_start3A_100] : memref<10240x128xf32, #tpu.memory_space<vmem_shared>> -> memref<128x128xf32, #tpu.memory_space<vmem_shared>>
      tpu.enqueue_dma source(%arg14 : memref<128x128xf32, #tpu.memory_space<vmem>>) target(%dma_start3A_101 : memref<128x128xf32, #tpu.memory_space<vmem_shared>>) target_semaphore(%run_scoped3A : memref<!tpu.dma_semaphore, #tpu.memory_space<semaphore_mem>>)
      %dma_wait3A_102 = arith.constant 0 : i32
      %dma_wait3A_103 = tpu.memref_slice %arg16[%add3A_32, %dma_wait3A_102] : memref<10240x128xf32, #tpu.memory_space<vmem_shared>> -> memref<128x128xf32, #tpu.memory_space<vmem_shared>>
      %dma_wait3A_104 = arith.constant 0 : i32
      %dma_wait3A_105 = tpu.memref_slice %arg16[%add3A_32, %dma_wait3A_104] : memref<10240x128xf32, #tpu.memory_space<vmem_shared>> -> memref<128x128xf32, #tpu.memory_space<vmem_shared>>
      tpu.wait_dma2 semaphore(%run_scoped3A : memref<!tpu.dma_semaphore, #tpu.memory_space<semaphore_mem>>) src(%arg14 : memref<128x128xf32, #tpu.memory_space<vmem>>) dst(%dma_wait3A_105 : memref<128x128xf32, #tpu.memory_space<vmem_shared>>)
      tpu.yield
    }) : () -> ()
    %add3A_33 = arith.constant 256 : i32
    %add3A_34 = arith.addi %mul3A_2, %add3A_33 : i32
    "tpu.region"() ({
      %run_scoped3A = tpu.sem_alloc : memref<!tpu.dma_semaphore, #tpu.memory_space<semaphore_mem>>
      %dma_start3A_98 = arith.constant 0 : i32
      %dma_start3A_99 = tpu.memref_slice %arg16[%add3A_34, %dma_start3A_98] : memref<10240x128xf32, #tpu.memory_space<vmem_shared>> -> memref<128x128xf32, #tpu.memory_space<vmem_shared>>
      %dma_start3A_100 = arith.constant 0 : i32
      %dma_start3A_101 = tpu.memref_slice %arg16[%add3A_34, %dma_start3A_100] : memref<10240x128xf32, #tpu.memory_space<vmem_shared>> -> memref<128x128xf32, #tpu.memory_space<vmem_shared>>
      tpu.enqueue_dma source(%arg14 : memref<128x128xf32, #tpu.memory_space<vmem>>) target(%dma_start3A_101 : memref<128x128xf32, #tpu.memory_space<vmem_shared>>) target_semaphore(%run_scoped3A : memref<!tpu.dma_semaphore, #tpu.memory_space<semaphore_mem>>)
      %dma_wait3A_102 = arith.constant 0 : i32
      %dma_wait3A_103 = tpu.memref_slice %arg16[%add3A_34, %dma_wait3A_102] : memref<10240x128xf32, #tpu.memory_space<vmem_shared>> -> memref<128x128xf32, #tpu.memory_space<vmem_shared>>
      %dma_wait3A_104 = arith.constant 0 : i32
      %dma_wait3A_105 = tpu.memref_slice %arg16[%add3A_34, %dma_wait3A_104] : memref<10240x128xf32, #tpu.memory_space<vmem_shared>> -> memref<128x128xf32, #tpu.memory_space<vmem_shared>>
      tpu.wait_dma2 semaphore(%run_scoped3A : memref<!tpu.dma_semaphore, #tpu.memory_space<semaphore_mem>>) src(%arg14 : memref<128x128xf32, #tpu.memory_space<vmem>>) dst(%dma_wait3A_105 : memref<128x128xf32, #tpu.memory_space<vmem_shared>>)
      tpu.yield
    }) : () -> ()
    %add3A_35 = arith.constant 384 : i32
    %add3A_36 = arith.addi %mul3A_2, %add3A_35 : i32
    "tpu.region"() ({
      %run_scoped3A = tpu.sem_alloc : memref<!tpu.dma_semaphore, #tpu.memory_space<semaphore_mem>>
      %dma_start3A_98 = arith.constant 0 : i32
      %dma_start3A_99 = tpu.memref_slice %arg16[%add3A_36, %dma_start3A_98] : memref<10240x128xf32, #tpu.memory_space<vmem_shared>> -> memref<128x128xf32, #tpu.memory_space<vmem_shared>>
      %dma_start3A_100 = arith.constant 0 : i32
      %dma_start3A_101 = tpu.memref_slice %arg16[%add3A_36, %dma_start3A_100] : memref<10240x128xf32, #tpu.memory_space<vmem_shared>> -> memref<128x128xf32, #tpu.memory_space<vmem_shared>>
      tpu.enqueue_dma source(%arg14 : memref<128x128xf32, #tpu.memory_space<vmem>>) target(%dma_start3A_101 : memref<128x128xf32, #tpu.memory_space<vmem_shared>>) target_semaphore(%run_scoped3A : memref<!tpu.dma_semaphore, #tpu.memory_space<semaphore_mem>>)
      %dma_wait3A_102 = arith.constant 0 : i32
      %dma_wait3A_103 = tpu.memref_slice %arg16[%add3A_36, %dma_wait3A_102] : memref<10240x128xf32, #tpu.memory_space<vmem_shared>> -> memref<128x128xf32, #tpu.memory_space<vmem_shared>>
      %dma_wait3A_104 = arith.constant 0 : i32
      %dma_wait3A_105 = tpu.memref_slice %arg16[%add3A_36, %dma_wait3A_104] : memref<10240x128xf32, #tpu.memory_space<vmem_shared>> -> memref<128x128xf32, #tpu.memory_space<vmem_shared>>
      tpu.wait_dma2 semaphore(%run_scoped3A : memref<!tpu.dma_semaphore, #tpu.memory_space<semaphore_mem>>) src(%arg14 : memref<128x128xf32, #tpu.memory_space<vmem>>) dst(%dma_wait3A_105 : memref<128x128xf32, #tpu.memory_space<vmem_shared>>)
      tpu.yield
    }) : () -> ()
    %add3A_37 = arith.constant 512 : i32
    %add3A_38 = arith.addi %mul3A_2, %add3A_37 : i32
    "tpu.region"() ({
      %run_scoped3A = tpu.sem_alloc : memref<!tpu.dma_semaphore, #tpu.memory_space<semaphore_mem>>
      %dma_start3A_98 = arith.constant 0 : i32
      %dma_start3A_99 = tpu.memref_slice %arg16[%add3A_38, %dma_start3A_98] : memref<10240x128xf32, #tpu.memory_space<vmem_shared>> -> memref<128x128xf32, #tpu.memory_space<vmem_shared>>
      %dma_start3A_100 = arith.constant 0 : i32
      %dma_start3A_101 = tpu.memref_slice %arg16[%add3A_38, %dma_start3A_100] : memref<10240x128xf32, #tpu.memory_space<vmem_shared>> -> memref<128x128xf32, #tpu.memory_space<vmem_shared>>
      tpu.enqueue_dma source(%arg14 : memref<128x128xf32, #tpu.memory_space<vmem>>) target(%dma_start3A_101 : memref<128x128xf32, #tpu.memory_space<vmem_shared>>) target_semaphore(%run_scoped3A : memref<!tpu.dma_semaphore, #tpu.memory_space<semaphore_mem>>)
      %dma_wait3A_102 = arith.constant 0 : i32
      %dma_wait3A_103 = tpu.memref_slice %arg16[%add3A_38, %dma_wait3A_102] : memref<10240x128xf32, #tpu.memory_space<vmem_shared>> -> memref<128x128xf32, #tpu.memory_space<vmem_shared>>
      %dma_wait3A_104 = arith.constant 0 : i32
      %dma_wait3A_105 = tpu.memref_slice %arg16[%add3A_38, %dma_wait3A_104] : memref<10240x128xf32, #tpu.memory_space<vmem_shared>> -> memref<128x128xf32, #tpu.memory_space<vmem_shared>>
      tpu.wait_dma2 semaphore(%run_scoped3A : memref<!tpu.dma_semaphore, #tpu.memory_space<semaphore_mem>>) src(%arg14 : memref<128x128xf32, #tpu.memory_space<vmem>>) dst(%dma_wait3A_105 : memref<128x128xf32, #tpu.memory_space<vmem_shared>>)
      tpu.yield
    }) : () -> ()
    %barrier3A_39 = arith.constant 0 : index
    tpu.barrier barrier_id(%barrier3A_39)
    %mul3A_40 = arith.constant 80 : i32
    %mul3A_41 = arith.muli %add3A, %mul3A_40 : i32
    %add3A_42 = arith.constant 0 : i32
    %add3A_43 = arith.addi %mul3A_41, %add3A_42 : i32
    %mul3A_44 = arith.constant 128 : i32
    %mul3A_45 = arith.muli %add3A_43, %mul3A_44 : i32
    %dma_start3A = tpu.memref_slice %arg3[%mul3A_45] : memref<327680xi32, #tpu.memory_space<hbm>> -> memref<128xi32, #tpu.memory_space<hbm>>
    %dma_start3A_46 = tpu.memref_slice %arg3[%mul3A_45] : memref<327680xi32, #tpu.memory_space<hbm>> -> memref<128xi32, #tpu.memory_space<hbm>>
    tpu.enqueue_dma source(%dma_start3A_46 : memref<128xi32, #tpu.memory_space<hbm>>) target(%arg9 : memref<128xi32, #tpu.memory_space<vmem>>) target_semaphore(%arg17 : memref<!tpu.dma_semaphore, #tpu.memory_space<semaphore_mem>>)
    %mul3A_47 = arith.constant 80 : i32
    %mul3A_48 = arith.muli %add3A, %mul3A_47 : i32
    %add3A_49 = arith.constant 1 : i32
    %add3A_50 = arith.addi %mul3A_48, %add3A_49 : i32
    %mul3A_51 = arith.constant 128 : i32
    %mul3A_52 = arith.muli %add3A_50, %mul3A_51 : i32
    %dma_start3A_53 = tpu.memref_slice %arg3[%mul3A_52] : memref<327680xi32, #tpu.memory_space<hbm>> -> memref<128xi32, #tpu.memory_space<hbm>>
    %dma_start3A_54 = tpu.memref_slice %arg3[%mul3A_52] : memref<327680xi32, #tpu.memory_space<hbm>> -> memref<128xi32, #tpu.memory_space<hbm>>
    tpu.enqueue_dma source(%dma_start3A_54 : memref<128xi32, #tpu.memory_space<hbm>>) target(%arg10 : memref<128xi32, #tpu.memory_space<vmem>>) target_semaphore(%arg18 : memref<!tpu.dma_semaphore, #tpu.memory_space<semaphore_mem>>)
    %mul3A_55 = arith.constant 80 : i32
    %mul3A_56 = arith.muli %add3A, %mul3A_55 : i32
    %add3A_57 = arith.constant 2 : i32
    %add3A_58 = arith.addi %mul3A_56, %add3A_57 : i32
    %mul3A_59 = arith.constant 128 : i32
    %mul3A_60 = arith.muli %add3A_58, %mul3A_59 : i32
    %dma_start3A_61 = tpu.memref_slice %arg3[%mul3A_60] : memref<327680xi32, #tpu.memory_space<hbm>> -> memref<128xi32, #tpu.memory_space<hbm>>
    %dma_start3A_62 = tpu.memref_slice %arg3[%mul3A_60] : memref<327680xi32, #tpu.memory_space<hbm>> -> memref<128xi32, #tpu.memory_space<hbm>>
    tpu.enqueue_dma source(%dma_start3A_62 : memref<128xi32, #tpu.memory_space<hbm>>) target(%arg11 : memref<128xi32, #tpu.memory_space<vmem>>) target_semaphore(%arg19 : memref<!tpu.dma_semaphore, #tpu.memory_space<semaphore_mem>>)
    %mul3A_63 = arith.constant 80 : i32
    %mul3A_64 = arith.muli %add3A, %mul3A_63 : i32
    %add3A_65 = arith.constant 3 : i32
    %add3A_66 = arith.addi %mul3A_64, %add3A_65 : i32
    %mul3A_67 = arith.constant 128 : i32
    %mul3A_68 = arith.muli %add3A_66, %mul3A_67 : i32
    %dma_start3A_69 = tpu.memref_slice %arg3[%mul3A_68] : memref<327680xi32, #tpu.memory_space<hbm>> -> memref<128xi32, #tpu.memory_space<hbm>>
    %dma_start3A_70 = tpu.memref_slice %arg3[%mul3A_68] : memref<327680xi32, #tpu.memory_space<hbm>> -> memref<128xi32, #tpu.memory_space<hbm>>
    tpu.enqueue_dma source(%dma_start3A_70 : memref<128xi32, #tpu.memory_space<hbm>>) target(%arg12 : memref<128xi32, #tpu.memory_space<vmem>>) target_semaphore(%arg20 : memref<!tpu.dma_semaphore, #tpu.memory_space<semaphore_mem>>)
    %mul3A_71 = arith.constant 80 : i32
    %mul3A_72 = arith.muli %add3A, %mul3A_71 : i32
    %add3A_73 = arith.constant 0 : i32
    %add3A_74 = arith.addi %mul3A_72, %add3A_73 : i32
    %mul3A_75 = arith.constant 128 : i32
    %mul3A_76 = arith.muli %add3A_74, %mul3A_75 : i32
    %dma_wait3A = tpu.memref_slice %arg3[%mul3A_76] : memref<327680xi32, #tpu.memory_space<hbm>> -> memref<128xi32, #tpu.memory_space<hbm>>
    %dma_wait3A_77 = tpu.memref_slice %arg3[%mul3A_76] : memref<327680xi32, #tpu.memory_space<hbm>> -> memref<128xi32, #tpu.memory_space<hbm>>
    tpu.wait_dma2 semaphore(%arg17 : memref<!tpu.dma_semaphore, #tpu.memory_space<semaphore_mem>>) src(%dma_wait3A_77 : memref<128xi32, #tpu.memory_space<hbm>>) dst(%arg9 : memref<128xi32, #tpu.memory_space<vmem>>)
    %dma_start3A_78 = arith.constant 0 : i32
    %dma_start3A_79 = arith.constant 0 : i32
    %dma_start3A_80 = tpu.memref_slice %arg2[%dma_start3A_78, %dma_start3A_79] : memref<10000x128xf32, #tpu.memory_space<hbm>> -> memref<10000x128xf32, #tpu.memory_space<hbm>>
    tpu.enqueue_indirect_dma source(%dma_start3A_80 : memref<10000x128xf32, #tpu.memory_space<hbm>>) target(%arg14 : memref<128x128xf32, #tpu.memory_space<vmem>>) offsets(%arg9 : memref<128xi32, #tpu.memory_space<vmem>>) semaphore(%arg21 : memref<!tpu.dma_semaphore, #tpu.memory_space<semaphore_mem>>)
    %scan3A_81 = arith.constant 0 : i32
    %scan3A_82 = arith.constant 0 : i32
    %scan3A_83 = arith.constant 20 : i32
    %scan3A_84 = arith.addi %scan3A_82, %scan3A_83 : i32
    %scan3A_85 = arith.constant 1 : i32
    scf.for %scan3A_98 = %scan3A_82 to %scan3A_84 step %scan3A_85  : i32 {
      %mul3A_99 = arith.constant 4 : i32
      %mul3A_100 = arith.muli %mul3A_99, %scan3A_98 : i32
      %add3A_101 = arith.constant 0 : i32
      %add3A_102 = arith.addi %mul3A_100, %add3A_101 : i32
      %add3A_103 = arith.constant 1 : i32
      %add3A_104 = arith.addi %add3A_102, %add3A_103 : i32
      %lt3A = arith.constant 80 : i32
      %lt3A_105 = arith.cmpi slt, %add3A_104, %lt3A : i32
      %convert_element_type3A = arith.extui %lt3A_105 : i1 to i32
      %cond3A = arith.constant 0 : i32
      %cond3A_106 = arith.cmpi ne, %convert_element_type3A, %cond3A : i32
      scf.if %cond3A_106 {
        %add3A_180 = arith.constant 1 : i32
        %add3A_181 = arith.addi %add3A_102, %add3A_180 : i32
        %mul3A_182 = arith.constant 80 : i32
        %mul3A_183 = arith.muli %add3A, %mul3A_182 : i32
        %add3A_184 = arith.addi %mul3A_183, %add3A_181 : i32
        %mul3A_185 = arith.constant 128 : i32
        %mul3A_186 = arith.muli %add3A_184, %mul3A_185 : i32
        %dma_wait3A_187 = tpu.memref_slice %arg3[%mul3A_186] : memref<327680xi32, #tpu.memory_space<hbm>> -> memref<128xi32, #tpu.memory_space<hbm>>
        %dma_wait3A_188 = tpu.memref_slice %arg3[%mul3A_186] : memref<327680xi32, #tpu.memory_space<hbm>> -> memref<128xi32, #tpu.memory_space<hbm>>
        tpu.wait_dma2 semaphore(%arg18 : memref<!tpu.dma_semaphore, #tpu.memory_space<semaphore_mem>>) src(%dma_wait3A_188 : memref<128xi32, #tpu.memory_space<hbm>>) dst(%arg10 : memref<128xi32, #tpu.memory_space<vmem>>)
        %dma_start3A_189 = arith.constant 0 : i32
        %dma_start3A_190 = arith.constant 0 : i32
        %dma_start3A_191 = tpu.memref_slice %arg2[%dma_start3A_189, %dma_start3A_190] : memref<10000x128xf32, #tpu.memory_space<hbm>> -> memref<10000x128xf32, #tpu.memory_space<hbm>>
        tpu.enqueue_indirect_dma source(%dma_start3A_191 : memref<10000x128xf32, #tpu.memory_space<hbm>>) target(%arg15 : memref<128x128xf32, #tpu.memory_space<vmem>>) offsets(%arg10 : memref<128xi32, #tpu.memory_space<vmem>>) semaphore(%arg22 : memref<!tpu.dma_semaphore, #tpu.memory_space<semaphore_mem>>)
      } else {
      }
      %dma_wait3A_107 = arith.constant 0 : i32
      %dma_wait3A_108 = arith.constant 0 : i32
      %dma_wait3A_109 = tpu.memref_slice %arg2[%dma_wait3A_107, %dma_wait3A_108] : memref<10000x128xf32, #tpu.memory_space<hbm>> -> memref<10000x128xf32, #tpu.memory_space<hbm>>
      tpu.wait_indirect_dma semaphore(%arg21 : memref<!tpu.dma_semaphore, #tpu.memory_space<semaphore_mem>>) src(%dma_wait3A_109 : memref<10000x128xf32, #tpu.memory_space<hbm>>) dst(%arg14 : memref<128x128xf32, #tpu.memory_space<vmem>>)
      "tpu.region"() ({
        %run_scoped3A = tpu.sem_alloc : memref<!tpu.dma_semaphore, #tpu.memory_space<semaphore_mem>>
        %dma_start3A_180 = arith.constant 0 : i32
        %dma_start3A_181 = tpu.memref_slice %arg13[%add3A_102, %dma_start3A_180] : memref<80x128xi32, #tpu.memory_space<vmem>> -> memref<1x128xi32, #tpu.memory_space<vmem>>
        %dma_start3A_182 = tpu.memref_squeeze %dma_start3A_181 : memref<1x128xi32, #tpu.memory_space<vmem>> -> memref<128xi32, #tpu.memory_space<vmem>>
        %dma_start3A_183 = arith.constant 0 : i32
        %dma_start3A_184 = arith.constant 0 : i32
        %dma_start3A_185 = tpu.memref_slice %arg16[%dma_start3A_183, %dma_start3A_184] : memref<10240x128xf32, #tpu.memory_space<vmem_shared>> -> memref<10240x128xf32, #tpu.memory_space<vmem_shared>>
        tpu.enqueue_indirect_dma source(%arg14 : memref<128x128xf32, #tpu.memory_space<vmem>>) target(%dma_start3A_185 : memref<10240x128xf32, #tpu.memory_space<vmem_shared>>) offsets(%dma_start3A_182 : memref<128xi32, #tpu.memory_space<vmem>>) semaphore(%run_scoped3A : memref<!tpu.dma_semaphore, #tpu.memory_space<semaphore_mem>>) {add = true}
        %dma_wait3A_186 = arith.constant 0 : i32
        %dma_wait3A_187 = tpu.memref_slice %arg13[%add3A_102, %dma_wait3A_186] : memref<80x128xi32, #tpu.memory_space<vmem>> -> memref<1x128xi32, #tpu.memory_space<vmem>>
        %dma_wait3A_188 = tpu.memref_squeeze %dma_wait3A_187 : memref<1x128xi32, #tpu.memory_space<vmem>> -> memref<128xi32, #tpu.memory_space<vmem>>
        %dma_wait3A_189 = arith.constant 0 : i32
        %dma_wait3A_190 = arith.constant 0 : i32
        %dma_wait3A_191 = tpu.memref_slice %arg16[%dma_wait3A_189, %dma_wait3A_190] : memref<10240x128xf32, #tpu.memory_space<vmem_shared>> -> memref<10240x128xf32, #tpu.memory_space<vmem_shared>>
        tpu.wait_indirect_dma semaphore(%run_scoped3A : memref<!tpu.dma_semaphore, #tpu.memory_space<semaphore_mem>>) src(%arg14 : memref<128x128xf32, #tpu.memory_space<vmem>>) dst(%dma_wait3A_191 : memref<10240x128xf32, #tpu.memory_space<vmem_shared>>)
        tpu.yield
      }) : () -> ()
      %add3A_110 = arith.constant 4 : i32
      %add3A_111 = arith.addi %add3A_102, %add3A_110 : i32
      %lt3A_112 = arith.constant 80 : i32
      %lt3A_113 = arith.cmpi slt, %add3A_111, %lt3A_112 : i32
      %convert_element_type3A_114 = arith.extui %lt3A_113 : i1 to i32
      %cond3A_115 = arith.constant 0 : i32
      %cond3A_116 = arith.cmpi ne, %convert_element_type3A_114, %cond3A_115 : i32
      scf.if %cond3A_116 {
        %add3A_180 = arith.constant 4 : i32
        %add3A_181 = arith.addi %add3A_102, %add3A_180 : i32
        %mul3A_182 = arith.constant 80 : i32
        %mul3A_183 = arith.muli %add3A, %mul3A_182 : i32
        %add3A_184 = arith.addi %mul3A_183, %add3A_181 : i32
        %mul3A_185 = arith.constant 128 : i32
        %mul3A_186 = arith.muli %add3A_184, %mul3A_185 : i32
        %dma_start3A_187 = tpu.memref_slice %arg3[%mul3A_186] : memref<327680xi32, #tpu.memory_space<hbm>> -> memref<128xi32, #tpu.memory_space<hbm>>
        %dma_start3A_188 = tpu.memref_slice %arg3[%mul3A_186] : memref<327680xi32, #tpu.memory_space<hbm>> -> memref<128xi32, #tpu.memory_space<hbm>>
        tpu.enqueue_dma source(%dma_start3A_188 : memref<128xi32, #tpu.memory_space<hbm>>) target(%arg9 : memref<128xi32, #tpu.memory_space<vmem>>) target_semaphore(%arg17 : memref<!tpu.dma_semaphore, #tpu.memory_space<semaphore_mem>>)
      } else {
      }
      %mul3A_117 = arith.constant 4 : i32
      %mul3A_118 = arith.muli %mul3A_117, %scan3A_98 : i32
      %add3A_119 = arith.constant 1 : i32
      %add3A_120 = arith.addi %mul3A_118, %add3A_119 : i32
      %add3A_121 = arith.constant 1 : i32
      %add3A_122 = arith.addi %add3A_120, %add3A_121 : i32
      %lt3A_123 = arith.constant 80 : i32
      %lt3A_124 = arith.cmpi slt, %add3A_122, %lt3A_123 : i32
      %convert_element_type3A_125 = arith.extui %lt3A_124 : i1 to i32
      %cond3A_126 = arith.constant 0 : i32
      %cond3A_127 = arith.cmpi ne, %convert_element_type3A_125, %cond3A_126 : i32
      scf.if %cond3A_127 {
        %add3A_180 = arith.constant 1 : i32
        %add3A_181 = arith.addi %add3A_120, %add3A_180 : i32
        %mul3A_182 = arith.constant 80 : i32
        %mul3A_183 = arith.muli %add3A, %mul3A_182 : i32
        %add3A_184 = arith.addi %mul3A_183, %add3A_181 : i32
        %mul3A_185 = arith.constant 128 : i32
        %mul3A_186 = arith.muli %add3A_184, %mul3A_185 : i32
        %dma_wait3A_187 = tpu.memref_slice %arg3[%mul3A_186] : memref<327680xi32, #tpu.memory_space<hbm>> -> memref<128xi32, #tpu.memory_space<hbm>>
        %dma_wait3A_188 = tpu.memref_slice %arg3[%mul3A_186] : memref<327680xi32, #tpu.memory_space<hbm>> -> memref<128xi32, #tpu.memory_space<hbm>>
        tpu.wait_dma2 semaphore(%arg19 : memref<!tpu.dma_semaphore, #tpu.memory_space<semaphore_mem>>) src(%dma_wait3A_188 : memref<128xi32, #tpu.memory_space<hbm>>) dst(%arg11 : memref<128xi32, #tpu.memory_space<vmem>>)
        %dma_start3A_189 = arith.constant 0 : i32
        %dma_start3A_190 = arith.constant 0 : i32
        %dma_start3A_191 = tpu.memref_slice %arg2[%dma_start3A_189, %dma_start3A_190] : memref<10000x128xf32, #tpu.memory_space<hbm>> -> memref<10000x128xf32, #tpu.memory_space<hbm>>
        tpu.enqueue_indirect_dma source(%dma_start3A_191 : memref<10000x128xf32, #tpu.memory_space<hbm>>) target(%arg14 : memref<128x128xf32, #tpu.memory_space<vmem>>) offsets(%arg11 : memref<128xi32, #tpu.memory_space<vmem>>) semaphore(%arg21 : memref<!tpu.dma_semaphore, #tpu.memory_space<semaphore_mem>>)
      } else {
      }
      %dma_wait3A_128 = arith.constant 0 : i32
      %dma_wait3A_129 = arith.constant 0 : i32
      %dma_wait3A_130 = tpu.memref_slice %arg2[%dma_wait3A_128, %dma_wait3A_129] : memref<10000x128xf32, #tpu.memory_space<hbm>> -> memref<10000x128xf32, #tpu.memory_space<hbm>>
      tpu.wait_indirect_dma semaphore(%arg22 : memref<!tpu.dma_semaphore, #tpu.memory_space<semaphore_mem>>) src(%dma_wait3A_130 : memref<10000x128xf32, #tpu.memory_space<hbm>>) dst(%arg15 : memref<128x128xf32, #tpu.memory_space<vmem>>)
      "tpu.region"() ({
        %run_scoped3A = tpu.sem_alloc : memref<!tpu.dma_semaphore, #tpu.memory_space<semaphore_mem>>
        %dma_start3A_180 = arith.constant 0 : i32
        %dma_start3A_181 = tpu.memref_slice %arg13[%add3A_120, %dma_start3A_180] : memref<80x128xi32, #tpu.memory_space<vmem>> -> memref<1x128xi32, #tpu.memory_space<vmem>>
        %dma_start3A_182 = tpu.memref_squeeze %dma_start3A_181 : memref<1x128xi32, #tpu.memory_space<vmem>> -> memref<128xi32, #tpu.memory_space<vmem>>
        %dma_start3A_183 = arith.constant 0 : i32
        %dma_start3A_184 = arith.constant 0 : i32
        %dma_start3A_185 = tpu.memref_slice %arg16[%dma_start3A_183, %dma_start3A_184] : memref<10240x128xf32, #tpu.memory_space<vmem_shared>> -> memref<10240x128xf32, #tpu.memory_space<vmem_shared>>
        tpu.enqueue_indirect_dma source(%arg15 : memref<128x128xf32, #tpu.memory_space<vmem>>) target(%dma_start3A_185 : memref<10240x128xf32, #tpu.memory_space<vmem_shared>>) offsets(%dma_start3A_182 : memref<128xi32, #tpu.memory_space<vmem>>) semaphore(%run_scoped3A : memref<!tpu.dma_semaphore, #tpu.memory_space<semaphore_mem>>) {add = true}
        %dma_wait3A_186 = arith.constant 0 : i32
        %dma_wait3A_187 = tpu.memref_slice %arg13[%add3A_120, %dma_wait3A_186] : memref<80x128xi32, #tpu.memory_space<vmem>> -> memref<1x128xi32, #tpu.memory_space<vmem>>
        %dma_wait3A_188 = tpu.memref_squeeze %dma_wait3A_187 : memref<1x128xi32, #tpu.memory_space<vmem>> -> memref<128xi32, #tpu.memory_space<vmem>>
        %dma_wait3A_189 = arith.constant 0 : i32
        %dma_wait3A_190 = arith.constant 0 : i32
        %dma_wait3A_191 = tpu.memref_slice %arg16[%dma_wait3A_189, %dma_wait3A_190] : memref<10240x128xf32, #tpu.memory_space<vmem_shared>> -> memref<10240x128xf32, #tpu.memory_space<vmem_shared>>
        tpu.wait_indirect_dma semaphore(%run_scoped3A : memref<!tpu.dma_semaphore, #tpu.memory_space<semaphore_mem>>) src(%arg15 : memref<128x128xf32, #tpu.memory_space<vmem>>) dst(%dma_wait3A_191 : memref<10240x128xf32, #tpu.memory_space<vmem_shared>>)
        tpu.yield
      }) : () -> ()
      %add3A_131 = arith.constant 4 : i32
      %add3A_132 = arith.addi %add3A_120, %add3A_131 : i32
      %lt3A_133 = arith.constant 80 : i32
      %lt3A_134 = arith.cmpi slt, %add3A_132, %lt3A_133 : i32
      %convert_element_type3A_135 = arith.extui %lt3A_134 : i1 to i32
      %cond3A_136 = arith.constant 0 : i32
      %cond3A_137 = arith.cmpi ne, %convert_element_type3A_135, %cond3A_136 : i32
      scf.if %cond3A_137 {
        %add3A_180 = arith.constant 4 : i32
        %add3A_181 = arith.addi %add3A_120, %add3A_180 : i32
        %mul3A_182 = arith.constant 80 : i32
        %mul3A_183 = arith.muli %add3A, %mul3A_182 : i32
        %add3A_184 = arith.addi %mul3A_183, %add3A_181 : i32
        %mul3A_185 = arith.constant 128 : i32
        %mul3A_186 = arith.muli %add3A_184, %mul3A_185 : i32
        %dma_start3A_187 = tpu.memref_slice %arg3[%mul3A_186] : memref<327680xi32, #tpu.memory_space<hbm>> -> memref<128xi32, #tpu.memory_space<hbm>>
        %dma_start3A_188 = tpu.memref_slice %arg3[%mul3A_186] : memref<327680xi32, #tpu.memory_space<hbm>> -> memref<128xi32, #tpu.memory_space<hbm>>
        tpu.enqueue_dma source(%dma_start3A_188 : memref<128xi32, #tpu.memory_space<hbm>>) target(%arg10 : memref<128xi32, #tpu.memory_space<vmem>>) target_semaphore(%arg18 : memref<!tpu.dma_semaphore, #tpu.memory_space<semaphore_mem>>)
      } else {
      }
      %mul3A_138 = arith.constant 4 : i32
      %mul3A_139 = arith.muli %mul3A_138, %scan3A_98 : i32
      %add3A_140 = arith.constant 2 : i32
      %add3A_141 = arith.addi %mul3A_139, %add3A_140 : i32
      %add3A_142 = arith.constant 1 : i32
      %add3A_143 = arith.addi %add3A_141, %add3A_142 : i32
      %lt3A_144 = arith.constant 80 : i32
      %lt3A_145 = arith.cmpi slt, %add3A_143, %lt3A_144 : i32
      %convert_element_type3A_146 = arith.extui %lt3A_145 : i1 to i32
      %cond3A_147 = arith.constant 0 : i32
      %cond3A_148 = arith.cmpi ne, %convert_element_type3A_146, %cond3A_147 : i32
      scf.if %cond3A_148 {
        %add3A_180 = arith.constant 1 : i32
        %add3A_181 = arith.addi %add3A_141, %add3A_180 : i32
        %mul3A_182 = arith.constant 80 : i32
        %mul3A_183 = arith.muli %add3A, %mul3A_182 : i32
        %add3A_184 = arith.addi %mul3A_183, %add3A_181 : i32
        %mul3A_185 = arith.constant 128 : i32
        %mul3A_186 = arith.muli %add3A_184, %mul3A_185 : i32
        %dma_wait3A_187 = tpu.memref_slice %arg3[%mul3A_186] : memref<327680xi32, #tpu.memory_space<hbm>> -> memref<128xi32, #tpu.memory_space<hbm>>
        %dma_wait3A_188 = tpu.memref_slice %arg3[%mul3A_186] : memref<327680xi32, #tpu.memory_space<hbm>> -> memref<128xi32, #tpu.memory_space<hbm>>
        tpu.wait_dma2 semaphore(%arg20 : memref<!tpu.dma_semaphore, #tpu.memory_space<semaphore_mem>>) src(%dma_wait3A_188 : memref<128xi32, #tpu.memory_space<hbm>>) dst(%arg12 : memref<128xi32, #tpu.memory_space<vmem>>)
        %dma_start3A_189 = arith.constant 0 : i32
        %dma_start3A_190 = arith.constant 0 : i32
        %dma_start3A_191 = tpu.memref_slice %arg2[%dma_start3A_189, %dma_start3A_190] : memref<10000x128xf32, #tpu.memory_space<hbm>> -> memref<10000x128xf32, #tpu.memory_space<hbm>>
        tpu.enqueue_indirect_dma source(%dma_start3A_191 : memref<10000x128xf32, #tpu.memory_space<hbm>>) target(%arg15 : memref<128x128xf32, #tpu.memory_space<vmem>>) offsets(%arg12 : memref<128xi32, #tpu.memory_space<vmem>>) semaphore(%arg22 : memref<!tpu.dma_semaphore, #tpu.memory_space<semaphore_mem>>)
      } else {
      }
      %dma_wait3A_149 = arith.constant 0 : i32
      %dma_wait3A_150 = arith.constant 0 : i32
      %dma_wait3A_151 = tpu.memref_slice %arg2[%dma_wait3A_149, %dma_wait3A_150] : memref<10000x128xf32, #tpu.memory_space<hbm>> -> memref<10000x128xf32, #tpu.memory_space<hbm>>
      tpu.wait_indirect_dma semaphore(%arg21 : memref<!tpu.dma_semaphore, #tpu.memory_space<semaphore_mem>>) src(%dma_wait3A_151 : memref<10000x128xf32, #tpu.memory_space<hbm>>) dst(%arg14 : memref<128x128xf32, #tpu.memory_space<vmem>>)
      "tpu.region"() ({
        %run_scoped3A = tpu.sem_alloc : memref<!tpu.dma_semaphore, #tpu.memory_space<semaphore_mem>>
        %dma_start3A_180 = arith.constant 0 : i32
        %dma_start3A_181 = tpu.memref_slice %arg13[%add3A_141, %dma_start3A_180] : memref<80x128xi32, #tpu.memory_space<vmem>> -> memref<1x128xi32, #tpu.memory_space<vmem>>
        %dma_start3A_182 = tpu.memref_squeeze %dma_start3A_181 : memref<1x128xi32, #tpu.memory_space<vmem>> -> memref<128xi32, #tpu.memory_space<vmem>>
        %dma_start3A_183 = arith.constant 0 : i32
        %dma_start3A_184 = arith.constant 0 : i32
        %dma_start3A_185 = tpu.memref_slice %arg16[%dma_start3A_183, %dma_start3A_184] : memref<10240x128xf32, #tpu.memory_space<vmem_shared>> -> memref<10240x128xf32, #tpu.memory_space<vmem_shared>>
        tpu.enqueue_indirect_dma source(%arg14 : memref<128x128xf32, #tpu.memory_space<vmem>>) target(%dma_start3A_185 : memref<10240x128xf32, #tpu.memory_space<vmem_shared>>) offsets(%dma_start3A_182 : memref<128xi32, #tpu.memory_space<vmem>>) semaphore(%run_scoped3A : memref<!tpu.dma_semaphore, #tpu.memory_space<semaphore_mem>>) {add = true}
        %dma_wait3A_186 = arith.constant 0 : i32
        %dma_wait3A_187 = tpu.memref_slice %arg13[%add3A_141, %dma_wait3A_186] : memref<80x128xi32, #tpu.memory_space<vmem>> -> memref<1x128xi32, #tpu.memory_space<vmem>>
        %dma_wait3A_188 = tpu.memref_squeeze %dma_wait3A_187 : memref<1x128xi32, #tpu.memory_space<vmem>> -> memref<128xi32, #tpu.memory_space<vmem>>
        %dma_wait3A_189 = arith.constant 0 : i32
        %dma_wait3A_190 = arith.constant 0 : i32
        %dma_wait3A_191 = tpu.memref_slice %arg16[%dma_wait3A_189, %dma_wait3A_190] : memref<10240x128xf32, #tpu.memory_space<vmem_shared>> -> memref<10240x128xf32, #tpu.memory_space<vmem_shared>>
        tpu.wait_indirect_dma semaphore(%run_scoped3A : memref<!tpu.dma_semaphore, #tpu.memory_space<semaphore_mem>>) src(%arg14 : memref<128x128xf32, #tpu.memory_space<vmem>>) dst(%dma_wait3A_191 : memref<10240x128xf32, #tpu.memory_space<vmem_shared>>)
        tpu.yield
      }) : () -> ()
      %add3A_152 = arith.constant 4 : i32
      %add3A_153 = arith.addi %add3A_141, %add3A_152 : i32
      %lt3A_154 = arith.constant 80 : i32
      %lt3A_155 = arith.cmpi slt, %add3A_153, %lt3A_154 : i32
      %convert_element_type3A_156 = arith.extui %lt3A_155 : i1 to i32
      %cond3A_157 = arith.constant 0 : i32
      %cond3A_158 = arith.cmpi ne, %convert_element_type3A_156, %cond3A_157 : i32
      scf.if %cond3A_158 {
        %add3A_180 = arith.constant 4 : i32
        %add3A_181 = arith.addi %add3A_141, %add3A_180 : i32
        %mul3A_182 = arith.constant 80 : i32
        %mul3A_183 = arith.muli %add3A, %mul3A_182 : i32
        %add3A_184 = arith.addi %mul3A_183, %add3A_181 : i32
        %mul3A_185 = arith.constant 128 : i32
        %mul3A_186 = arith.muli %add3A_184, %mul3A_185 : i32
        %dma_start3A_187 = tpu.memref_slice %arg3[%mul3A_186] : memref<327680xi32, #tpu.memory_space<hbm>> -> memref<128xi32, #tpu.memory_space<hbm>>
        %dma_start3A_188 = tpu.memref_slice %arg3[%mul3A_186] : memref<327680xi32, #tpu.memory_space<hbm>> -> memref<128xi32, #tpu.memory_space<hbm>>
        tpu.enqueue_dma source(%dma_start3A_188 : memref<128xi32, #tpu.memory_space<hbm>>) target(%arg11 : memref<128xi32, #tpu.memory_space<vmem>>) target_semaphore(%arg19 : memref<!tpu.dma_semaphore, #tpu.memory_space<semaphore_mem>>)
      } else {
      }
      %mul3A_159 = arith.constant 4 : i32
      %mul3A_160 = arith.muli %mul3A_159, %scan3A_98 : i32
      %add3A_161 = arith.constant 3 : i32
      %add3A_162 = arith.addi %mul3A_160, %add3A_161 : i32
      %add3A_163 = arith.constant 1 : i32
      %add3A_164 = arith.addi %add3A_162, %add3A_163 : i32
      %lt3A_165 = arith.constant 80 : i32
      %lt3A_166 = arith.cmpi slt, %add3A_164, %lt3A_165 : i32
      %convert_element_type3A_167 = arith.extui %lt3A_166 : i1 to i32
      %cond3A_168 = arith.constant 0 : i32
      %cond3A_169 = arith.cmpi ne, %convert_element_type3A_167, %cond3A_168 : i32
      scf.if %cond3A_169 {
        %add3A_180 = arith.constant 1 : i32
        %add3A_181 = arith.addi %add3A_162, %add3A_180 : i32
        %mul3A_182 = arith.constant 80 : i32
        %mul3A_183 = arith.muli %add3A, %mul3A_182 : i32
        %add3A_184 = arith.addi %mul3A_183, %add3A_181 : i32
        %mul3A_185 = arith.constant 128 : i32
        %mul3A_186 = arith.muli %add3A_184, %mul3A_185 : i32
        %dma_wait3A_187 = tpu.memref_slice %arg3[%mul3A_186] : memref<327680xi32, #tpu.memory_space<hbm>> -> memref<128xi32, #tpu.memory_space<hbm>>
        %dma_wait3A_188 = tpu.memref_slice %arg3[%mul3A_186] : memref<327680xi32, #tpu.memory_space<hbm>> -> memref<128xi32, #tpu.memory_space<hbm>>
        tpu.wait_dma2 semaphore(%arg17 : memref<!tpu.dma_semaphore, #tpu.memory_space<semaphore_mem>>) src(%dma_wait3A_188 : memref<128xi32, #tpu.memory_space<hbm>>) dst(%arg9 : memref<128xi32, #tpu.memory_space<vmem>>)
        %dma_start3A_189 = arith.constant 0 : i32
        %dma_start3A_190 = arith.constant 0 : i32
        %dma_start3A_191 = tpu.memref_slice %arg2[%dma_start3A_189, %dma_start3A_190] : memref<10000x128xf32, #tpu.memory_space<hbm>> -> memref<10000x128xf32, #tpu.memory_space<hbm>>
        tpu.enqueue_indirect_dma source(%dma_start3A_191 : memref<10000x128xf32, #tpu.memory_space<hbm>>) target(%arg14 : memref<128x128xf32, #tpu.memory_space<vmem>>) offsets(%arg9 : memref<128xi32, #tpu.memory_space<vmem>>) semaphore(%arg21 : memref<!tpu.dma_semaphore, #tpu.memory_space<semaphore_mem>>)
      } else {
      }
      %dma_wait3A_170 = arith.constant 0 : i32
      %dma_wait3A_171 = arith.constant 0 : i32
      %dma_wait3A_172 = tpu.memref_slice %arg2[%dma_wait3A_170, %dma_wait3A_171] : memref<10000x128xf32, #tpu.memory_space<hbm>> -> memref<10000x128xf32, #tpu.memory_space<hbm>>
      tpu.wait_indirect_dma semaphore(%arg22 : memref<!tpu.dma_semaphore, #tpu.memory_space<semaphore_mem>>) src(%dma_wait3A_172 : memref<10000x128xf32, #tpu.memory_space<hbm>>) dst(%arg15 : memref<128x128xf32, #tpu.memory_space<vmem>>)
      "tpu.region"() ({
        %run_scoped3A = tpu.sem_alloc : memref<!tpu.dma_semaphore, #tpu.memory_space<semaphore_mem>>
        %dma_start3A_180 = arith.constant 0 : i32
        %dma_start3A_181 = tpu.memref_slice %arg13[%add3A_162, %dma_start3A_180] : memref<80x128xi32, #tpu.memory_space<vmem>> -> memref<1x128xi32, #tpu.memory_space<vmem>>
        %dma_start3A_182 = tpu.memref_squeeze %dma_start3A_181 : memref<1x128xi32, #tpu.memory_space<vmem>> -> memref<128xi32, #tpu.memory_space<vmem>>
        %dma_start3A_183 = arith.constant 0 : i32
        %dma_start3A_184 = arith.constant 0 : i32
        %dma_start3A_185 = tpu.memref_slice %arg16[%dma_start3A_183, %dma_start3A_184] : memref<10240x128xf32, #tpu.memory_space<vmem_shared>> -> memref<10240x128xf32, #tpu.memory_space<vmem_shared>>
        tpu.enqueue_indirect_dma source(%arg15 : memref<128x128xf32, #tpu.memory_space<vmem>>) target(%dma_start3A_185 : memref<10240x128xf32, #tpu.memory_space<vmem_shared>>) offsets(%dma_start3A_182 : memref<128xi32, #tpu.memory_space<vmem>>) semaphore(%run_scoped3A : memref<!tpu.dma_semaphore, #tpu.memory_space<semaphore_mem>>) {add = true}
        %dma_wait3A_186 = arith.constant 0 : i32
        %dma_wait3A_187 = tpu.memref_slice %arg13[%add3A_162, %dma_wait3A_186] : memref<80x128xi32, #tpu.memory_space<vmem>> -> memref<1x128xi32, #tpu.memory_space<vmem>>
        %dma_wait3A_188 = tpu.memref_squeeze %dma_wait3A_187 : memref<1x128xi32, #tpu.memory_space<vmem>> -> memref<128xi32, #tpu.memory_space<vmem>>
        %dma_wait3A_189 = arith.constant 0 : i32
        %dma_wait3A_190 = arith.constant 0 : i32
        %dma_wait3A_191 = tpu.memref_slice %arg16[%dma_wait3A_189, %dma_wait3A_190] : memref<10240x128xf32, #tpu.memory_space<vmem_shared>> -> memref<10240x128xf32, #tpu.memory_space<vmem_shared>>
        tpu.wait_indirect_dma semaphore(%run_scoped3A : memref<!tpu.dma_semaphore, #tpu.memory_space<semaphore_mem>>) src(%arg15 : memref<128x128xf32, #tpu.memory_space<vmem>>) dst(%dma_wait3A_191 : memref<10240x128xf32, #tpu.memory_space<vmem_shared>>)
        tpu.yield
      }) : () -> ()
      %add3A_173 = arith.constant 4 : i32
      %add3A_174 = arith.addi %add3A_162, %add3A_173 : i32
      %lt3A_175 = arith.constant 80 : i32
      %lt3A_176 = arith.cmpi slt, %add3A_174, %lt3A_175 : i32
      %convert_element_type3A_177 = arith.extui %lt3A_176 : i1 to i32
      %cond3A_178 = arith.constant 0 : i32
      %cond3A_179 = arith.cmpi ne, %convert_element_type3A_177, %cond3A_178 : i32
      scf.if %cond3A_179 {
        %add3A_180 = arith.constant 4 : i32
        %add3A_181 = arith.addi %add3A_162, %add3A_180 : i32
        %mul3A_182 = arith.constant 80 : i32
        %mul3A_183 = arith.muli %add3A, %mul3A_182 : i32
        %add3A_184 = arith.addi %mul3A_183, %add3A_181 : i32
        %mul3A_185 = arith.constant 128 : i32
        %mul3A_186 = arith.muli %add3A_184, %mul3A_185 : i32
        %dma_start3A_187 = tpu.memref_slice %arg3[%mul3A_186] : memref<327680xi32, #tpu.memory_space<hbm>> -> memref<128xi32, #tpu.memory_space<hbm>>
        %dma_start3A_188 = tpu.memref_slice %arg3[%mul3A_186] : memref<327680xi32, #tpu.memory_space<hbm>> -> memref<128xi32, #tpu.memory_space<hbm>>
        tpu.enqueue_dma source(%dma_start3A_188 : memref<128xi32, #tpu.memory_space<hbm>>) target(%arg12 : memref<128xi32, #tpu.memory_space<vmem>>) target_semaphore(%arg20 : memref<!tpu.dma_semaphore, #tpu.memory_space<semaphore_mem>>)
      } else {
      }
    }
    %scan3A_86 = arith.constant 20 : i32
    %barrier3A_87 = arith.constant 0 : index
    tpu.barrier barrier_id(%barrier3A_87)
    %add3A_88 = arith.constant 0 : i32
    %add3A_89 = arith.addi %mul3A_2, %add3A_88 : i32
    "tpu.region"() ({
      %run_scoped3A = tpu.sem_alloc : memref<!tpu.dma_semaphore, #tpu.memory_space<semaphore_mem>>
      %dma_start3A_98 = arith.constant 0 : i32
      %dma_start3A_99 = tpu.memref_slice %arg16[%add3A_89, %dma_start3A_98] : memref<10240x128xf32, #tpu.memory_space<vmem_shared>> -> memref<128x128xf32, #tpu.memory_space<vmem_shared>>
      %dma_start3A_100 = arith.constant 0 : i32
      %dma_start3A_101 = tpu.memref_slice %arg16[%add3A_89, %dma_start3A_100] : memref<10240x128xf32, #tpu.memory_space<vmem_shared>> -> memref<128x128xf32, #tpu.memory_space<vmem_shared>>
      tpu.enqueue_dma source(%dma_start3A_101 : memref<128x128xf32, #tpu.memory_space<vmem_shared>>) target(%arg14 : memref<128x128xf32, #tpu.memory_space<vmem>>) target_semaphore(%run_scoped3A : memref<!tpu.dma_semaphore, #tpu.memory_space<semaphore_mem>>)
      %dma_wait3A_102 = arith.constant 0 : i32
      %dma_wait3A_103 = tpu.memref_slice %arg16[%add3A_89, %dma_wait3A_102] : memref<10240x128xf32, #tpu.memory_space<vmem_shared>> -> memref<128x128xf32, #tpu.memory_space<vmem_shared>>
      %dma_wait3A_104 = arith.constant 0 : i32
      %dma_wait3A_105 = tpu.memref_slice %arg16[%add3A_89, %dma_wait3A_104] : memref<10240x128xf32, #tpu.memory_space<vmem_shared>> -> memref<128x128xf32, #tpu.memory_space<vmem_shared>>
      tpu.wait_dma2 semaphore(%run_scoped3A : memref<!tpu.dma_semaphore, #tpu.memory_space<semaphore_mem>>) src(%dma_wait3A_105 : memref<128x128xf32, #tpu.memory_space<vmem_shared>>) dst(%arg14 : memref<128x128xf32, #tpu.memory_space<vmem>>)
      tpu.yield
    }) : () -> ()
    "tpu.region"() ({
      %run_scoped3A = tpu.sem_alloc : memref<!tpu.dma_semaphore, #tpu.memory_space<semaphore_mem>>
      %dma_start3A_98 = arith.constant 0 : i32
      %dma_start3A_99 = tpu.memref_slice %arg7[%arg0, %add3A_89, %dma_start3A_98] : memref<2x10240x128xf32, #tpu.memory_space<hbm>> -> memref<1x128x128xf32, #tpu.memory_space<hbm>>
      %dma_start3A_100 = tpu.memref_squeeze %dma_start3A_99 : memref<1x128x128xf32, #tpu.memory_space<hbm>> -> memref<128x128xf32, #tpu.memory_space<hbm>>
      %dma_start3A_101 = arith.constant 0 : i32
      %dma_start3A_102 = tpu.memref_slice %arg7[%arg0, %add3A_89, %dma_start3A_101] : memref<2x10240x128xf32, #tpu.memory_space<hbm>> -> memref<1x128x128xf32, #tpu.memory_space<hbm>>
      %dma_start3A_103 = tpu.memref_squeeze %dma_start3A_102 : memref<1x128x128xf32, #tpu.memory_space<hbm>> -> memref<128x128xf32, #tpu.memory_space<hbm>>
      tpu.enqueue_dma source(%arg14 : memref<128x128xf32, #tpu.memory_space<vmem>>) target(%dma_start3A_103 : memref<128x128xf32, #tpu.memory_space<hbm>>) target_semaphore(%run_scoped3A : memref<!tpu.dma_semaphore, #tpu.memory_space<semaphore_mem>>)
      %dma_wait3A_104 = arith.constant 0 : i32
      %dma_wait3A_105 = tpu.memref_slice %arg7[%arg0, %add3A_89, %dma_wait3A_104] : memref<2x10240x128xf32, #tpu.memory_space<hbm>> -> memref<1x128x128xf32, #tpu.memory_space<hbm>>
      %dma_wait3A_106 = tpu.memref_squeeze %dma_wait3A_105 : memref<1x128x128xf32, #tpu.memory_space<hbm>> -> memref<128x128xf32, #tpu.memory_space<hbm>>
      %dma_wait3A_107 = arith.constant 0 : i32
      %dma_wait3A_108 = tpu.memref_slice %arg7[%arg0, %add3A_89, %dma_wait3A_107] : memref<2x10240x128xf32, #tpu.memory_space<hbm>> -> memref<1x128x128xf32, #tpu.memory_space<hbm>>
      %dma_wait3A_109 = tpu.memref_squeeze %dma_wait3A_108 : memref<1x128x128xf32, #tpu.memory_space<hbm>> -> memref<128x128xf32, #tpu.memory_space<hbm>>
      tpu.wait_dma2 semaphore(%run_scoped3A : memref<!tpu.dma_semaphore, #tpu.memory_space<semaphore_mem>>) src(%arg14 : memref<128x128xf32, #tpu.memory_space<vmem>>) dst(%dma_wait3A_109 : memref<128x128xf32, #tpu.memory_space<hbm>>)
      tpu.yield
    }) : () -> ()
    %add3A_90 = arith.constant 128 : i32
    %add3A_91 = arith.addi %mul3A_2, %add3A_90 : i32
    "tpu.region"() ({
      %run_scoped3A = tpu.sem_alloc : memref<!tpu.dma_semaphore, #tpu.memory_space<semaphore_mem>>
      %dma_start3A_98 = arith.constant 0 : i32
      %dma_start3A_99 = tpu.memref_slice %arg16[%add3A_91, %dma_start3A_98] : memref<10240x128xf32, #tpu.memory_space<vmem_shared>> -> memref<128x128xf32, #tpu.memory_space<vmem_shared>>
      %dma_start3A_100 = arith.constant 0 : i32
      %dma_start3A_101 = tpu.memref_slice %arg16[%add3A_91, %dma_start3A_100] : memref<10240x128xf32, #tpu.memory_space<vmem_shared>> -> memref<128x128xf32, #tpu.memory_space<vmem_shared>>
      tpu.enqueue_dma source(%dma_start3A_101 : memref<128x128xf32, #tpu.memory_space<vmem_shared>>) target(%arg14 : memref<128x128xf32, #tpu.memory_space<vmem>>) target_semaphore(%run_scoped3A : memref<!tpu.dma_semaphore, #tpu.memory_space<semaphore_mem>>)
      %dma_wait3A_102 = arith.constant 0 : i32
      %dma_wait3A_103 = tpu.memref_slice %arg16[%add3A_91, %dma_wait3A_102] : memref<10240x128xf32, #tpu.memory_space<vmem_shared>> -> memref<128x128xf32, #tpu.memory_space<vmem_shared>>
      %dma_wait3A_104 = arith.constant 0 : i32
      %dma_wait3A_105 = tpu.memref_slice %arg16[%add3A_91, %dma_wait3A_104] : memref<10240x128xf32, #tpu.memory_space<vmem_shared>> -> memref<128x128xf32, #tpu.memory_space<vmem_shared>>
      tpu.wait_dma2 semaphore(%run_scoped3A : memref<!tpu.dma_semaphore, #tpu.memory_space<semaphore_mem>>) src(%dma_wait3A_105 : memref<128x128xf32, #tpu.memory_space<vmem_shared>>) dst(%arg14 : memref<128x128xf32, #tpu.memory_space<vmem>>)
      tpu.yield
    }) : () -> ()
    "tpu.region"() ({
      %run_scoped3A = tpu.sem_alloc : memref<!tpu.dma_semaphore, #tpu.memory_space<semaphore_mem>>
      %dma_start3A_98 = arith.constant 0 : i32
      %dma_start3A_99 = tpu.memref_slice %arg7[%arg0, %add3A_91, %dma_start3A_98] : memref<2x10240x128xf32, #tpu.memory_space<hbm>> -> memref<1x128x128xf32, #tpu.memory_space<hbm>>
      %dma_start3A_100 = tpu.memref_squeeze %dma_start3A_99 : memref<1x128x128xf32, #tpu.memory_space<hbm>> -> memref<128x128xf32, #tpu.memory_space<hbm>>
      %dma_start3A_101 = arith.constant 0 : i32
      %dma_start3A_102 = tpu.memref_slice %arg7[%arg0, %add3A_91, %dma_start3A_101] : memref<2x10240x128xf32, #tpu.memory_space<hbm>> -> memref<1x128x128xf32, #tpu.memory_space<hbm>>
      %dma_start3A_103 = tpu.memref_squeeze %dma_start3A_102 : memref<1x128x128xf32, #tpu.memory_space<hbm>> -> memref<128x128xf32, #tpu.memory_space<hbm>>
      tpu.enqueue_dma source(%arg14 : memref<128x128xf32, #tpu.memory_space<vmem>>) target(%dma_start3A_103 : memref<128x128xf32, #tpu.memory_space<hbm>>) target_semaphore(%run_scoped3A : memref<!tpu.dma_semaphore, #tpu.memory_space<semaphore_mem>>)
      %dma_wait3A_104 = arith.constant 0 : i32
      %dma_wait3A_105 = tpu.memref_slice %arg7[%arg0, %add3A_91, %dma_wait3A_104] : memref<2x10240x128xf32, #tpu.memory_space<hbm>> -> memref<1x128x128xf32, #tpu.memory_space<hbm>>
      %dma_wait3A_106 = tpu.memref_squeeze %dma_wait3A_105 : memref<1x128x128xf32, #tpu.memory_space<hbm>> -> memref<128x128xf32, #tpu.memory_space<hbm>>
      %dma_wait3A_107 = arith.constant 0 : i32
      %dma_wait3A_108 = tpu.memref_slice %arg7[%arg0, %add3A_91, %dma_wait3A_107] : memref<2x10240x128xf32, #tpu.memory_space<hbm>> -> memref<1x128x128xf32, #tpu.memory_space<hbm>>
      %dma_wait3A_109 = tpu.memref_squeeze %dma_wait3A_108 : memref<1x128x128xf32, #tpu.memory_space<hbm>> -> memref<128x128xf32, #tpu.memory_space<hbm>>
      tpu.wait_dma2 semaphore(%run_scoped3A : memref<!tpu.dma_semaphore, #tpu.memory_space<semaphore_mem>>) src(%arg14 : memref<128x128xf32, #tpu.memory_space<vmem>>) dst(%dma_wait3A_109 : memref<128x128xf32, #tpu.memory_space<hbm>>)
      tpu.yield
    }) : () -> ()
    %add3A_92 = arith.constant 256 : i32
    %add3A_93 = arith.addi %mul3A_2, %add3A_92 : i32
    "tpu.region"() ({
      %run_scoped3A = tpu.sem_alloc : memref<!tpu.dma_semaphore, #tpu.memory_space<semaphore_mem>>
      %dma_start3A_98 = arith.constant 0 : i32
      %dma_start3A_99 = tpu.memref_slice %arg16[%add3A_93, %dma_start3A_98] : memref<10240x128xf32, #tpu.memory_space<vmem_shared>> -> memref<128x128xf32, #tpu.memory_space<vmem_shared>>
      %dma_start3A_100 = arith.constant 0 : i32
      %dma_start3A_101 = tpu.memref_slice %arg16[%add3A_93, %dma_start3A_100] : memref<10240x128xf32, #tpu.memory_space<vmem_shared>> -> memref<128x128xf32, #tpu.memory_space<vmem_shared>>
      tpu.enqueue_dma source(%dma_start3A_101 : memref<128x128xf32, #tpu.memory_space<vmem_shared>>) target(%arg14 : memref<128x128xf32, #tpu.memory_space<vmem>>) target_semaphore(%run_scoped3A : memref<!tpu.dma_semaphore, #tpu.memory_space<semaphore_mem>>)
      %dma_wait3A_102 = arith.constant 0 : i32
      %dma_wait3A_103 = tpu.memref_slice %arg16[%add3A_93, %dma_wait3A_102] : memref<10240x128xf32, #tpu.memory_space<vmem_shared>> -> memref<128x128xf32, #tpu.memory_space<vmem_shared>>
      %dma_wait3A_104 = arith.constant 0 : i32
      %dma_wait3A_105 = tpu.memref_slice %arg16[%add3A_93, %dma_wait3A_104] : memref<10240x128xf32, #tpu.memory_space<vmem_shared>> -> memref<128x128xf32, #tpu.memory_space<vmem_shared>>
      tpu.wait_dma2 semaphore(%run_scoped3A : memref<!tpu.dma_semaphore, #tpu.memory_space<semaphore_mem>>) src(%dma_wait3A_105 : memref<128x128xf32, #tpu.memory_space<vmem_shared>>) dst(%arg14 : memref<128x128xf32, #tpu.memory_space<vmem>>)
      tpu.yield
    }) : () -> ()
    "tpu.region"() ({
      %run_scoped3A = tpu.sem_alloc : memref<!tpu.dma_semaphore, #tpu.memory_space<semaphore_mem>>
      %dma_start3A_98 = arith.constant 0 : i32
      %dma_start3A_99 = tpu.memref_slice %arg7[%arg0, %add3A_93, %dma_start3A_98] : memref<2x10240x128xf32, #tpu.memory_space<hbm>> -> memref<1x128x128xf32, #tpu.memory_space<hbm>>
      %dma_start3A_100 = tpu.memref_squeeze %dma_start3A_99 : memref<1x128x128xf32, #tpu.memory_space<hbm>> -> memref<128x128xf32, #tpu.memory_space<hbm>>
      %dma_start3A_101 = arith.constant 0 : i32
      %dma_start3A_102 = tpu.memref_slice %arg7[%arg0, %add3A_93, %dma_start3A_101] : memref<2x10240x128xf32, #tpu.memory_space<hbm>> -> memref<1x128x128xf32, #tpu.memory_space<hbm>>
      %dma_start3A_103 = tpu.memref_squeeze %dma_start3A_102 : memref<1x128x128xf32, #tpu.memory_space<hbm>> -> memref<128x128xf32, #tpu.memory_space<hbm>>
      tpu.enqueue_dma source(%arg14 : memref<128x128xf32, #tpu.memory_space<vmem>>) target(%dma_start3A_103 : memref<128x128xf32, #tpu.memory_space<hbm>>) target_semaphore(%run_scoped3A : memref<!tpu.dma_semaphore, #tpu.memory_space<semaphore_mem>>)
      %dma_wait3A_104 = arith.constant 0 : i32
      %dma_wait3A_105 = tpu.memref_slice %arg7[%arg0, %add3A_93, %dma_wait3A_104] : memref<2x10240x128xf32, #tpu.memory_space<hbm>> -> memref<1x128x128xf32, #tpu.memory_space<hbm>>
      %dma_wait3A_106 = tpu.memref_squeeze %dma_wait3A_105 : memref<1x128x128xf32, #tpu.memory_space<hbm>> -> memref<128x128xf32, #tpu.memory_space<hbm>>
      %dma_wait3A_107 = arith.constant 0 : i32
      %dma_wait3A_108 = tpu.memref_slice %arg7[%arg0, %add3A_93, %dma_wait3A_107] : memref<2x10240x128xf32, #tpu.memory_space<hbm>> -> memref<1x128x128xf32, #tpu.memory_space<hbm>>
      %dma_wait3A_109 = tpu.memref_squeeze %dma_wait3A_108 : memref<1x128x128xf32, #tpu.memory_space<hbm>> -> memref<128x128xf32, #tpu.memory_space<hbm>>
      tpu.wait_dma2 semaphore(%run_scoped3A : memref<!tpu.dma_semaphore, #tpu.memory_space<semaphore_mem>>) src(%arg14 : memref<128x128xf32, #tpu.memory_space<vmem>>) dst(%dma_wait3A_109 : memref<128x128xf32, #tpu.memory_space<hbm>>)
      tpu.yield
    }) : () -> ()
    %add3A_94 = arith.constant 384 : i32
    %add3A_95 = arith.addi %mul3A_2, %add3A_94 : i32
    "tpu.region"() ({
      %run_scoped3A = tpu.sem_alloc : memref<!tpu.dma_semaphore, #tpu.memory_space<semaphore_mem>>
      %dma_start3A_98 = arith.constant 0 : i32
      %dma_start3A_99 = tpu.memref_slice %arg16[%add3A_95, %dma_start3A_98] : memref<10240x128xf32, #tpu.memory_space<vmem_shared>> -> memref<128x128xf32, #tpu.memory_space<vmem_shared>>
      %dma_start3A_100 = arith.constant 0 : i32
      %dma_start3A_101 = tpu.memref_slice %arg16[%add3A_95, %dma_start3A_100] : memref<10240x128xf32, #tpu.memory_space<vmem_shared>> -> memref<128x128xf32, #tpu.memory_space<vmem_shared>>
      tpu.enqueue_dma source(%dma_start3A_101 : memref<128x128xf32, #tpu.memory_space<vmem_shared>>) target(%arg14 : memref<128x128xf32, #tpu.memory_space<vmem>>) target_semaphore(%run_scoped3A : memref<!tpu.dma_semaphore, #tpu.memory_space<semaphore_mem>>)
      %dma_wait3A_102 = arith.constant 0 : i32
      %dma_wait3A_103 = tpu.memref_slice %arg16[%add3A_95, %dma_wait3A_102] : memref<10240x128xf32, #tpu.memory_space<vmem_shared>> -> memref<128x128xf32, #tpu.memory_space<vmem_shared>>
      %dma_wait3A_104 = arith.constant 0 : i32
      %dma_wait3A_105 = tpu.memref_slice %arg16[%add3A_95, %dma_wait3A_104] : memref<10240x128xf32, #tpu.memory_space<vmem_shared>> -> memref<128x128xf32, #tpu.memory_space<vmem_shared>>
      tpu.wait_dma2 semaphore(%run_scoped3A : memref<!tpu.dma_semaphore, #tpu.memory_space<semaphore_mem>>) src(%dma_wait3A_105 : memref<128x128xf32, #tpu.memory_space<vmem_shared>>) dst(%arg14 : memref<128x128xf32, #tpu.memory_space<vmem>>)
      tpu.yield
    }) : () -> ()
    "tpu.region"() ({
      %run_scoped3A = tpu.sem_alloc : memref<!tpu.dma_semaphore, #tpu.memory_space<semaphore_mem>>
      %dma_start3A_98 = arith.constant 0 : i32
      %dma_start3A_99 = tpu.memref_slice %arg7[%arg0, %add3A_95, %dma_start3A_98] : memref<2x10240x128xf32, #tpu.memory_space<hbm>> -> memref<1x128x128xf32, #tpu.memory_space<hbm>>
      %dma_start3A_100 = tpu.memref_squeeze %dma_start3A_99 : memref<1x128x128xf32, #tpu.memory_space<hbm>> -> memref<128x128xf32, #tpu.memory_space<hbm>>
      %dma_start3A_101 = arith.constant 0 : i32
      %dma_start3A_102 = tpu.memref_slice %arg7[%arg0, %add3A_95, %dma_start3A_101] : memref<2x10240x128xf32, #tpu.memory_space<hbm>> -> memref<1x128x128xf32, #tpu.memory_space<hbm>>
      %dma_start3A_103 = tpu.memref_squeeze %dma_start3A_102 : memref<1x128x128xf32, #tpu.memory_space<hbm>> -> memref<128x128xf32, #tpu.memory_space<hbm>>
      tpu.enqueue_dma source(%arg14 : memref<128x128xf32, #tpu.memory_space<vmem>>) target(%dma_start3A_103 : memref<128x128xf32, #tpu.memory_space<hbm>>) target_semaphore(%run_scoped3A : memref<!tpu.dma_semaphore, #tpu.memory_space<semaphore_mem>>)
      %dma_wait3A_104 = arith.constant 0 : i32
      %dma_wait3A_105 = tpu.memref_slice %arg7[%arg0, %add3A_95, %dma_wait3A_104] : memref<2x10240x128xf32, #tpu.memory_space<hbm>> -> memref<1x128x128xf32, #tpu.memory_space<hbm>>
      %dma_wait3A_106 = tpu.memref_squeeze %dma_wait3A_105 : memref<1x128x128xf32, #tpu.memory_space<hbm>> -> memref<128x128xf32, #tpu.memory_space<hbm>>
      %dma_wait3A_107 = arith.constant 0 : i32
      %dma_wait3A_108 = tpu.memref_slice %arg7[%arg0, %add3A_95, %dma_wait3A_107] : memref<2x10240x128xf32, #tpu.memory_space<hbm>> -> memref<1x128x128xf32, #tpu.memory_space<hbm>>
      %dma_wait3A_109 = tpu.memref_squeeze %dma_wait3A_108 : memref<1x128x128xf32, #tpu.memory_space<hbm>> -> memref<128x128xf32, #tpu.memory_space<hbm>>
      tpu.wait_dma2 semaphore(%run_scoped3A : memref<!tpu.dma_semaphore, #tpu.memory_space<semaphore_mem>>) src(%arg14 : memref<128x128xf32, #tpu.memory_space<vmem>>) dst(%dma_wait3A_109 : memref<128x128xf32, #tpu.memory_space<hbm>>)
      tpu.yield
    }) : () -> ()
    %add3A_96 = arith.constant 512 : i32
    %add3A_97 = arith.addi %mul3A_2, %add3A_96 : i32
    "tpu.region"() ({
      %run_scoped3A = tpu.sem_alloc : memref<!tpu.dma_semaphore, #tpu.memory_space<semaphore_mem>>
      %dma_start3A_98 = arith.constant 0 : i32
      %dma_start3A_99 = tpu.memref_slice %arg16[%add3A_97, %dma_start3A_98] : memref<10240x128xf32, #tpu.memory_space<vmem_shared>> -> memref<128x128xf32, #tpu.memory_space<vmem_shared>>
      %dma_start3A_100 = arith.constant 0 : i32
      %dma_start3A_101 = tpu.memref_slice %arg16[%add3A_97, %dma_start3A_100] : memref<10240x128xf32, #tpu.memory_space<vmem_shared>> -> memref<128x128xf32, #tpu.memory_space<vmem_shared>>
      tpu.enqueue_dma source(%dma_start3A_101 : memref<128x128xf32, #tpu.memory_space<vmem_shared>>) target(%arg14 : memref<128x128xf32, #tpu.memory_space<vmem>>) target_semaphore(%run_scoped3A : memref<!tpu.dma_semaphore, #tpu.memory_space<semaphore_mem>>)
      %dma_wait3A_102 = arith.constant 0 : i32
      %dma_wait3A_103 = tpu.memref_slice %arg16[%add3A_97, %dma_wait3A_102] : memref<10240x128xf32, #tpu.memory_space<vmem_shared>> -> memref<128x128xf32, #tpu.memory_space<vmem_shared>>
      %dma_wait3A_104 = arith.constant 0 : i32
      %dma_wait3A_105 = tpu.memref_slice %arg16[%add3A_97, %dma_wait3A_104] : memref<10240x128xf32, #tpu.memory_space<vmem_shared>> -> memref<128x128xf32, #tpu.memory_space<vmem_shared>>
      tpu.wait_dma2 semaphore(%run_scoped3A : memref<!tpu.dma_semaphore, #tpu.memory_space<semaphore_mem>>) src(%dma_wait3A_105 : memref<128x128xf32, #tpu.memory_space<vmem_shared>>) dst(%arg14 : memref<128x128xf32, #tpu.memory_space<vmem>>)
      tpu.yield
    }) : () -> ()
    "tpu.region"() ({
      %run_scoped3A = tpu.sem_alloc : memref<!tpu.dma_semaphore, #tpu.memory_space<semaphore_mem>>
      %dma_start3A_98 = arith.constant 0 : i32
      %dma_start3A_99 = tpu.memref_slice %arg7[%arg0, %add3A_97, %dma_start3A_98] : memref<2x10240x128xf32, #tpu.memory_space<hbm>> -> memref<1x128x128xf32, #tpu.memory_space<hbm>>
      %dma_start3A_100 = tpu.memref_squeeze %dma_start3A_99 : memref<1x128x128xf32, #tpu.memory_space<hbm>> -> memref<128x128xf32, #tpu.memory_space<hbm>>
      %dma_start3A_101 = arith.constant 0 : i32
      %dma_start3A_102 = tpu.memref_slice %arg7[%arg0, %add3A_97, %dma_start3A_101] : memref<2x10240x128xf32, #tpu.memory_space<hbm>> -> memref<1x128x128xf32, #tpu.memory_space<hbm>>
      %dma_start3A_103 = tpu.memref_squeeze %dma_start3A_102 : memref<1x128x128xf32, #tpu.memory_space<hbm>> -> memref<128x128xf32, #tpu.memory_space<hbm>>
      tpu.enqueue_dma source(%arg14 : memref<128x128xf32, #tpu.memory_space<vmem>>) target(%dma_start3A_103 : memref<128x128xf32, #tpu.memory_space<hbm>>) target_semaphore(%run_scoped3A : memref<!tpu.dma_semaphore, #tpu.memory_space<semaphore_mem>>)
      %dma_wait3A_104 = arith.constant 0 : i32
      %dma_wait3A_105 = tpu.memref_slice %arg7[%arg0, %add3A_97, %dma_wait3A_104] : memref<2x10240x128xf32, #tpu.memory_space<hbm>> -> memref<1x128x128xf32, #tpu.memory_space<hbm>>
      %dma_wait3A_106 = tpu.memref_squeeze %dma_wait3A_105 : memref<1x128x128xf32, #tpu.memory_space<hbm>> -> memref<128x128xf32, #tpu.memory_space<hbm>>
      %dma_wait3A_107 = arith.constant 0 : i32
      %dma_wait3A_108 = tpu.memref_slice %arg7[%arg0, %add3A_97, %dma_wait3A_107] : memref<2x10240x128xf32, #tpu.memory_space<hbm>> -> memref<1x128x128xf32, #tpu.memory_space<hbm>>
      %dma_wait3A_109 = tpu.memref_squeeze %dma_wait3A_108 : memref<1x128x128xf32, #tpu.memory_space<hbm>> -> memref<128x128xf32, #tpu.memory_space<hbm>>
      tpu.wait_dma2 semaphore(%run_scoped3A : memref<!tpu.dma_semaphore, #tpu.memory_space<semaphore_mem>>) src(%arg14 : memref<128x128xf32, #tpu.memory_space<vmem>>) dst(%dma_wait3A_109 : memref<128x128xf32, #tpu.memory_space<hbm>>)
      tpu.yield
    }) : () -> ()
    return
  }
}

module attributes {stable_mosaic.version = 14 : i64} {
  func.func @_dense_body(%arg0: i32, %arg1: memref<2x1000x128xf32, #tpu.memory_space<vmem>>, %arg2: memref<2x1000x128xf32, #tpu.memory_space<vmem>>, %arg3: memref<1000x128xf32, #tpu.memory_space<vmem>>, %arg4: memref<128x128xf32, #tpu.memory_space<vmem>>, %arg5: memref<1x128xf32, #tpu.memory_space<vmem>>, %arg6: memref<128x128xf32, #tpu.memory_space<vmem>>, %arg7: memref<1000x128xf32, #tpu.memory_space<vmem>>) attributes {dimension_semantics = [#tpu.dimension_semantics<arbitrary>], iteration_bounds = array<i64: 10>, scalar_prefetch = 0 : i64, scratch_operands = 0 : i64, tpu.core_type = #tpu.core_type<tc>, window_params = [{transform_indices = @transform_0, window_bounds = array<i64: 2, 1000, 128>}, {transform_indices = @transform_1, window_bounds = array<i64: 2, 1000, 128>}, {transform_indices = @transform_2, window_bounds = array<i64: 1000, 128>}, {pipeline_mode = #tpu.pipeline_mode<synchronous>, transform_indices = @transform_3, window_bounds = array<i64: 128, 128>}, {pipeline_mode = #tpu.pipeline_mode<synchronous>, transform_indices = @transform_4, window_bounds = array<i64: 1, 128>}, {pipeline_mode = #tpu.pipeline_mode<synchronous>, transform_indices = @transform_5, window_bounds = array<i64: 128, 128>}, {transform_indices = @transform_6, window_bounds = array<i64: 1000, 128>}]} {
    %get3A = arith.constant 0 : index
    %get3A_0 = arith.constant 0 : index
    %get3A_1 = arith.constant 0 : index
    %get3A_2 = vector.load %arg1[%get3A, %get3A_0, %get3A_1] : memref<2x1000x128xf32, #tpu.memory_space<vmem>>, vector<1x1000x128xf32>
    %get3A_3 = vector.shape_cast %get3A_2 : vector<1x1000x128xf32> to vector<1000x128xf32>
    %get3A_4 = arith.constant 1 : index
    %get3A_5 = arith.constant 0 : index
    %get3A_6 = arith.constant 0 : index
    %get3A_7 = vector.load %arg1[%get3A_4, %get3A_5, %get3A_6] : memref<2x1000x128xf32, #tpu.memory_space<vmem>>, vector<1x1000x128xf32>
    %get3A_8 = vector.shape_cast %get3A_7 : vector<1x1000x128xf32> to vector<1000x128xf32>
    %add3A = arith.addf %get3A_3, %get3A_8 : vector<1000x128xf32>
    %get3A_9 = arith.constant 0 : index
    %get3A_10 = arith.constant 0 : index
    %get3A_11 = arith.constant 0 : index
    %get3A_12 = vector.load %arg2[%get3A_9, %get3A_10, %get3A_11] : memref<2x1000x128xf32, #tpu.memory_space<vmem>>, vector<1x1000x128xf32>
    %get3A_13 = vector.shape_cast %get3A_12 : vector<1x1000x128xf32> to vector<1000x128xf32>
    %reduce_sum3A = arith.constant dense<0.000000e+00> : vector<1000xf32>
    %reduce_sum3A_14 = vector.multi_reduction <add>, %get3A_13, %reduce_sum3A [1] : vector<1000x128xf32> to vector<1000xf32>
    %get3A_15 = arith.constant 1 : index
    %get3A_16 = arith.constant 0 : index
    %get3A_17 = arith.constant 0 : index
    %get3A_18 = vector.load %arg2[%get3A_15, %get3A_16, %get3A_17] : memref<2x1000x128xf32, #tpu.memory_space<vmem>>, vector<1x1000x128xf32>
    %get3A_19 = vector.shape_cast %get3A_18 : vector<1x1000x128xf32> to vector<1000x128xf32>
    %reduce_sum3A_20 = arith.constant dense<0.000000e+00> : vector<1000xf32>
    %reduce_sum3A_21 = vector.multi_reduction <add>, %get3A_19, %reduce_sum3A_20 [1] : vector<1000x128xf32> to vector<1000xf32>
    %add3A_22 = arith.addf %reduce_sum3A_14, %reduce_sum3A_21 : vector<1000xf32>
    %mul3A = arith.constant 7.812500e-03 : f32
    %mul3A_23 = vector.broadcast %mul3A : f32 to vector<1000xf32>
    %mul3A_24 = arith.mulf %add3A_22, %mul3A_23 : vector<1000xf32>
    %max3A = arith.constant 1.000000e+00 : f32
    %max3A_25 = vector.broadcast %max3A : f32 to vector<1000xf32>
    %max3A_26 = arith.maximumf %mul3A_24, %max3A_25 : vector<1000xf32>
    %broadcast_in_dim3A = vector.shape_cast %max3A_26 : vector<1000xf32> to vector<1000x1xf32>
    %div3A = vector.broadcast %broadcast_in_dim3A : vector<1000x1xf32> to vector<1000x128xf32>
    %div3A_27 = arith.divf %add3A, %div3A : vector<1000x128xf32>
    %get3A_28 = arith.constant 0 : index
    %get3A_29 = arith.constant 0 : index
    %get3A_30 = vector.load %arg4[%get3A_28, %get3A_29] : memref<128x128xf32, #tpu.memory_space<vmem>>, vector<128x128xf32>
    %dot_general3A = arith.constant dense<0.000000e+00> : vector<1000x128xf32>
    %dot_general3A_31 = tpu.matmul %div3A_27, %get3A_30, %dot_general3A {dimension_numbers = #tpu.dot_dimension_numbers<[1], [1], [0], [0], [0, 0, 1, 0], [], []>, transpose_lhs_hint = false} : vector<1000x128xf32>, vector<128x128xf32>, vector<1000x128xf32> -> vector<1000x128xf32>
    %get3A_32 = arith.constant 0 : index
    %get3A_33 = arith.constant 0 : index
    %get3A_34 = vector.load %arg3[%get3A_32, %get3A_33] : memref<1000x128xf32, #tpu.memory_space<vmem>>, vector<1000x128xf32>
    %get3A_35 = arith.constant 0 : index
    %get3A_36 = arith.constant 0 : index
    %get3A_37 = vector.load %arg6[%get3A_35, %get3A_36] : memref<128x128xf32, #tpu.memory_space<vmem>>, vector<128x128xf32>
    %dot_general3A_38 = arith.constant dense<0.000000e+00> : vector<1000x128xf32>
    %dot_general3A_39 = tpu.matmul %get3A_34, %get3A_37, %dot_general3A_38 {dimension_numbers = #tpu.dot_dimension_numbers<[1], [1], [0], [0], [0, 0, 1, 0], [], []>, transpose_lhs_hint = false} : vector<1000x128xf32>, vector<128x128xf32>, vector<1000x128xf32> -> vector<1000x128xf32>
    %add3A_40 = arith.addf %dot_general3A_31, %dot_general3A_39 : vector<1000x128xf32>
    %get3A_41 = arith.constant 0 : index
    %get3A_42 = arith.constant 0 : index
    %get3A_43 = vector.load %arg5[%get3A_41, %get3A_42] : memref<1x128xf32, #tpu.memory_space<vmem>>, vector<1x128xf32>
    %add3A_44 = vector.broadcast %get3A_43 : vector<1x128xf32> to vector<1000x128xf32>
    %add3A_45 = arith.addf %add3A_40, %add3A_44 : vector<1000x128xf32>
    %max3A_46 = arith.constant 0.000000e+00 : f32
    %max3A_47 = vector.broadcast %max3A_46 : f32 to vector<1000x128xf32>
    %max3A_48 = arith.maximumf %add3A_45, %max3A_47 : vector<1000x128xf32>
    %swap3A = arith.constant 0 : index
    %swap3A_49 = arith.constant 0 : index
    %swap3A_50 = vector.load %arg7[%swap3A, %swap3A_49] : memref<1000x128xf32, #tpu.memory_space<vmem>>, vector<1000x128xf32>
    tpu.vector_store %arg7[%swap3A, %swap3A_49], %max3A_48 {strides = array<i32>} : memref<1000x128xf32, #tpu.memory_space<vmem>>, vector<1000x128xf32>,
    return
  }
  func.func @transform_0(%arg0: i32) -> (i32, i32, i32) {
    %c0_i32 = arith.constant 0 : i32
    %c0_i32_0 = arith.constant 0 : i32
    %c0_i32_1 = arith.constant 0 : i32
    return %c0_i32, %arg0, %c0_i32_0 : i32, i32, i32
  }
  func.func @transform_1(%arg0: i32) -> (i32, i32, i32) {
    %c0_i32 = arith.constant 0 : i32
    %c0_i32_0 = arith.constant 0 : i32
    %c0_i32_1 = arith.constant 0 : i32
    return %c0_i32, %arg0, %c0_i32_0 : i32, i32, i32
  }
  func.func @transform_2(%arg0: i32) -> (i32, i32) {
    %c0_i32 = arith.constant 0 : i32
    %c0_i32_0 = arith.constant 0 : i32
    return %arg0, %c0_i32 : i32, i32
  }
  func.func @transform_3(%arg0: i32) -> (i32, i32) {
    %c0_i32 = arith.constant 0 : i32
    %c0_i32_0 = arith.constant 0 : i32
    %c0_i32_1 = arith.constant 0 : i32
    return %c0_i32, %c0_i32_0 : i32, i32
  }
  func.func @transform_4(%arg0: i32) -> (i32, i32) {
    %c0_i32 = arith.constant 0 : i32
    %c0_i32_0 = arith.constant 0 : i32
    %c0_i32_1 = arith.constant 0 : i32
    return %c0_i32, %c0_i32_0 : i32, i32
  }
  func.func @transform_5(%arg0: i32) -> (i32, i32) {
    %c0_i32 = arith.constant 0 : i32
    %c0_i32_0 = arith.constant 0 : i32
    %c0_i32_1 = arith.constant 0 : i32
    return %c0_i32, %c0_i32_0 : i32, i32
  }
  func.func @transform_6(%arg0: i32) -> (i32, i32) {
    %c0_i32 = arith.constant 0 : i32
    %c0_i32_0 = arith.constant 0 : i32
    return %arg0, %c0_i32 : i32, i32
  }
}

module attributes {stable_mosaic.version = 14 : i64} {
  func.func @_dense_body(%arg0: i32, %arg1: memref<2x1000x128xf32, #tpu.memory_space<vmem>>, %arg2: memref<2x1000x128xf32, #tpu.memory_space<vmem>>, %arg3: memref<1000x128xf32, #tpu.memory_space<vmem>>, %arg4: memref<128x128xf32, #tpu.memory_space<vmem>>, %arg5: memref<1x128xf32, #tpu.memory_space<vmem>>, %arg6: memref<128x128xf32, #tpu.memory_space<vmem>>, %arg7: memref<1000x128xf32, #tpu.memory_space<vmem>>) attributes {dimension_semantics = [#tpu.dimension_semantics<arbitrary>], iteration_bounds = array<i64: 10>, scalar_prefetch = 0 : i64, scratch_operands = 0 : i64, tpu.core_type = #tpu.core_type<tc>, window_params = [{transform_indices = @transform_0, window_bounds = array<i64: 2, 1000, 128>}, {transform_indices = @transform_1, window_bounds = array<i64: 2, 1000, 128>}, {transform_indices = @transform_2, window_bounds = array<i64: 1000, 128>}, {pipeline_mode = #tpu.pipeline_mode<synchronous>, transform_indices = @transform_3, window_bounds = array<i64: 128, 128>}, {pipeline_mode = #tpu.pipeline_mode<synchronous>, transform_indices = @transform_4, window_bounds = array<i64: 1, 128>}, {pipeline_mode = #tpu.pipeline_mode<synchronous>, transform_indices = @transform_5, window_bounds = array<i64: 128, 128>}, {transform_indices = @transform_6, window_bounds = array<i64: 1000, 128>}]} {
    %get3A = arith.constant 0 : index
    %get3A_0 = arith.constant 0 : index
    %get3A_1 = arith.constant 0 : index
    %get3A_2 = vector.load %arg1[%get3A, %get3A_0, %get3A_1] : memref<2x1000x128xf32, #tpu.memory_space<vmem>>, vector<1x1000x128xf32>
    %get3A_3 = vector.shape_cast %get3A_2 : vector<1x1000x128xf32> to vector<1000x128xf32>
    %get3A_4 = arith.constant 1 : index
    %get3A_5 = arith.constant 0 : index
    %get3A_6 = arith.constant 0 : index
    %get3A_7 = vector.load %arg1[%get3A_4, %get3A_5, %get3A_6] : memref<2x1000x128xf32, #tpu.memory_space<vmem>>, vector<1x1000x128xf32>
    %get3A_8 = vector.shape_cast %get3A_7 : vector<1x1000x128xf32> to vector<1000x128xf32>
    %add3A = arith.addf %get3A_3, %get3A_8 : vector<1000x128xf32>
    %get3A_9 = arith.constant 0 : index
    %get3A_10 = arith.constant 0 : index
    %get3A_11 = arith.constant 0 : index
    %get3A_12 = vector.load %arg2[%get3A_9, %get3A_10, %get3A_11] : memref<2x1000x128xf32, #tpu.memory_space<vmem>>, vector<1x1000x128xf32>
    %get3A_13 = vector.shape_cast %get3A_12 : vector<1x1000x128xf32> to vector<1000x128xf32>
    %reduce_sum3A = arith.constant dense<0.000000e+00> : vector<1000xf32>
    %reduce_sum3A_14 = vector.multi_reduction <add>, %get3A_13, %reduce_sum3A [1] : vector<1000x128xf32> to vector<1000xf32>
    %get3A_15 = arith.constant 1 : index
    %get3A_16 = arith.constant 0 : index
    %get3A_17 = arith.constant 0 : index
    %get3A_18 = vector.load %arg2[%get3A_15, %get3A_16, %get3A_17] : memref<2x1000x128xf32, #tpu.memory_space<vmem>>, vector<1x1000x128xf32>
    %get3A_19 = vector.shape_cast %get3A_18 : vector<1x1000x128xf32> to vector<1000x128xf32>
    %reduce_sum3A_20 = arith.constant dense<0.000000e+00> : vector<1000xf32>
    %reduce_sum3A_21 = vector.multi_reduction <add>, %get3A_19, %reduce_sum3A_20 [1] : vector<1000x128xf32> to vector<1000xf32>
    %add3A_22 = arith.addf %reduce_sum3A_14, %reduce_sum3A_21 : vector<1000xf32>
    %mul3A = arith.constant 7.812500e-03 : f32
    %mul3A_23 = vector.broadcast %mul3A : f32 to vector<1000xf32>
    %mul3A_24 = arith.mulf %add3A_22, %mul3A_23 : vector<1000xf32>
    %max3A = arith.constant 1.000000e+00 : f32
    %max3A_25 = vector.broadcast %max3A : f32 to vector<1000xf32>
    %max3A_26 = arith.maximumf %mul3A_24, %max3A_25 : vector<1000xf32>
    %broadcast_in_dim3A = vector.shape_cast %max3A_26 : vector<1000xf32> to vector<1000x1xf32>
    %div3A = vector.broadcast %broadcast_in_dim3A : vector<1000x1xf32> to vector<1000x128xf32>
    %div3A_27 = arith.divf %add3A, %div3A : vector<1000x128xf32>
    %get3A_28 = arith.constant 0 : index
    %get3A_29 = arith.constant 0 : index
    %get3A_30 = vector.load %arg4[%get3A_28, %get3A_29] : memref<128x128xf32, #tpu.memory_space<vmem>>, vector<128x128xf32>
    %dot_general3A = arith.constant dense<0.000000e+00> : vector<1000x128xf32>
    %dot_general3A_31 = tpu.matmul %div3A_27, %get3A_30, %dot_general3A {dimension_numbers = #tpu.dot_dimension_numbers<[1], [1], [0], [0], [0, 0, 1, 0], [], []>, transpose_lhs_hint = false} : vector<1000x128xf32>, vector<128x128xf32>, vector<1000x128xf32> -> vector<1000x128xf32>
    %get3A_32 = arith.constant 0 : index
    %get3A_33 = arith.constant 0 : index
    %get3A_34 = vector.load %arg3[%get3A_32, %get3A_33] : memref<1000x128xf32, #tpu.memory_space<vmem>>, vector<1000x128xf32>
    %get3A_35 = arith.constant 0 : index
    %get3A_36 = arith.constant 0 : index
    %get3A_37 = vector.load %arg6[%get3A_35, %get3A_36] : memref<128x128xf32, #tpu.memory_space<vmem>>, vector<128x128xf32>
    %dot_general3A_38 = arith.constant dense<0.000000e+00> : vector<1000x128xf32>
    %dot_general3A_39 = tpu.matmul %get3A_34, %get3A_37, %dot_general3A_38 {dimension_numbers = #tpu.dot_dimension_numbers<[1], [1], [0], [0], [0, 0, 1, 0], [], []>, transpose_lhs_hint = false} : vector<1000x128xf32>, vector<128x128xf32>, vector<1000x128xf32> -> vector<1000x128xf32>
    %add3A_40 = arith.addf %dot_general3A_31, %dot_general3A_39 : vector<1000x128xf32>
    %get3A_41 = arith.constant 0 : index
    %get3A_42 = arith.constant 0 : index
    %get3A_43 = vector.load %arg5[%get3A_41, %get3A_42] : memref<1x128xf32, #tpu.memory_space<vmem>>, vector<1x128xf32>
    %add3A_44 = vector.broadcast %get3A_43 : vector<1x128xf32> to vector<1000x128xf32>
    %add3A_45 = arith.addf %add3A_40, %add3A_44 : vector<1000x128xf32>
    %swap3A = arith.constant 0 : index
    %swap3A_46 = arith.constant 0 : index
    %swap3A_47 = vector.load %arg7[%swap3A, %swap3A_46] : memref<1000x128xf32, #tpu.memory_space<vmem>>, vector<1000x128xf32>
    tpu.vector_store %arg7[%swap3A, %swap3A_46], %add3A_45 {strides = array<i32>} : memref<1000x128xf32, #tpu.memory_space<vmem>>, vector<1000x128xf32>,
    return
  }
  func.func @transform_0(%arg0: i32) -> (i32, i32, i32) {
    %c0_i32 = arith.constant 0 : i32
    %c0_i32_0 = arith.constant 0 : i32
    %c0_i32_1 = arith.constant 0 : i32
    return %c0_i32, %arg0, %c0_i32_0 : i32, i32, i32
  }
  func.func @transform_1(%arg0: i32) -> (i32, i32, i32) {
    %c0_i32 = arith.constant 0 : i32
    %c0_i32_0 = arith.constant 0 : i32
    %c0_i32_1 = arith.constant 0 : i32
    return %c0_i32, %arg0, %c0_i32_0 : i32, i32, i32
  }
  func.func @transform_2(%arg0: i32) -> (i32, i32) {
    %c0_i32 = arith.constant 0 : i32
    %c0_i32_0 = arith.constant 0 : i32
    return %arg0, %c0_i32 : i32, i32
  }
  func.func @transform_3(%arg0: i32) -> (i32, i32) {
    %c0_i32 = arith.constant 0 : i32
    %c0_i32_0 = arith.constant 0 : i32
    %c0_i32_1 = arith.constant 0 : i32
    return %c0_i32, %c0_i32_0 : i32, i32
  }
  func.func @transform_4(%arg0: i32) -> (i32, i32) {
    %c0_i32 = arith.constant 0 : i32
    %c0_i32_0 = arith.constant 0 : i32
    %c0_i32_1 = arith.constant 0 : i32
    return %c0_i32, %c0_i32_0 : i32, i32
  }
  func.func @transform_5(%arg0: i32) -> (i32, i32) {
    %c0_i32 = arith.constant 0 : i32
    %c0_i32_0 = arith.constant 0 : i32
    %c0_i32_1 = arith.constant 0 : i32
    return %c0_i32, %c0_i32_0 : i32, i32
  }
  func.func @transform_6(%arg0: i32) -> (i32, i32) {
    %c0_i32 = arith.constant 0 : i32
    %c0_i32_0 = arith.constant 0 : i32
    return %arg0, %c0_i32 : i32, i32
  }
}

</mosaic_0001>

<sc_bundles>
// kernel: kernel.6.cloned.1.call-start
scs
__scs_entry_jumppad:
0x0: {  	(pc) =	sbr.rel $0x88, $3  }
0x1: {  	(tag) =	ssettag $0x0;
	lr =	simm.s32 $0x1  }
0x2: {  	[smem:$0x3F99] =	sst lr;
	_ =	strace $0xD0000000  }
0x3: {  	_ = 	snop  }
0x4: {  	_ = 	snop  }
0x5: {  	_ = 	snop  }
0x6: {  	_ = 	snop  }
0x7: {  	_ = 	snop  }
__scs_overlays_trampoline_lowered:
0x8: {  	[smem:$0x3FA8] =	sst s0  }
0x9: {  	[smem:$0x3FA9] =	sst s1  }
0xa: {  	[smem:$0x3FAA] =	sst s2  }
0xb: {  	[smem:$0x3FAB] =	sst s3  }
0xc: {  	[smem:$0x3FAC] =	sst s4  }
0xd: {  	[smem:$0x3FAD] =	sst s5  }
0xe: {  	[smem:$0x3FAE] =	sst s6  }
0xf: {  	[smem:$0x3FAF] =	sst s7  }
0x10: {  	[smem:$0x3FB0] =	sst s8  }
0x11: {  	[smem:$0x3FB1] =	sst s9;
	s0 =	simm.s32 @!p0 $0x0  }
0x12: {  	s1 =	sld [smem:$0x3F97];
	s0 =	simm.s32 @p0 $0x1  }
0x13: {  	[smem:$0x3FB2] =	sst s0;
	s0 =	simm.s32 @!p1 $0x0  }
0x14: {  	s2 =	sld [smem:$0x3F96];
	s0 =	simm.s32 @p1 $0x1  }
0x15: {  	[smem:$0x3FB3] =	sst s0;
	s0 =	simm.s32 @!p2 $0x0  }
0x16: {  	s3 =	sld [smem:$0x3FDB];
	s0 =	simm.s32 @p2 $0x1  }
0x17: {  	s4 =	simm.s32 $0x1BF5;
	[smem:$0x3FB5] =	sst s0  }
0x18: {  	s0 =	sld [smem:$0x3F98];
	_ =	swait.ge [sflag:s4], $0x0  }
0x19: {  	s7 =	sld [smem:$0x3F99]  }
0x1a: {  	s8 =	sadd.s32 $0xFFFFE003, lr  }
0x1b: {  	s9 =	sadd.s32 $0xFFFFFEF7, lr;
	s5 =	simm.s32 $0xFFFFFFFF;
	p2 =	slt.u32 s8, $0xFFFFF086  }
0x1c: {  	p1 =	slt.u32 s9, $0xF7A;
	s5 =	simm.s32 @!p2 $0x0  }
0x1d: {  	s5 =	simm.s32 @p1 $0x1;
	p0 =	seq.s32 s7, s2  }
0x1e: {  	s7 =	smul.u32 @!p0 $0xF7A, s2;
	p2 =	seq.s32 @!p0 s5, $0x0  }
0x1f: {  	s9 =	smul.u32 $0xF7A, s1;
	s8 =	simm.s32 @!p0 $0x1BF5;
	p2 =	por !p2, p0  }
0x20: {  	[sflag:s8] =	ssyncset.s32 @!p0 $0xFFFFF086;
	s6 =	sadd.s32 @!p0 s3, s7;
	s7 =	simm.s32 @!p0 $0x108  }
0x21: {  	s3 =	sadd.s32 s3, s9;
	s6 =	sadd.s32 @!p0 $0x88, s6;
	s7 =	simm.s32 @p2 $0x1082  }
0x22: {  	[simem:s7], [sflag:s8] =	dma.local @!p0 [hbm:s6], $0xF7A  }
0x23: {  	s9 =	sor.u32 $0xD0000000, s2;
	s6 =	simm.s32 $0x108;
	_ =	swait.ge @!p0 [sflag:s8], $0x0  }
0x24: {  	s3 =	sadd.s32 $0x88, s3;
	s6 =	simm.s32 @!p1 $0x1082;
	[sflag:s4] =	ssyncset.s32 $0xFFFFF086  }
0x25: {  	[simem:s6], [sflag:s4] =	dma.local [hbm:s3], $0xF7A  }
0x26: {  	[smem:$0x3F99] =	sst s1;
	(tag) =	ssettag s2;
	_ =	strace s9  }
0x27: {  	s1 =	sld [smem:$0x3FA9]  }
0x28: {  	s2 =	sld [smem:$0x3FAA]  }
0x29: {  	s4 =	sld [smem:$0x3FAC]  }
0x2a: {  	p0 =	seq.s32 s5, $0x0;
	s5 =	sld [smem:$0x3FAD]  }
0x2b: {  	s6 =	sld [smem:$0x3FAE]  }
0x2c: {  	s7 =	sld [smem:$0x3FAF]  }
0x2d: {  	s3 =	simm.s32 $0x108;
	s8 =	sld [smem:$0x3FB0]  }
0x2e: {  	s3 =	simm.s32 @!p0 $0x1082;
	s9 =	sld [smem:$0x3FB1]  }
0x2f: {  	lr =	sadd.s32 s0, s3;
	s0 =	sld [smem:$0x3FA8]  }
0x30: {  	s3 =	sld [smem:$0x3FAB]  }
0x31: {  	[smem:$0x3FB4] =	sst s10  }
0x32: {  	s10 =	sld [smem:$0x3FB2];
	_ =	sdelay $0x3  }
0x33: {  	p0 =	seq.s32 s10, $0x1;
	s10 =	sld [smem:$0x3FB4];
	_ =	sdelay $0x3  }
0x34: {  	[smem:$0x3FB4] =	sst s10  }
0x35: {  	s10 =	sld [smem:$0x3FB3];
	_ =	sdelay $0x3  }
0x36: {  	p1 =	seq.s32 s10, $0x1;
	s10 =	sld [smem:$0x3FB4];
	_ =	sdelay $0x3  }
0x37: {  	[smem:$0x3FB4] =	sst s10  }
0x38: {  	s10 =	sld [smem:$0x3FB5]  }
0x39: {  	_ = 	snop;
	(pc) =	sbr.ind lr, $3  }
0x3a: {  	_ = 	snop  }
0x3b: {  	_ = 	snop  }
0x3c: {  	p2 =	seq.s32 s10, $0x1;
	s10 =	sld [smem:$0x3FB4]  }
0x3d: {  	_ =	shalt  }
0x3e: {  	_ =	shalt  }
0x3f: {  	_ =	shalt  }
0x40: {  	_ =	shalt  }
0x41: {  	_ =	shalt  }
0x42: {  	_ =	shalt  }
0x43: {  	_ =	shalt  }
0x44: {  	_ =	shalt  }
0x45: {  	_ =	shalt  }
0x46: {  	_ =	shalt  }
0x47: {  	_ =	shalt  }
0x48: {  	_ =	shalt  }
0x49: {  	_ =	shalt  }
0x4a: {  	_ =	shalt  }
0x4b: {  	_ =	shalt  }
0x4c: {  	_ =	shalt  }
0x4d: {  	_ =	shalt  }
0x4e: {  	_ =	shalt  }
0x4f: {  	_ =	shalt  }
0x50: {  	_ =	shalt  }
0x51: {  	_ =	shalt  }
0x52: {  	_ =	shalt  }
0x53: {  	_ =	shalt  }
0x54: {  	_ =	shalt  }
0x55: {  	_ =	shalt  }
0x56: {  	_ =	shalt  }
0x57: {  	_ =	shalt  }
0x58: {  	_ =	shalt  }
0x59: {  	_ =	shalt  }
0x5a: {  	_ =	shalt  }
0x5b: {  	_ =	shalt  }
0x5c: {  	_ =	shalt  }
0x5d: {  	_ =	shalt  }
0x5e: {  	_ =	shalt  }
0x5f: {  	_ =	shalt  }
0x60: {  	_ =	shalt  }
0x61: {  	_ =	shalt  }
0x62: {  	_ =	shalt  }
0x63: {  	_ =	shalt  }
0x64: {  	_ =	shalt  }
0x65: {  	_ =	shalt  }
0x66: {  	_ =	shalt  }
0x67: {  	_ =	shalt  }
0x68: {  	_ =	shalt  }
0x69: {  	_ =	shalt  }
0x6a: {  	_ =	shalt  }
0x6b: {  	_ =	shalt  }
0x6c: {  	_ =	shalt  }
0x6d: {  	_ =	shalt  }
0x6e: {  	_ =	shalt  }
0x6f: {  	_ =	shalt  }
0x70: {  	_ =	shalt  }
0x71: {  	_ =	shalt  }
0x72: {  	_ =	shalt  }
0x73: {  	_ =	shalt  }
0x74: {  	_ =	shalt  }
0x75: {  	_ =	shalt  }
0x76: {  	_ =	shalt  }
0x77: {  	_ =	shalt  }
0x78: {  	_ =	shalt  }
0x79: {  	_ =	shalt  }
0x7a: {  	_ =	shalt  }
0x7b: {  	_ =	shalt  }
0x7c: {  	_ =	shalt  }
0x7d: {  	_ =	shalt  }
0x7e: {  	_ =	shalt  }
0x7f: {  	_ =	shalt  }
0x80: {  	_ =	shalt  }
0x81: {  	_ =	shalt  }
0x82: {  	_ =	shalt  }
0x83: {  	_ =	shalt  }
0x84: {  	_ =	shalt  }
0x85: {  	_ =	shalt  }
0x86: {  	_ =	shalt  }
0x87: {  	_ =	shalt  }
.Lfunc_end0:
.L_simem_size_0:
called_computation_lowered:
.L_overlay_start_0:
0x88: {  	s2 =	sld [smem:$0x3FD9]  }
0x89: {  	s3 =	sld [smem:$0x3FFE];
	_ =	sdelay $0x1  }
0x8a: {  	s1 =	srdreg.scid  }
0x8b: {  	s0 =	sand.u32 $0x1, s1  }
0x8c: {  	s17 =	sshll.u32 s0, $0xA;
	s2 =	sadd.s32 s3, s2  }
0x8d: {  	s2 =	sadd.s32 s2, s17  }
0x8e: {  	[smem:$0x3FC0] =	sst s2  }
0x8f: {  	_ = 	snop  }
0x90: {  	s2 =	sld [smem:$0x3FC9]  }
0x91: {  	s18 =	sld [smem:$0x3FD0];
	(tm) =	ssettm $0x1  }
0x92: {  	s4 =	sld [smem:$0x3FFB];
	_ =	sdelay $0x3  }
0x93: {  	_ =	strace s4  }
0x94: {  	s4 =	sld [smem:$0x3FFC];
	_ =	sdelay $0x3  }
0x95: {  	_ =	strace s4  }
0x96: {  	s4 =	sld [smem:$0x3FFD];
	_ =	sdelay $0x3  }
0x97: {  	_ =	strace s4  }
0x98: {  	_ =	strace $0x8FFFFFFF  }
0x99: {  	s19 =	sld [smem:$0x3FDB];
	_ =	sdelay $0x1  }
0x9a: {  	s5 =	simm.s32 $_scs_section_size  }
0x9b: {  	s6 =	simm.s32 $_size__tile_overlayer_lowered;
	s7 =	simm.s32 $_tile_overlayer_lowered  }
0x9c: {  	s22 =	simm.s32 $0x1BFF;
	s21 =	sshll.u32 s7, $0x1;
	s4 =	sadd.s32 s5, s19  }
0x9d: {  	s8 =	simm.s32 $0x0;
	s20 =	sshll.u32 s6, $0x1;
	s6 =	sadd.s32 s21, s4  }
0x9e: {  	[timem:s8], [sflag:s22] =	dma.local [hbm:s6], s20  }
0x9f: {  	_ =	swait.ge [sflag:s22], s20  }
0xa0: {  	s5 =	ssub.s32 $0x0, s20;
	[sflag:s22] =	ssyncset.done $0x0  }
0xa1: {  	[sflag:s22] =	ssyncadd.s32 s5;
	_ =	sdelay $0x1  }
0xa2: {  	s23 =	simm.s32 $0x1B8B  }
0xa3: {  	_ =	swait.ge [sflag:s23], $0x1  }
0xa4: {  	[sflag:s23] =	ssyncset.done $0x0  }
0xa5: {  	s25 =	simm.s32 $0x1B8E;
	s24 =	sld [smem:$0x3FFE];
	[sflag:s23] =	ssyncadd.s32 $0xFFFFFFFF  }
0xa6: {  	s26 =	simm.s32 $execute0_lowered;
	[smem:$0x3FD2] =	sst s25  }
0xa7: {  	s6 =	sshll.u32 s26, $0x1;
	_ =	strace $0x80000046;
	[dreg:$0x1] =	wrdreg $0xFFFFFFFF  }
0xa8: {  	s28 =	simm.s32 $_size_execute0_lowered;
	s4 =	sadd.s32 s4, s6;
	[dreg:$0x0] =	wrdreg $0x0  }
0xa9: {  	s6 =	sshll.u32 s28, $0x1;
	[dreg:$0x2] =	wrdreg s4  }
0xaa: {  	[dreg:$0x3] =	wrdreg s6  }
0xab: {  	[dreg:$0x4] =	wrdreg $0xC0  }
0xac: {  	_ =	task [dreg:s8], $0x5FFFF  }
0xad: {  	[dreg:$0x1] =	wrdreg $0xFFFFFFFF  }
0xae: {  	[dreg:$0x0] =	wrdreg $0x60  }
0xaf: {  	[dreg:$0x2] =	wrdreg s2  }
0xb0: {  	[dreg:$0x3] =	wrdreg s24  }
0xb1: {  	[dreg:$0x4] =	wrdreg s18  }
0xb2: {  	[dreg:$0x5] =	wrdreg $0xAA000  }
0xb3: {  	[dreg:$0x6] =	wrdreg $0x9  }
0xb4: {  	_ =	task.clear_ibuf [dreg:s8], $0x7FFFF;
	_ =	strace $0x90000046  }
0xb5: {  	s29 =	simm.s32 $0x9;
	_ =	strace $0x80000048  }
0xb6: {  	_ =	swait.ge [sflag:s29], $0x1  }
0xb7: {  	[sflag:s29] =	ssyncadd.s32 $0xFFFFFFFF  }
0xb8: {  	_ =	strace $0x90000048  }
0xb9: {  	_ =	sfence  }
0xba: {  	s30 =	sld [smem:$0x0];
	_ =	sdelay $0x2  }
0xbb: {  	s31 =	sshll.u32 s1, $0xD;
	s1 =	sshrl.u32 s1, $0x2  }
0xbc: {  	s3 =	sand.u32 $0x4000, s31;
	s1 =	sadd.s32 s1, s30  }
0xbd: {  	s0 =	sor.u32 s3, s0;
	s1 =	sshll.u32 s1, $0x11  }
0xbe: {  	s0 =	sor.u32 s1, s0  }
0xbf: {  	s0 =	sadd.s32 $0x8F2B, s0  }
0xc0: {  	[sflag:s0] =	ssyncadd.remote.s32 $0x1  }
0xc1: {  	_ =	sfence.sel $0xFFFF  }
0xc2: {  	[dreg:$0x0] =	wrdreg $0xFFFFFFFF;
	(pc) =	sbr.abs _section_cstart, $3  }
0xc3: {  	[dreg:$0x1] =	wrdreg $0xFFFFFFFF  }
0xc4: {  	_ =	task.clear_ibuf [dreg:s8], $0x2FFFF;
	_ =	strace $0x9FFFFFFF  }
0xc5: {  	(tm) =	ssettm $0x7FFFFFFF  }
tec
execute0_lowered:
.L_overlay_start_1:
0x0: {  	(tag) =	ssettag $0x1  }
0x1: {  	s1 =	rddreg [dreg:$0x0]  }
0x2: {  	s0 =	rddreg [dreg:$0x1]  }
0x3: {  	s2 =	srdreg.scid;
	s20 =	stileid.u32  }
0x4: {  	s4 =	rddreg [dreg:$0x3];
	s6 =	smul.u32 $0x14000, s20  }
0x5: {  	s5 =	simm.s32 $0x0;
	s2 =	sand.u32 $0x1, s2;
	s18 =	smul.u32 $0xA0, s20  }
0x6: {  	s3 =	sshll.u32 s20, $0x1;
	[smem:$0x7FF] =	sst s5;
	s21 =	smul.u32 $0x50000, s20  }
0x7: {  	s7 =	sadd.s32 $0x2200, s0;
	s10 =	sadd.s32 $0x16A00, s0;
	s9 =	smul.u32 $0x140000, s2  }
0x8: {  	s3 =	sor.u32 s2, s3;
	s8 =	ssub.s32 $0x2, s2;
	s2 =	smul.u32 $0x50, s2  }
0x9: {  	s11 =	sadd.s32 $0x66A00, s0;
	s3 =	smul.u32 $0x500, s3;
	s12 =	sshrl.u32 s8, $0x1  }
0xa: {  	s26 =	sadd.s32 $0x4000, s6;
	s14 =	sadd.s32 $0x8000, s6;
	s15 =	sadd.s32 $0xC000, s6  }
0xb: {  	s22 =	sshrl.u32 s21, $0x2;
	s8 =	ssub.s32 s8, s12;
	s13 =	sadd.s32 s6, s9  }
0xc: {  	s6 =	sadd.s32 $0x10000, s6;
	s28 =	sadd.s32 s9, s26;
	s17 =	sadd.s32 s9, s14  }
0xd: {  	s30 =	sadd.s32 s9, s15;
	s2 =	sadd.s32 s2, s18;
	s20 =	sadd.s32 s14, s4  }
0xe: {  	s21 =	sadd.s32 s15, s4;
	s12 =	simm.s32 $0x3;
	s14 =	simm.s32 $0x4  }
0xf: {  	s15 =	simm.s32 $0x0;
	s13 =	sshrl.u32 s13, $0x3;
	s17 =	sshrl.u32 s17, $0x3  }
0x10: {  	s9 =	sadd.s32 s9, s6;
	s2 =	sshll.u32 s2, $0x4;
	s24 =	smax.u32 s8, $0x1  }
0x11: {  	s8 =	simm.s32 $0x180;
	s16 =	sadd.s32 s11, s13;
	s29 =	sadd.s32 s11, s17  }
0x12: {  	s9 =	sshrl.u32 s9, $0x3;
	s13 =	sadd.s32 s10, s13;
	[dreg:$0x5] =	wrdreg s16  }
0x13: {  	s18 =	sadd.s32 s10, s17;
	s2 =	sadd.s32 s2, s7;
	[dreg:$0x7] =	wrdreg s29  }
0x14: {  	s17 =	sadd.s32 $0x16200, s0;
	s16 =	sshrl.u32 s28, $0x3;
	[dreg:$0xa] =	wrdreg s13  }
0x15: {  	[dreg:$0xc] =	wrdreg s18;
	s18 =	sadd.s32 s22, s4;
	s19 =	sadd.s32 s11, s16  }
0x16: {  	s16 =	sadd.s32 s10, s16;
	[dreg:$0x6] =	wrdreg s19;
	s19 =	sshrl.u32 s30, $0x3  }
0x17: {  	s22 =	sadd.s32 s6, s4;
	[dreg:$0xb] =	wrdreg s16;
	s31 =	sadd.s32 s11, s19  }
0x18: {  	s25 =	sadd.s32 $0x70, s2;
	s11 =	sadd.s32 s11, s9;
	[dreg:$0x8] =	wrdreg s31  }
0x19: {  	s16 =	sadd.s32 s7, s3;
	s19 =	sadd.s32 s10, s19;
	[dreg:$0x9] =	wrdreg s11  }
0x1a: {  	s3 =	sadd.s32 s3, s0;
	s9 =	sadd.s32 s10, s9;
	[dreg:$0xd] =	wrdreg s19  }
0x1b: {  	s28 =	sadd.s32 $0x40, s2;
	s23 =	sadd.s32 $0xC200, s3;
	[dreg:$0xe] =	wrdreg s9  }
0x1c: {  	s6 =	simm.s32 $0x80;
	_ =	strace $0x80000047;
	[dreg:$0xf] =	wrdreg s23  }
0x1d: {  	s13 =	simm.s32 $0x6;
	s0 =	simm.s32 $0x7;
	[dreg:$0x10] =	wrdreg s24  }
0x1e: {  	s19 =	sadd.s32 s26, s4;
	s26 =	sadd.s32 $0x60, s2;
	[dreg:$0x11] =	wrdreg s25  }
.Ltmp0:
0x1f: {  	s7 =	simm.s32 $0x100;
	[dreg:$0x12] =	wrdreg s26;
	(pc) =	sbr.rel .LBB2_1-.Ltmp0, $4  }
0x20: {  	s29 =	sadd.s32 $0x10, s16;
	s30 =	sadd.s32 $0x20, s16;
	[dreg:$0x13] =	wrdreg s28  }
0x21: {  	s3 =	simm.s32 $0x6A00;
	s10 =	simm.s32 $0x2;
	[dreg:$0x14] =	wrdreg s29  }
0x22: {  	s31 =	sadd.s32 $0x30, s16;
	s2 =	simm.s32 $0x2A00;
	[dreg:$0x15] =	wrdreg s30  }
0x23: {  	s9 =	simm.s32 $0x1;
	s11 =	simm.s32 $0x5;
	[dreg:$0x16] =	wrdreg s31  }
.LBB2_6:
0x24: {  	_ =	swait.ge [sflag:s13], $0x4000  }
0x25: {  	[sflag:s13] =	ssyncset.done $0x0  }
0x26: {  	[sflag:s13] =	ssyncadd.s32 $0xFFFFC000  }
0x27: {  	[spmem:s4] =	stream.indirect.scatter.add.f32 [tilespmem:s3], [sflag:$0x7], $0x80, s25, s6, $0xb8;
	[tilespmem:$0x1EA00] =	vst v63  }
0x28: {  	_ =	swait.ge [sflag:s0], $0x4000  }
0x29: {  	[sflag:s0] =	ssyncset.done $0x0  }
0x2a: {  	[sflag:s0] =	ssyncadd.s32 $0xFFFFC000  }
0x2b: {  	[bflag:$0x0] =	sbarrier.arrive $0xFFFF  }
0x2c: {  	[tilespmem:s2], [sflag:$0x7] =	stream.linear.gather [spmem:s18], $0x4000, $0x38;
	[tilespmem:$0x1EA00] =	vst v63  }
0x2d: {  	_ =	swait.ge [sflag:s0], $0x4000  }
0x2e: {  	[sflag:s0] =	ssyncset.done $0x0  }
0x2f: {  	s23 =	rddreg [dreg:$0xa];
	[sflag:s0] =	ssyncadd.s32 $0xFFFFC000  }
0x30: {  	[hbm4b:s23+s5] =	stream.linear.scatter [tilespmem:s2], [sflag:$0x7], $0x4000, $0x38;
	[tilespmem:$0x1EA00] =	vst v63  }
0x31: {  	_ =	swait.ge [sflag:s0], $0x4000  }
0x32: {  	[sflag:s0] =	ssyncset.done $0x0  }
0x33: {  	[sflag:s0] =	ssyncadd.s32 $0xFFFFC000  }
0x34: {  	[tilespmem:s2], [sflag:$0x7] =	stream.linear.gather [spmem:s19], $0x4000, $0x38;
	[tilespmem:$0x1EA00] =	vst v63  }
0x35: {  	_ =	swait.ge [sflag:s0], $0x4000  }
0x36: {  	[sflag:s0] =	ssyncset.done $0x0  }
0x37: {  	s26 =	rddreg [dreg:$0xb];
	[sflag:s0] =	ssyncadd.s32 $0xFFFFC000  }
0x38: {  	[hbm4b:s26+s5] =	stream.linear.scatter [tilespmem:s2], [sflag:$0x7], $0x4000, $0x38;
	[tilespmem:$0x1EA00] =	vst v63  }
0x39: {  	_ =	swait.ge [sflag:s0], $0x4000  }
0x3a: {  	[sflag:s0] =	ssyncset.done $0x0  }
0x3b: {  	[sflag:s0] =	ssyncadd.s32 $0xFFFFC000  }
0x3c: {  	[tilespmem:s2], [sflag:$0x7] =	stream.linear.gather [spmem:s20], $0x4000, $0x38;
	[tilespmem:$0x1EA00] =	vst v63  }
0x3d: {  	_ =	swait.ge [sflag:s0], $0x4000  }
0x3e: {  	[sflag:s0] =	ssyncset.done $0x0  }
0x3f: {  	s28 =	rddreg [dreg:$0xc];
	[sflag:s0] =	ssyncadd.s32 $0xFFFFC000  }
0x40: {  	[hbm4b:s28+s5] =	stream.linear.scatter [tilespmem:s2], [sflag:$0x7], $0x4000, $0x38;
	[tilespmem:$0x1EA00] =	vst v63  }
0x41: {  	_ =	swait.ge [sflag:s0], $0x4000  }
0x42: {  	[sflag:s0] =	ssyncset.done $0x0  }
0x43: {  	[sflag:s0] =	ssyncadd.s32 $0xFFFFC000  }
0x44: {  	[tilespmem:s2], [sflag:$0x7] =	stream.linear.gather [spmem:s21], $0x4000, $0x38;
	[tilespmem:$0x1EA00] =	vst v63  }
0x45: {  	_ =	swait.ge [sflag:s0], $0x4000  }
0x46: {  	[sflag:s0] =	ssyncset.done $0x0  }
0x47: {  	s29 =	rddreg [dreg:$0xd];
	[sflag:s0] =	ssyncadd.s32 $0xFFFFC000  }
0x48: {  	[hbm4b:s29+s5] =	stream.linear.scatter [tilespmem:s2], [sflag:$0x7], $0x4000, $0x38;
	[tilespmem:$0x1EA00] =	vst v63  }
0x49: {  	_ =	swait.ge [sflag:s0], $0x4000  }
0x4a: {  	[sflag:s0] =	ssyncset.done $0x0  }
0x4b: {  	[sflag:s0] =	ssyncadd.s32 $0xFFFFC000  }
0x4c: {  	[tilespmem:s2], [sflag:$0x7] =	stream.linear.gather [spmem:s22], $0x4000, $0x38;
	[tilespmem:$0x1EA00] =	vst v63  }
0x4d: {  	_ =	swait.ge [sflag:s0], $0x4000  }
0x4e: {  	[sflag:s0] =	ssyncset.done $0x0  }
0x4f: {  	s30 =	rddreg [dreg:$0xe];
	[sflag:s0] =	ssyncadd.s32 $0xFFFFC000  }
0x50: {  	[hbm4b:s30+s5] =	stream.linear.scatter [tilespmem:s2], [sflag:$0x7], $0x4000, $0x38;
	[tilespmem:$0x1EA00] =	vst v63  }
0x51: {  	_ =	swait.ge [sflag:s0], $0x4000  }
0x52: {  	s15 =	sadd.s32 $0x1, s15;
	s31 =	rddreg [dreg:$0x10]  }
0x53: {  	p0 =	sne.s32 s15, s31  }
.Ltmp1:
0x54: {  	_ = 	snop;
	(pc) =	sbr.rel @!p0 .LBB2_7-.Ltmp1, $3  }
0x55: {  	_ =	sdelay $0x1  }
0x56: {  	[sflag:s0] =	ssyncset.done $0x0  }
0x57: {  	[sflag:s0] =	ssyncadd.s32 $0xFFFFC000  }
.LBB2_1:
0x58: {  	[tilespmem:s2], [sflag:$0x7] =	stream.linear.gather [hbm4b:s17+s5], $0x4000, $0x38;
	[tilespmem:$0x1EA00] =	vst v63  }
0x59: {  	_ =	swait.ge [sflag:s0], $0x4000  }
0x5a: {  	[sflag:s0] =	ssyncset.done $0x0  }
0x5b: {  	[sflag:s0] =	ssyncadd.s32 $0xFFFFC000  }
0x5c: {  	[spmem:s18] =	stream.linear.scatter [tilespmem:s2], [sflag:$0x7], $0x4000, $0x38;
	[tilespmem:$0x1EA00] =	vst v63  }
0x5d: {  	_ =	swait.ge [sflag:s0], $0x4000  }
0x5e: {  	[sflag:s0] =	ssyncset.done $0x0  }
0x5f: {  	[sflag:s0] =	ssyncadd.s32 $0xFFFFC000  }
0x60: {  	[spmem:s19] =	stream.linear.scatter [tilespmem:s2], [sflag:$0x7], $0x4000, $0x38;
	[tilespmem:$0x1EA00] =	vst v63  }
0x61: {  	_ =	swait.ge [sflag:s0], $0x4000  }
0x62: {  	[sflag:s0] =	ssyncset.done $0x0  }
0x63: {  	[sflag:s0] =	ssyncadd.s32 $0xFFFFC000  }
0x64: {  	[spmem:s20] =	stream.linear.scatter [tilespmem:s2], [sflag:$0x7], $0x4000, $0x38;
	[tilespmem:$0x1EA00] =	vst v63  }
0x65: {  	_ =	swait.ge [sflag:s0], $0x4000  }
0x66: {  	[sflag:s0] =	ssyncset.done $0x0  }
0x67: {  	[sflag:s0] =	ssyncadd.s32 $0xFFFFC000  }
0x68: {  	[spmem:s21] =	stream.linear.scatter [tilespmem:s2], [sflag:$0x7], $0x4000, $0x38;
	[tilespmem:$0x1EA00] =	vst v63  }
0x69: {  	_ =	swait.ge [sflag:s0], $0x4000  }
0x6a: {  	[sflag:s0] =	ssyncset.done $0x0  }
0x6b: {  	[sflag:s0] =	ssyncadd.s32 $0xFFFFC000  }
0x6c: {  	[spmem:s22] =	stream.linear.scatter [tilespmem:s2], [sflag:$0x7], $0x4000, $0x38;
	[tilespmem:$0x1EA00] =	vst v63  }
0x6d: {  	_ =	swait.ge [sflag:s0], $0x4000  }
0x6e: {  	[sflag:s0] =	ssyncset.done $0x0  }
0x6f: {  	s24 =	simm.s32 $0x200;
	s23 =	rddreg [dreg:$0xf];
	[sflag:s0] =	ssyncadd.s32 $0xFFFFC000  }
0x70: {  	[tilespmem:s24], [sflag:$0x7] =	stream.linear.gather [hbm4b:s23+s5], $0x2800, $0x38;
	[tilespmem:$0x1EA00] =	vst v63  }
0x71: {  	_ =	swait.ge [sflag:s0], $0x2800  }
0x72: {  	[sflag:s0] =	ssyncset.done $0x0  }
0x73: {  	[sflag:s0] =	ssyncadd.s32 $0xFFFFD800  }
0x74: {  	[bflag:$0x0] =	sbarrier.arrive $0xFFFF  }
0x75: {  	s30 =	rddreg [dreg:$0x2]  }
0x76: {  	[tilespmem:s3], [sflag:$0x7] =	stream.linear.gather [hbm4b:s30+s5], $0x4000, $0x38;
	[tilespmem:$0x1EA00] =	vst v63  }
0x77: {  	_ =	swait.ge [sflag:s0], $0x4000  }
0x78: {  	[sflag:s0] =	ssyncset.done $0x0  }
0x79: {  	s31 =	simm.s32 $0x200;
	[sflag:s0] =	ssyncadd.s32 $0xFFFFC000  }
0x7a: {  	[spmem:s4] =	stream.indirect.scatter.add.f32 [tilespmem:s3], [sflag:$0x7], $0x80, s31, s6, $0xb8;
	[tilespmem:$0x1EA00] =	vst v63  }
0x7b: {  	s23 =	simm.s32 $0x200;
	_ =	swait.ge [sflag:s0], $0x4000  }
.LBB2_2:
0x7c: {  	s25 =	sshra.s32 s23, $0x2;
	[sflag:s0] =	ssyncset.done $0x0;
	p0 =	sne.s32 s23, $0x9E00  }
.Ltmp2:
0x7d: {  	s25 =	sadd.s32 $0x200, s25;
	[sflag:s0] =	ssyncadd.s32 $0xFFFFC000;
	(pc) =	sbr.rel @p0 .LBB2_2-.Ltmp2, $3  }
0x7e: {  	[spmem:s4] =	stream.indirect.scatter.add.f32 [tilespmem:s3], [sflag:$0x7], $0x80, s25, s6, $0xb8;
	[tilespmem:$0x1EA00] =	vst v63  }
0x7f: {  	s23 =	sadd.s32 $0x200, s23;
	_ =	sdelay $0x1  }
0x80: {  	_ =	swait.ge [sflag:s0], $0x4000  }
0x81: {  	[sflag:s0] =	ssyncset.done $0x0  }
0x82: {  	[sflag:s0] =	ssyncadd.s32 $0xFFFFC000  }
0x83: {  	[bflag:$0x0] =	sbarrier.arrive $0xFFFF  }
0x84: {  	[tilespmem:s2], [sflag:$0x7] =	stream.linear.gather [spmem:s18], $0x4000, $0x38;
	[tilespmem:$0x1EA00] =	vst v63  }
0x85: {  	_ =	swait.ge [sflag:s0], $0x4000  }
0x86: {  	[sflag:s0] =	ssyncset.done $0x0  }
0x87: {  	s23 =	simm.s32 $0x0;
	s24 =	rddreg [dreg:$0x5];
	[sflag:s0] =	ssyncadd.s32 $0xFFFFC000  }
0x88: {  	[hbm4b:s24+s23] =	stream.linear.scatter [tilespmem:s2], [sflag:$0x7], $0x4000, $0x38;
	[tilespmem:$0x1EA00] =	vst v63  }
0x89: {  	_ =	swait.ge [sflag:s0], $0x4000  }
0x8a: {  	[sflag:s0] =	ssyncset.done $0x0  }
0x8b: {  	[sflag:s0] =	ssyncadd.s32 $0xFFFFC000  }
0x8c: {  	[tilespmem:s2], [sflag:$0x7] =	stream.linear.gather [spmem:s19], $0x4000, $0x38;
	[tilespmem:$0x1EA00] =	vst v63  }
0x8d: {  	_ =	swait.ge [sflag:s0], $0x4000  }
0x8e: {  	[sflag:s0] =	ssyncset.done $0x0  }
0x8f: {  	s26 =	rddreg [dreg:$0x6];
	[sflag:s0] =	ssyncadd.s32 $0xFFFFC000  }
0x90: {  	[hbm4b:s26+s23] =	stream.linear.scatter [tilespmem:s2], [sflag:$0x7], $0x4000, $0x38;
	[tilespmem:$0x1EA00] =	vst v63  }
0x91: {  	_ =	swait.ge [sflag:s0], $0x4000  }
0x92: {  	[sflag:s0] =	ssyncset.done $0x0  }
0x93: {  	[sflag:s0] =	ssyncadd.s32 $0xFFFFC000  }
0x94: {  	[tilespmem:s2], [sflag:$0x7] =	stream.linear.gather [spmem:s20], $0x4000, $0x38;
	[tilespmem:$0x1EA00] =	vst v63  }
0x95: {  	_ =	swait.ge [sflag:s0], $0x4000  }
0x96: {  	[sflag:s0] =	ssyncset.done $0x0  }
0x97: {  	s30 =	rddreg [dreg:$0x7];
	[sflag:s0] =	ssyncadd.s32 $0xFFFFC000  }
0x98: {  	[hbm4b:s30+s23] =	stream.linear.scatter [tilespmem:s2], [sflag:$0x7], $0x4000, $0x38;
	[tilespmem:$0x1EA00] =	vst v63  }
0x99: {  	_ =	swait.ge [sflag:s0], $0x4000  }
0x9a: {  	[sflag:s0] =	ssyncset.done $0x0  }
0x9b: {  	[sflag:s0] =	ssyncadd.s32 $0xFFFFC000  }
0x9c: {  	[tilespmem:s2], [sflag:$0x7] =	stream.linear.gather [spmem:s21], $0x4000, $0x38;
	[tilespmem:$0x1EA00] =	vst v63  }
0x9d: {  	_ =	swait.ge [sflag:s0], $0x4000  }
0x9e: {  	[sflag:s0] =	ssyncset.done $0x0  }
0x9f: {  	s31 =	rddreg [dreg:$0x8];
	[sflag:s0] =	ssyncadd.s32 $0xFFFFC000  }
0xa0: {  	[hbm4b:s31+s23] =	stream.linear.scatter [tilespmem:s2], [sflag:$0x7], $0x4000, $0x38;
	[tilespmem:$0x1EA00] =	vst v63  }
0xa1: {  	_ =	swait.ge [sflag:s0], $0x4000  }
0xa2: {  	[sflag:s0] =	ssyncset.done $0x0  }
0xa3: {  	[sflag:s0] =	ssyncadd.s32 $0xFFFFC000  }
0xa4: {  	[tilespmem:s2], [sflag:$0x7] =	stream.linear.gather [spmem:s22], $0x4000, $0x38;
	[tilespmem:$0x1EA00] =	vst v63  }
0xa5: {  	_ =	swait.ge [sflag:s0], $0x4000  }
0xa6: {  	[sflag:s0] =	ssyncset.done $0x0  }
0xa7: {  	s25 =	rddreg [dreg:$0x9];
	[sflag:s0] =	ssyncadd.s32 $0xFFFFC000  }
0xa8: {  	[hbm4b:s25+s23] =	stream.linear.scatter [tilespmem:s2], [sflag:$0x7], $0x4000, $0x38;
	[tilespmem:$0x1EA00] =	vst v63  }
0xa9: {  	_ =	swait.ge [sflag:s0], $0x4000  }
0xaa: {  	[sflag:s0] =	ssyncset.done $0x0  }
0xab: {  	[sflag:s0] =	ssyncadd.s32 $0xFFFFC000  }
0xac: {  	[tilespmem:s2], [sflag:$0x7] =	stream.linear.gather [hbm4b:s17+s23], $0x4000, $0x38;
	[tilespmem:$0x1EA00] =	vst v63  }
0xad: {  	_ =	swait.ge [sflag:s0], $0x4000  }
0xae: {  	[sflag:s0] =	ssyncset.done $0x0  }
0xaf: {  	[sflag:s0] =	ssyncadd.s32 $0xFFFFC000  }
0xb0: {  	[spmem:s18] =	stream.linear.scatter [tilespmem:s2], [sflag:$0x7], $0x4000, $0x38;
	[tilespmem:$0x1EA00] =	vst v63  }
0xb1: {  	_ =	swait.ge [sflag:s0], $0x4000  }
0xb2: {  	[sflag:s0] =	ssyncset.done $0x0  }
0xb3: {  	[sflag:s0] =	ssyncadd.s32 $0xFFFFC000  }
0xb4: {  	[spmem:s19] =	stream.linear.scatter [tilespmem:s2], [sflag:$0x7], $0x4000, $0x38;
	[tilespmem:$0x1EA00] =	vst v63  }
0xb5: {  	_ =	swait.ge [sflag:s0], $0x4000  }
0xb6: {  	[sflag:s0] =	ssyncset.done $0x0  }
0xb7: {  	[sflag:s0] =	ssyncadd.s32 $0xFFFFC000  }
0xb8: {  	[spmem:s20] =	stream.linear.scatter [tilespmem:s2], [sflag:$0x7], $0x4000, $0x38;
	[tilespmem:$0x1EA00] =	vst v63  }
0xb9: {  	_ =	swait.ge [sflag:s0], $0x4000  }
0xba: {  	[sflag:s0] =	ssyncset.done $0x0  }
0xbb: {  	[sflag:s0] =	ssyncadd.s32 $0xFFFFC000  }
0xbc: {  	[spmem:s21] =	stream.linear.scatter [tilespmem:s2], [sflag:$0x7], $0x4000, $0x38;
	[tilespmem:$0x1EA00] =	vst v63  }
0xbd: {  	_ =	swait.ge [sflag:s0], $0x4000  }
0xbe: {  	[sflag:s0] =	ssyncset.done $0x0  }
0xbf: {  	[sflag:s0] =	ssyncadd.s32 $0xFFFFC000  }
0xc0: {  	[spmem:s22] =	stream.linear.scatter [tilespmem:s2], [sflag:$0x7], $0x4000, $0x38;
	[tilespmem:$0x1EA00] =	vst v63  }
0xc1: {  	_ =	swait.ge [sflag:s0], $0x4000  }
0xc2: {  	[sflag:s0] =	ssyncset.done $0x0  }
0xc3: {  	[sflag:s0] =	ssyncadd.s32 $0xFFFFC000  }
0xc4: {  	[bflag:$0x0] =	sbarrier.arrive $0xFFFF  }
0xc5: {  	[tilespmem:s23], [sflag:$0x1] =	stream.linear.gather [hbm4b:s16+s23], $0x80, $0x38;
	[tilespmem:$0x1EA00] =	vst v63  }
0xc6: {  	s26 =	rddreg [dreg:$0x14]  }
0xc7: {  	[tilespmem:s6], [sflag:$0x2] =	stream.linear.gather [hbm4b:s26+s23], $0x80, $0x38;
	[tilespmem:$0x1EA00] =	vst v63  }
0xc8: {  	s30 =	rddreg [dreg:$0x15]  }
0xc9: {  	[tilespmem:s7], [sflag:$0x3] =	stream.linear.gather [hbm4b:s30+s23], $0x80, $0x38;
	[tilespmem:$0x1EA00] =	vst v63  }
0xca: {  	s31 =	rddreg [dreg:$0x16]  }
0xcb: {  	[tilespmem:s8], [sflag:$0x4] =	stream.linear.gather [hbm4b:s31+s23], $0x80, $0x38;
	[tilespmem:$0x1EA00] =	vst v63  }
0xcc: {  	_ =	swait.ge [sflag:s9], $0x80  }
0xcd: {  	s28 =	rddreg [dreg:$0x13]  }
0xce: {  	[sflag:s9] =	ssyncset.done $0x0;
	s26 =	rddreg [dreg:$0x12]  }
0xcf: {  	s29 =	rddreg [dreg:$0x11];
	[sflag:s9] =	ssyncadd.s32 $0xFFFFFF80  }
0xd0: {  	[tilespmem:s2], [sflag:$0x5] =	stream.indirect.gather [hbm4b:s1+s6], $0x80, s23, s6, $0xb8;
	[tilespmem:$0x1EA00] =	vst v63  }
.LBB2_4:
0xd1: {  	_ =	swait.ge [sflag:s10], $0x80  }
0xd2: {  	[sflag:s10] =	ssyncset.done $0x0  }
0xd3: {  	[sflag:s10] =	ssyncadd.s32 $0xFFFFFF80  }
0xd4: {  	[tilespmem:s3], [sflag:$0x6] =	stream.indirect.gather [hbm4b:s1+s6], $0x80, s6, s6, $0xb8;
	[tilespmem:$0x1EA00] =	vst v63  }
0xd5: {  	_ =	swait.ge [sflag:s11], $0x4000  }
0xd6: {  	s25 =	sshra.s32 s23, $0x2;
	[sflag:s11] =	ssyncset.done $0x0  }
0xd7: {  	s30 =	sadd.s32 $0x200, s25;
	[sflag:s11] =	ssyncadd.s32 $0xFFFFC000  }
0xd8: {  	[spmem:s4] =	stream.indirect.scatter.add.f32 [tilespmem:s2], [sflag:$0x7], $0x80, s30, s6, $0xb8;
	[tilespmem:$0x1EA00] =	vst v63  }
0xd9: {  	_ =	swait.ge [sflag:s0], $0x4000  }
0xda: {  	p0 =	seq.s32 s23, $0x9800;
	[sflag:s0] =	ssyncset.done $0x0  }
0xdb: {  	s30 =	simm.s32 @!p0 $0x0;
	[sflag:s0] =	ssyncadd.s32 $0xFFFFC000  }
0xdc: {  	[tilespmem:s30], [sflag:$0x1] =	stream.linear.gather @!p0 [hbm4b:s28+s30], $0x80, $0x38;
	[tilespmem:$0x1EA00] =	vst v63  }
0xdd: {  	_ =	swait.ge [sflag:s12], $0x80  }
0xde: {  	[sflag:s12] =	ssyncset.done $0x0  }
0xdf: {  	[sflag:s12] =	ssyncadd.s32 $0xFFFFFF80  }
0xe0: {  	[tilespmem:s2], [sflag:$0x5] =	stream.indirect.gather [hbm4b:s1+s6], $0x80, s7, s6, $0xb8;
	[tilespmem:$0x1EA00] =	vst v63  }
0xe1: {  	_ =	swait.ge [sflag:s13], $0x4000  }
0xe2: {  	[sflag:s13] =	ssyncset.done $0x0  }
0xe3: {  	s24 =	sadd.s32 $0x280, s25;
	[sflag:s13] =	ssyncadd.s32 $0xFFFFC000  }
0xe4: {  	[spmem:s4] =	stream.indirect.scatter.add.f32 [tilespmem:s3], [sflag:$0x7], $0x80, s24, s6, $0xb8;
	[tilespmem:$0x1EA00] =	vst v63  }
0xe5: {  	_ =	swait.ge [sflag:s0], $0x4000  }
0xe6: {  	[sflag:s0] =	ssyncset.done $0x0  }
0xe7: {  	s31 =	simm.s32 @!p0 $0x80;
	s24 =	sadd.s32 @!p0 $0xFFFFFFE0, s29;
	[sflag:s0] =	ssyncadd.s32 $0xFFFFC000  }
0xe8: {  	[tilespmem:s31], [sflag:$0x2] =	stream.linear.gather @!p0 [hbm4b:s24+s30], $0x80, $0x38;
	[tilespmem:$0x1EA00] =	vst v63  }
0xe9: {  	_ =	swait.ge [sflag:s14], $0x80  }
0xea: {  	[sflag:s14] =	ssyncset.done $0x0  }
0xeb: {  	[sflag:s14] =	ssyncadd.s32 $0xFFFFFF80  }
0xec: {  	[tilespmem:s3], [sflag:$0x6] =	stream.indirect.gather [hbm4b:s1+s6], $0x80, s8, s6, $0xb8;
	[tilespmem:$0x1EA00] =	vst v63  }
0xed: {  	_ =	swait.ge [sflag:s11], $0x4000  }
0xee: {  	[sflag:s11] =	ssyncset.done $0x0  }
.Ltmp3:
0xef: {  	s31 =	sadd.s32 $0x300, s25;
	[sflag:s11] =	ssyncadd.s32 $0xFFFFC000;
	(pc) =	sbr.rel @p0 .LBB2_6-.Ltmp3, $4  }
0xf0: {  	[spmem:s4] =	stream.indirect.scatter.add.f32 [tilespmem:s2], [sflag:$0x7], $0x80, s31, s6, $0xb8;
	[tilespmem:$0x1EA00] =	vst v63  }
0xf1: {  	_ =	swait.ge [sflag:s0], $0x4000  }
0xf2: {  	[sflag:s0] =	ssyncset.done $0x0  }
0xf3: {  	s25 =	sadd.s32 $0x380, s25;
	[sflag:s0] =	ssyncadd.s32 $0xFFFFC000  }
0xf4: {  	[tilespmem:s7], [sflag:$0x3] =	stream.linear.gather [hbm4b:s26+s5], $0x80, $0x38;
	[tilespmem:$0x1EA00] =	vst v63  }
0xf5: {  	_ =	swait.ge [sflag:s9], $0x80  }
0xf6: {  	[sflag:s9] =	ssyncset.done $0x0  }
0xf7: {  	[sflag:s9] =	ssyncadd.s32 $0xFFFFFF80  }
0xf8: {  	[tilespmem:s2], [sflag:$0x5] =	stream.indirect.gather [hbm4b:s1+s6], $0x80, s5, s6, $0xb8;
	[tilespmem:$0x1EA00] =	vst v63  }
0xf9: {  	_ =	swait.ge [sflag:s13], $0x4000  }
0xfa: {  	[sflag:s13] =	ssyncset.done $0x0  }
0xfb: {  	[sflag:s13] =	ssyncadd.s32 $0xFFFFC000  }
0xfc: {  	[spmem:s4] =	stream.indirect.scatter.add.f32 [tilespmem:s3], [sflag:$0x7], $0x80, s25, s6, $0xb8;
	[tilespmem:$0x1EA00] =	vst v63  }
.Ltmp4:
0xfd: {  	_ =	swait.ge [sflag:s0], $0x4000;
	(pc) =	sbr.rel .LBB2_4-.Ltmp4, $4  }
0xfe: {  	[sflag:s0] =	ssyncset.done $0x0  }
0xff: {  	s23 =	sadd.s32 $0x800, s23;
	[sflag:s0] =	ssyncadd.s32 $0xFFFFC000  }
0x100: {  	[tilespmem:s8], [sflag:$0x4] =	stream.linear.gather [hbm4b:s29+s5], $0x80, $0x38;
	[tilespmem:$0x1EA00] =	vst v63  }
0x101: {  	s26 =	sadd.s32 $0x40, s26;
	s28 =	sadd.s32 $0x40, s28;
	s29 =	sadd.s32 $0x40, s29  }
.LBB2_7:
0x102: {  	_ =	sfence.sel $0x180000  }
0x103: {  	[bflag:$0x0] =	sbarrier.arrive $0xFFFF  }
0x104: {  	_ =	strace $0x90000047  }
0x105: {  	s0 =	stileid.u32;
	[bflag:$0x2] =	sbarrier.arrive $0xFFFF  }
0x106: {  	p0 =	sne.s32 s0, $0x0;
	s0 =	rddreg [dreg:$0x4]  }
0x107: {  	s0 =	sadd.s32 @!p0 $0x100000, s0  }
0x108: {  	[sflag:s0] =	ssyncadd.tile.s32 @!p0 $0x1;
	_ =	shalt  }
.Lfunc_end2:
_tile_overlayer_lowered:
.L_overlay_start_2:
0x109: {  	(tag) =	ssettag $0x2  }
0x10a: {  	s0 =	rddreg [dreg:$0x0];
	s2 =	stileid.u32  }
0x10b: {  	s1 =	rddreg [dreg:$0x1];
	p0 =	sne.s32 s2, $0x0  }
0x10c: {  	s3 =	rddreg [dreg:$0x2];
	[bflag:$0x3] =	sbarrier.arrive $0xFFFF;
	s2 =	simm.s32 @!p0 $0x1C07  }
0x10d: {  	[timem:s3], [sflag:s2] =	dma.local @!p0 [hbm:s0], s1  }
0x10e: {  	s0 =	simm.s32 @!p0 $0x7  }
0x10f: {  	_ =	swait.ge @!p0 [sflag:s0], s1  }
0x110: {  	s1 =	ssub.s32 @!p0 $0x0, s1;
	[sflag:s0] =	ssyncset.done @!p0 $0x0  }
0x111: {  	[sflag:s0] =	ssyncadd.s32 @!p0 s1  }
0x112: {  	[bflag:$0x3] =	sbarrier.arrive $0xFFFF  }
0x113: {  	_ =	shalt  }

// kernel: kernel.9.cloned.1.call-start
scs
__scs_entry_jumppad:
0x0: {  	(pc) =	sbr.rel $0x88, $3  }
0x1: {  	(tag) =	ssettag $0x0;
	lr =	simm.s32 $0x1  }
0x2: {  	[smem:$0x3F99] =	sst lr;
	_ =	strace $0xD0000000  }
0x3: {  	_ = 	snop  }
0x4: {  	_ = 	snop  }
0x5: {  	_ = 	snop  }
0x6: {  	_ = 	snop  }
0x7: {  	_ = 	snop  }
__scs_overlays_trampoline_lowered:
0x8: {  	[smem:$0x3FA8] =	sst s0  }
0x9: {  	[smem:$0x3FA9] =	sst s1  }
0xa: {  	[smem:$0x3FAA] =	sst s2  }
0xb: {  	[smem:$0x3FAB] =	sst s3  }
0xc: {  	[smem:$0x3FAC] =	sst s4  }
0xd: {  	[smem:$0x3FAD] =	sst s5  }
0xe: {  	[smem:$0x3FAE] =	sst s6  }
0xf: {  	[smem:$0x3FAF] =	sst s7  }
0x10: {  	[smem:$0x3FB0] =	sst s8  }
0x11: {  	[smem:$0x3FB1] =	sst s9;
	s0 =	simm.s32 @!p0 $0x0  }
0x12: {  	s1 =	sld [smem:$0x3F97];
	s0 =	simm.s32 @p0 $0x1  }
0x13: {  	[smem:$0x3FB2] =	sst s0;
	s0 =	simm.s32 @!p1 $0x0  }
0x14: {  	s2 =	sld [smem:$0x3F96];
	s0 =	simm.s32 @p1 $0x1  }
0x15: {  	[smem:$0x3FB3] =	sst s0;
	s0 =	simm.s32 @!p2 $0x0  }
0x16: {  	s3 =	sld [smem:$0x3FDB];
	s0 =	simm.s32 @p2 $0x1  }
0x17: {  	s4 =	simm.s32 $0x1BF5;
	[smem:$0x3FB5] =	sst s0  }
0x18: {  	s0 =	sld [smem:$0x3F98];
	_ =	swait.ge [sflag:s4], $0x0  }
0x19: {  	s7 =	sld [smem:$0x3F99]  }
0x1a: {  	s8 =	sadd.s32 $0xFFFFE003, lr  }
0x1b: {  	s9 =	sadd.s32 $0xFFFFFEF7, lr;
	s5 =	simm.s32 $0xFFFFFFFF;
	p2 =	slt.u32 s8, $0xFFFFF086  }
0x1c: {  	p1 =	slt.u32 s9, $0xF7A;
	s5 =	simm.s32 @!p2 $0x0  }
0x1d: {  	s5 =	simm.s32 @p1 $0x1;
	p0 =	seq.s32 s7, s2  }
0x1e: {  	s7 =	smul.u32 @!p0 $0xF7A, s2;
	p2 =	seq.s32 @!p0 s5, $0x0  }
0x1f: {  	s9 =	smul.u32 $0xF7A, s1;
	s8 =	simm.s32 @!p0 $0x1BF5;
	p2 =	por !p2, p0  }
0x20: {  	[sflag:s8] =	ssyncset.s32 @!p0 $0xFFFFF086;
	s6 =	sadd.s32 @!p0 s3, s7;
	s7 =	simm.s32 @!p0 $0x108  }
0x21: {  	s3 =	sadd.s32 s3, s9;
	s6 =	sadd.s32 @!p0 $0x88, s6;
	s7 =	simm.s32 @p2 $0x1082  }
0x22: {  	[simem:s7], [sflag:s8] =	dma.local @!p0 [hbm:s6], $0xF7A  }
0x23: {  	s9 =	sor.u32 $0xD0000000, s2;
	s6 =	simm.s32 $0x108;
	_ =	swait.ge @!p0 [sflag:s8], $0x0  }
0x24: {  	s3 =	sadd.s32 $0x88, s3;
	s6 =	simm.s32 @!p1 $0x1082;
	[sflag:s4] =	ssyncset.s32 $0xFFFFF086  }
0x25: {  	[simem:s6], [sflag:s4] =	dma.local [hbm:s3], $0xF7A  }
0x26: {  	[smem:$0x3F99] =	sst s1;
	(tag) =	ssettag s2;
	_ =	strace s9  }
0x27: {  	s1 =	sld [smem:$0x3FA9]  }
0x28: {  	s2 =	sld [smem:$0x3FAA]  }
0x29: {  	s4 =	sld [smem:$0x3FAC]  }
0x2a: {  	p0 =	seq.s32 s5, $0x0;
	s5 =	sld [smem:$0x3FAD]  }
0x2b: {  	s6 =	sld [smem:$0x3FAE]  }
0x2c: {  	s7 =	sld [smem:$0x3FAF]  }
0x2d: {  	s3 =	simm.s32 $0x108;
	s8 =	sld [smem:$0x3FB0]  }
0x2e: {  	s3 =	simm.s32 @!p0 $0x1082;
	s9 =	sld [smem:$0x3FB1]  }
0x2f: {  	lr =	sadd.s32 s0, s3;
	s0 =	sld [smem:$0x3FA8]  }
0x30: {  	s3 =	sld [smem:$0x3FAB]  }
0x31: {  	[smem:$0x3FB4] =	sst s10  }
0x32: {  	s10 =	sld [smem:$0x3FB2];
	_ =	sdelay $0x3  }
0x33: {  	p0 =	seq.s32 s10, $0x1;
	s10 =	sld [smem:$0x3FB4];
	_ =	sdelay $0x3  }
0x34: {  	[smem:$0x3FB4] =	sst s10  }
0x35: {  	s10 =	sld [smem:$0x3FB3];
	_ =	sdelay $0x3  }
0x36: {  	p1 =	seq.s32 s10, $0x1;
	s10 =	sld [smem:$0x3FB4];
	_ =	sdelay $0x3  }
0x37: {  	[smem:$0x3FB4] =	sst s10  }
0x38: {  	s10 =	sld [smem:$0x3FB5]  }
0x39: {  	_ = 	snop;
	(pc) =	sbr.ind lr, $3  }
0x3a: {  	_ = 	snop  }
0x3b: {  	_ = 	snop  }
0x3c: {  	p2 =	seq.s32 s10, $0x1;
	s10 =	sld [smem:$0x3FB4]  }
0x3d: {  	_ =	shalt  }
0x3e: {  	_ =	shalt  }
0x3f: {  	_ =	shalt  }
0x40: {  	_ =	shalt  }
0x41: {  	_ =	shalt  }
0x42: {  	_ =	shalt  }
0x43: {  	_ =	shalt  }
0x44: {  	_ =	shalt  }
0x45: {  	_ =	shalt  }
0x46: {  	_ =	shalt  }
0x47: {  	_ =	shalt  }
0x48: {  	_ =	shalt  }
0x49: {  	_ =	shalt  }
0x4a: {  	_ =	shalt  }
0x4b: {  	_ =	shalt  }
0x4c: {  	_ =	shalt  }
0x4d: {  	_ =	shalt  }
0x4e: {  	_ =	shalt  }
0x4f: {  	_ =	shalt  }
0x50: {  	_ =	shalt  }
0x51: {  	_ =	shalt  }
0x52: {  	_ =	shalt  }
0x53: {  	_ =	shalt  }
0x54: {  	_ =	shalt  }
0x55: {  	_ =	shalt  }
0x56: {  	_ =	shalt  }
0x57: {  	_ =	shalt  }
0x58: {  	_ =	shalt  }
0x59: {  	_ =	shalt  }
0x5a: {  	_ =	shalt  }
0x5b: {  	_ =	shalt  }
0x5c: {  	_ =	shalt  }
0x5d: {  	_ =	shalt  }
0x5e: {  	_ =	shalt  }
0x5f: {  	_ =	shalt  }
0x60: {  	_ =	shalt  }
0x61: {  	_ =	shalt  }
0x62: {  	_ =	shalt  }
0x63: {  	_ =	shalt  }
0x64: {  	_ =	shalt  }
0x65: {  	_ =	shalt  }
0x66: {  	_ =	shalt  }
0x67: {  	_ =	shalt  }
0x68: {  	_ =	shalt  }
0x69: {  	_ =	shalt  }
0x6a: {  	_ =	shalt  }
0x6b: {  	_ =	shalt  }
0x6c: {  	_ =	shalt  }
0x6d: {  	_ =	shalt  }
0x6e: {  	_ =	shalt  }
0x6f: {  	_ =	shalt  }
0x70: {  	_ =	shalt  }
0x71: {  	_ =	shalt  }
0x72: {  	_ =	shalt  }
0x73: {  	_ =	shalt  }
0x74: {  	_ =	shalt  }
0x75: {  	_ =	shalt  }
0x76: {  	_ =	shalt  }
0x77: {  	_ =	shalt  }
0x78: {  	_ =	shalt  }
0x79: {  	_ =	shalt  }
0x7a: {  	_ =	shalt  }
0x7b: {  	_ =	shalt  }
0x7c: {  	_ =	shalt  }
0x7d: {  	_ =	shalt  }
0x7e: {  	_ =	shalt  }
0x7f: {  	_ =	shalt  }
0x80: {  	_ =	shalt  }
0x81: {  	_ =	shalt  }
0x82: {  	_ =	shalt  }
0x83: {  	_ =	shalt  }
0x84: {  	_ =	shalt  }
0x85: {  	_ =	shalt  }
0x86: {  	_ =	shalt  }
0x87: {  	_ =	shalt  }
.Lfunc_end0:
.L_simem_size_0:
called_computation.1_lowered:
.L_overlay_start_0:
0x88: {  	s2 =	sld [smem:$0x3FD9]  }
0x89: {  	s3 =	sld [smem:$0x3FFE];
	_ =	sdelay $0x1  }
0x8a: {  	s1 =	srdreg.scid  }
0x8b: {  	s0 =	sand.u32 $0x1, s1  }
0x8c: {  	s17 =	sshll.u32 s0, $0xA;
	s2 =	sadd.s32 s3, s2  }
0x8d: {  	s2 =	sadd.s32 s2, s17  }
0x8e: {  	[smem:$0x3FC0] =	sst s2  }
0x8f: {  	_ = 	snop  }
0x90: {  	s2 =	sld [smem:$0x3FD0];
	(tm) =	ssettm $0x1  }
0x91: {  	s18 =	sld [smem:$0x3FFB];
	_ =	sdelay $0x3  }
0x92: {  	_ =	strace s18  }
0x93: {  	s3 =	sld [smem:$0x3FFC];
	_ =	sdelay $0x3  }
0x94: {  	_ =	strace s3  }
0x95: {  	s3 =	sld [smem:$0x3FFD];
	_ =	sdelay $0x3  }
0x96: {  	_ =	strace s3  }
0x97: {  	_ =	strace $0x8FFFFFFF  }
0x98: {  	s19 =	sld [smem:$0x3FDB];
	_ =	sdelay $0x1  }
0x99: {  	s4 =	simm.s32 $_scs_section_size  }
0x9a: {  	s5 =	simm.s32 $_size__tile_overlayer_lowered;
	s6 =	simm.s32 $_tile_overlayer_lowered  }
0x9b: {  	s22 =	simm.s32 $0x1BFF;
	s21 =	sshll.u32 s6, $0x1;
	s3 =	sadd.s32 s4, s19  }
0x9c: {  	s7 =	simm.s32 $0x0;
	s20 =	sshll.u32 s5, $0x1;
	s5 =	sadd.s32 s21, s3  }
0x9d: {  	[timem:s7], [sflag:s22] =	dma.local [hbm:s5], s20  }
0x9e: {  	_ =	swait.ge [sflag:s22], s20  }
0x9f: {  	s4 =	ssub.s32 $0x0, s20;
	[sflag:s22] =	ssyncset.done $0x0  }
0xa0: {  	[sflag:s22] =	ssyncadd.s32 s4;
	_ =	sdelay $0x1  }
0xa1: {  	s23 =	simm.s32 $0x1B8B  }
0xa2: {  	_ =	swait.ge [sflag:s23], $0x1  }
0xa3: {  	[sflag:s23] =	ssyncset.done $0x0  }
0xa4: {  	s25 =	simm.s32 $0x1B8E;
	s24 =	sld [smem:$0x3FFE];
	[sflag:s23] =	ssyncadd.s32 $0xFFFFFFFF  }
0xa5: {  	s26 =	simm.s32 $execute0_lowered;
	[smem:$0x3FD2] =	sst s25  }
0xa6: {  	s5 =	sshll.u32 s26, $0x1;
	_ =	strace $0x80000049;
	[dreg:$0x1] =	wrdreg $0xFFFFFFFF  }
0xa7: {  	s28 =	simm.s32 $_size_execute0_lowered;
	s3 =	sadd.s32 s3, s5;
	[dreg:$0x0] =	wrdreg $0x0  }
0xa8: {  	s5 =	sshll.u32 s28, $0x1;
	[dreg:$0x2] =	wrdreg s3  }
0xa9: {  	[dreg:$0x3] =	wrdreg s5  }
0xaa: {  	[dreg:$0x4] =	wrdreg $0xC0  }
0xab: {  	_ =	task [dreg:s7], $0x5FFFF  }
0xac: {  	[dreg:$0x1] =	wrdreg $0xFFFFFFFF  }
0xad: {  	[dreg:$0x0] =	wrdreg $0x60  }
0xae: {  	[dreg:$0x2] =	wrdreg s2  }
0xaf: {  	[dreg:$0x3] =	wrdreg s24  }
0xb0: {  	[dreg:$0x4] =	wrdreg $0xAA000  }
0xb1: {  	[dreg:$0x5] =	wrdreg $0x9  }
0xb2: {  	_ =	task.clear_ibuf [dreg:s7], $0x6FFFF;
	_ =	strace $0x90000049  }
0xb3: {  	s29 =	simm.s32 $0x9;
	_ =	strace $0x8000004B  }
0xb4: {  	_ =	swait.ge [sflag:s29], $0x1  }
0xb5: {  	[sflag:s29] =	ssyncadd.s32 $0xFFFFFFFF  }
0xb6: {  	_ =	strace $0x9000004B  }
0xb7: {  	_ =	sfence  }
0xb8: {  	s30 =	sld [smem:$0x0];
	_ =	sdelay $0x2  }
0xb9: {  	s31 =	sshll.u32 s1, $0xD;
	s1 =	sshrl.u32 s1, $0x2  }
0xba: {  	s3 =	sand.u32 $0x4000, s31;
	s1 =	sadd.s32 s1, s30  }
0xbb: {  	s0 =	sor.u32 s3, s0;
	s1 =	sshll.u32 s1, $0x11  }
0xbc: {  	s0 =	sor.u32 s1, s0  }
0xbd: {  	s0 =	sadd.s32 $0x8F2B, s0  }
0xbe: {  	[sflag:s0] =	ssyncadd.remote.s32 $0x1  }
0xbf: {  	_ =	sfence.sel $0xFFFF  }
0xc0: {  	[dreg:$0x0] =	wrdreg $0xFFFFFFFF;
	(pc) =	sbr.abs _section_cstart, $3  }
0xc1: {  	[dreg:$0x1] =	wrdreg $0xFFFFFFFF  }
0xc2: {  	_ =	task.clear_ibuf [dreg:s7], $0x2FFFF;
	_ =	strace $0x9FFFFFFF  }
0xc3: {  	(tm) =	ssettm $0x7FFFFFFF  }
tec
execute0_lowered:
.L_overlay_start_1:
0x0: {  	(tag) =	ssettag $0x1  }
0x1: {  	s1 =	rddreg [dreg:$0x0]  }
0x2: {  	s0 =	rddreg [dreg:$0x1]  }
0x3: {  	s2 =	srdreg.scid;
	s19 =	stileid.u32  }
0x4: {  	s3 =	rddreg [dreg:$0x2];
	s4 =	simm.s32 $0x0;
	s29 =	simm.s32 $0x80  }
0x5: {  	s30 =	simm.s32 $0x100;
	s31 =	simm.s32 $0x180;
	s28 =	simm.s32 $0x6A00  }
0x6: {  	s2 =	sand.u32 $0x1, s2;
	s5 =	sshll.u32 s19, $0x1;
	[smem:$0x7FF] =	sst s4  }
0x7: {  	s11 =	sadd.s32 $0x2200, s0;
	s6 =	smul.u32 $0x50000, s19;
	s7 =	sadd.s32 $0x16200, s0  }
0x8: {  	s13 =	smul.u32 $0x14000, s19;
	s5 =	sor.u32 s2, s5;
	_ =	strace $0x8000004A  }
0x9: {  	[dreg:$0x4] =	wrdreg s7;
	s25 =	ssub.s32 $0x2, s2;
	s5 =	smul.u32 $0x500, s5  }
0xa: {  	s8 =	sshrl.u32 s25, $0x1;
	s6 =	sshrl.u32 s6, $0x2;
	s15 =	sadd.s32 $0x4000, s13  }
0xb: {  	s16 =	sadd.s32 $0x8000, s13;
	s17 =	sadd.s32 $0xC000, s13;
	s18 =	sadd.s32 $0x10000, s13  }
0xc: {  	s14 =	ssub.s32 s25, s8;
	s6 =	sadd.s32 s6, s3;
	s7 =	sadd.s32 s15, s3  }
0xd: {  	s8 =	sadd.s32 s16, s3;
	s12 =	sadd.s32 s5, s0;
	s20 =	sadd.s32 s11, s5  }
0xe: {  	s9 =	sadd.s32 s17, s3;
	s12 =	sadd.s32 $0xC200, s12;
	[dreg:$0x5] =	wrdreg s20  }
0xf: {  	s10 =	sadd.s32 s18, s3;
	s26 =	sadd.s32 $0x10, s20;
	[dreg:$0x6] =	wrdreg s12  }
0x10: {  	s5 =	smul.u32 $0x140000, s2;
	s21 =	sadd.s32 $0x20, s20;
	[dreg:$0x7] =	wrdreg s26  }
0x11: {  	s0 =	sadd.s32 $0x16A00, s0;
	s2 =	smul.u32 $0x50, s2;
	[dreg:$0x8] =	wrdreg s21  }
0x12: {  	s22 =	sadd.s32 s13, s5;
	s23 =	sadd.s32 s5, s15;
	s24 =	sadd.s32 s5, s16  }
0x13: {  	s25 =	sadd.s32 s5, s17;
	s5 =	sadd.s32 s5, s18;
	s26 =	smul.u32 $0xA0, s19  }
0x14: {  	s19 =	sadd.s32 $0x30, s20;
	s13 =	simm.s32 $0x6;
	s15 =	simm.s32 $0x0  }
0x15: {  	[dreg:$0x9] =	wrdreg s19;
	s12 =	sshrl.u32 s22, $0x3;
	s20 =	sshrl.u32 s23, $0x3  }
0x16: {  	s21 =	sshrl.u32 s24, $0x3;
	s23 =	sshrl.u32 s25, $0x3;
	s25 =	smax.u32 s14, $0x1  }
0x17: {  	s5 =	sshrl.u32 s5, $0x3;
	s12 =	sadd.s32 s0, s12;
	[dreg:$0xf] =	wrdreg s25  }
0x18: {  	s14 =	simm.s32 $0x4;
	s22 =	sadd.s32 s0, s21;
	[dreg:$0xa] =	wrdreg s12  }
0x19: {  	s2 =	sadd.s32 s2, s26;
	s12 =	sadd.s32 s0, s20;
	[dreg:$0xc] =	wrdreg s22  }
0x1a: {  	s25 =	simm.s32 $0x2A00;
	s2 =	sshll.u32 s2, $0x4;
	[dreg:$0xb] =	wrdreg s12  }
.Ltmp0:
0x1b: {  	s12 =	sadd.s32 s0, s23;
	s0 =	sadd.s32 s0, s5;
	(pc) =	sbr.rel .LBB2_1-.Ltmp0, $4  }
0x1c: {  	s24 =	sadd.s32 s2, s11;
	s2 =	simm.s32 $0x1;
	[dreg:$0xd] =	wrdreg s12  }
0x1d: {  	s5 =	simm.s32 $0x5;
	[dreg:$0xe] =	wrdreg s0;
	s26 =	sadd.s32 $0x70, s24  }
0x1e: {  	s17 =	sadd.s32 $0x60, s24;
	s16 =	sadd.s32 $0x40, s24;
	s0 =	simm.s32 $0x2  }
0x1f: {  	s12 =	simm.s32 $0x3;
	[dreg:$0x10] =	wrdreg s26;
	s26 =	simm.s32 $0x7  }
.LBB2_4:
0x20: {  	_ =	swait.ge [sflag:s13], $0x4000  }
0x21: {  	[sflag:s13] =	ssyncset.done $0x0  }
0x22: {  	[sflag:s13] =	ssyncadd.s32 $0xFFFFC000  }
0x23: {  	[spmem:s3] =	stream.indirect.scatter.add.f32 [tilespmem:s28], [sflag:$0x7], $0x80, s19, s29, $0xb8;
	[tilespmem:$0x1EA00] =	vst v63  }
0x24: {  	_ =	swait.ge [sflag:s26], $0x4000  }
0x25: {  	[sflag:s26] =	ssyncset.done $0x0  }
0x26: {  	[sflag:s26] =	ssyncadd.s32 $0xFFFFC000  }
0x27: {  	[bflag:$0x0] =	sbarrier.arrive $0xFFFF  }
0x28: {  	[tilespmem:s25], [sflag:$0x7] =	stream.linear.gather [spmem:s6], $0x4000, $0x38;
	[tilespmem:$0x1EA00] =	vst v63  }
0x29: {  	_ =	swait.ge [sflag:s26], $0x4000  }
0x2a: {  	[sflag:s26] =	ssyncset.done $0x0  }
0x2b: {  	s11 =	rddreg [dreg:$0xa];
	[sflag:s26] =	ssyncadd.s32 $0xFFFFC000  }
0x2c: {  	[hbm4b:s11+s4] =	stream.linear.scatter [tilespmem:s25], [sflag:$0x7], $0x4000, $0x38;
	[tilespmem:$0x1EA00] =	vst v63  }
0x2d: {  	_ =	swait.ge [sflag:s26], $0x4000  }
0x2e: {  	[sflag:s26] =	ssyncset.done $0x0  }
0x2f: {  	[sflag:s26] =	ssyncadd.s32 $0xFFFFC000  }
0x30: {  	[tilespmem:s25], [sflag:$0x7] =	stream.linear.gather [spmem:s7], $0x4000, $0x38;
	[tilespmem:$0x1EA00] =	vst v63  }
0x31: {  	_ =	swait.ge [sflag:s26], $0x4000  }
0x32: {  	[sflag:s26] =	ssyncset.done $0x0  }
0x33: {  	s20 =	rddreg [dreg:$0xb];
	[sflag:s26] =	ssyncadd.s32 $0xFFFFC000  }
0x34: {  	[hbm4b:s20+s4] =	stream.linear.scatter [tilespmem:s25], [sflag:$0x7], $0x4000, $0x38;
	[tilespmem:$0x1EA00] =	vst v63  }
0x35: {  	_ =	swait.ge [sflag:s26], $0x4000  }
0x36: {  	[sflag:s26] =	ssyncset.done $0x0  }
0x37: {  	[sflag:s26] =	ssyncadd.s32 $0xFFFFC000  }
0x38: {  	[tilespmem:s25], [sflag:$0x7] =	stream.linear.gather [spmem:s8], $0x4000, $0x38;
	[tilespmem:$0x1EA00] =	vst v63  }
0x39: {  	_ =	swait.ge [sflag:s26], $0x4000  }
0x3a: {  	[sflag:s26] =	ssyncset.done $0x0  }
0x3b: {  	s21 =	rddreg [dreg:$0xc];
	[sflag:s26] =	ssyncadd.s32 $0xFFFFC000  }
0x3c: {  	[hbm4b:s21+s4] =	stream.linear.scatter [tilespmem:s25], [sflag:$0x7], $0x4000, $0x38;
	[tilespmem:$0x1EA00] =	vst v63  }
0x3d: {  	_ =	swait.ge [sflag:s26], $0x4000  }
0x3e: {  	[sflag:s26] =	ssyncset.done $0x0  }
0x3f: {  	[sflag:s26] =	ssyncadd.s32 $0xFFFFC000  }
0x40: {  	[tilespmem:s25], [sflag:$0x7] =	stream.linear.gather [spmem:s9], $0x4000, $0x38;
	[tilespmem:$0x1EA00] =	vst v63  }
0x41: {  	_ =	swait.ge [sflag:s26], $0x4000  }
0x42: {  	[sflag:s26] =	ssyncset.done $0x0  }
0x43: {  	s22 =	rddreg [dreg:$0xd];
	[sflag:s26] =	ssyncadd.s32 $0xFFFFC000  }
0x44: {  	[hbm4b:s22+s4] =	stream.linear.scatter [tilespmem:s25], [sflag:$0x7], $0x4000, $0x38;
	[tilespmem:$0x1EA00] =	vst v63  }
0x45: {  	_ =	swait.ge [sflag:s26], $0x4000  }
0x46: {  	[sflag:s26] =	ssyncset.done $0x0  }
0x47: {  	[sflag:s26] =	ssyncadd.s32 $0xFFFFC000  }
0x48: {  	[tilespmem:s25], [sflag:$0x7] =	stream.linear.gather [spmem:s10], $0x4000, $0x38;
	[tilespmem:$0x1EA00] =	vst v63  }
0x49: {  	_ =	swait.ge [sflag:s26], $0x4000  }
0x4a: {  	[sflag:s26] =	ssyncset.done $0x0  }
0x4b: {  	s23 =	rddreg [dreg:$0xe];
	[sflag:s26] =	ssyncadd.s32 $0xFFFFC000  }
0x4c: {  	[hbm4b:s23+s4] =	stream.linear.scatter [tilespmem:s25], [sflag:$0x7], $0x4000, $0x38;
	[tilespmem:$0x1EA00] =	vst v63  }
0x4d: {  	_ =	swait.ge [sflag:s26], $0x4000  }
0x4e: {  	s15 =	sadd.s32 $0x1, s15;
	s24 =	rddreg [dreg:$0xf]  }
0x4f: {  	p0 =	sne.s32 s15, s24  }
.Ltmp1:
0x50: {  	_ = 	snop;
	(pc) =	sbr.rel @!p0 .LBB2_5-.Ltmp1, $3  }
0x51: {  	_ =	sdelay $0x1  }
0x52: {  	[sflag:s26] =	ssyncset.done $0x0  }
0x53: {  	[sflag:s26] =	ssyncadd.s32 $0xFFFFC000  }
.LBB2_1:
0x54: {  	s11 =	rddreg [dreg:$0x4]  }
0x55: {  	[tilespmem:s25], [sflag:$0x7] =	stream.linear.gather [hbm4b:s11+s4], $0x4000, $0x38;
	[tilespmem:$0x1EA00] =	vst v63  }
0x56: {  	_ =	swait.ge [sflag:s26], $0x4000  }
0x57: {  	[sflag:s26] =	ssyncset.done $0x0  }
0x58: {  	[sflag:s26] =	ssyncadd.s32 $0xFFFFC000  }
0x59: {  	[spmem:s6] =	stream.linear.scatter [tilespmem:s25], [sflag:$0x7], $0x4000, $0x38;
	[tilespmem:$0x1EA00] =	vst v63  }
0x5a: {  	_ =	swait.ge [sflag:s26], $0x4000  }
0x5b: {  	[sflag:s26] =	ssyncset.done $0x0  }
0x5c: {  	[sflag:s26] =	ssyncadd.s32 $0xFFFFC000  }
0x5d: {  	[spmem:s7] =	stream.linear.scatter [tilespmem:s25], [sflag:$0x7], $0x4000, $0x38;
	[tilespmem:$0x1EA00] =	vst v63  }
0x5e: {  	_ =	swait.ge [sflag:s26], $0x4000  }
0x5f: {  	[sflag:s26] =	ssyncset.done $0x0  }
0x60: {  	[sflag:s26] =	ssyncadd.s32 $0xFFFFC000  }
0x61: {  	[spmem:s8] =	stream.linear.scatter [tilespmem:s25], [sflag:$0x7], $0x4000, $0x38;
	[tilespmem:$0x1EA00] =	vst v63  }
0x62: {  	_ =	swait.ge [sflag:s26], $0x4000  }
0x63: {  	[sflag:s26] =	ssyncset.done $0x0  }
0x64: {  	[sflag:s26] =	ssyncadd.s32 $0xFFFFC000  }
0x65: {  	[spmem:s9] =	stream.linear.scatter [tilespmem:s25], [sflag:$0x7], $0x4000, $0x38;
	[tilespmem:$0x1EA00] =	vst v63  }
0x66: {  	_ =	swait.ge [sflag:s26], $0x4000  }
0x67: {  	[sflag:s26] =	ssyncset.done $0x0  }
0x68: {  	[sflag:s26] =	ssyncadd.s32 $0xFFFFC000  }
0x69: {  	[spmem:s10] =	stream.linear.scatter [tilespmem:s25], [sflag:$0x7], $0x4000, $0x38;
	[tilespmem:$0x1EA00] =	vst v63  }
0x6a: {  	_ =	swait.ge [sflag:s26], $0x4000  }
0x6b: {  	[sflag:s26] =	ssyncset.done $0x0  }
0x6c: {  	s18 =	simm.s32 $0x200;
	s20 =	rddreg [dreg:$0x6];
	[sflag:s26] =	ssyncadd.s32 $0xFFFFC000  }
0x6d: {  	[tilespmem:s18], [sflag:$0x7] =	stream.linear.gather [hbm4b:s20+s4], $0x2800, $0x38;
	[tilespmem:$0x1EA00] =	vst v63  }
0x6e: {  	_ =	swait.ge [sflag:s26], $0x2800  }
0x6f: {  	[sflag:s26] =	ssyncset.done $0x0  }
0x70: {  	[sflag:s26] =	ssyncadd.s32 $0xFFFFD800  }
0x71: {  	[bflag:$0x0] =	sbarrier.arrive $0xFFFF  }
0x72: {  	s21 =	rddreg [dreg:$0x5]  }
0x73: {  	[tilespmem:s4], [sflag:$0x1] =	stream.linear.gather [hbm4b:s21+s4], $0x80, $0x38;
	[tilespmem:$0x1EA00] =	vst v63  }
0x74: {  	s22 =	rddreg [dreg:$0x7]  }
0x75: {  	[tilespmem:s29], [sflag:$0x2] =	stream.linear.gather [hbm4b:s22+s4], $0x80, $0x38;
	[tilespmem:$0x1EA00] =	vst v63  }
0x76: {  	s23 =	rddreg [dreg:$0x8]  }
0x77: {  	[tilespmem:s30], [sflag:$0x3] =	stream.linear.gather [hbm4b:s23+s4], $0x80, $0x38;
	[tilespmem:$0x1EA00] =	vst v63  }
0x78: {  	s24 =	rddreg [dreg:$0x9]  }
0x79: {  	[tilespmem:s31], [sflag:$0x4] =	stream.linear.gather [hbm4b:s24+s4], $0x80, $0x38;
	[tilespmem:$0x1EA00] =	vst v63  }
0x7a: {  	_ =	swait.ge [sflag:s2], $0x80  }
0x7b: {  	s11 =	simm.s32 $0x0;
	s23 =	smov.u32 s17;
	[sflag:s2] =	ssyncset.done $0x0  }
0x7c: {  	s24 =	smov.u32 s16;
	s22 =	rddreg [dreg:$0x10];
	[sflag:s2] =	ssyncadd.s32 $0xFFFFFF80  }
0x7d: {  	[tilespmem:s25], [sflag:$0x5] =	stream.indirect.gather [hbm4b:s1+s29], $0x80, s4, s29, $0xb8;
	[tilespmem:$0x1EA00] =	vst v63  }
.LBB2_2:
0x7e: {  	_ =	swait.ge [sflag:s0], $0x80  }
0x7f: {  	[sflag:s0] =	ssyncset.done $0x0  }
0x80: {  	[sflag:s0] =	ssyncadd.s32 $0xFFFFFF80  }
0x81: {  	[tilespmem:s28], [sflag:$0x6] =	stream.indirect.gather [hbm4b:s1+s29], $0x80, s29, s29, $0xb8;
	[tilespmem:$0x1EA00] =	vst v63  }
0x82: {  	_ =	swait.ge [sflag:s5], $0x4000  }
0x83: {  	s19 =	sshra.s32 s11, $0x2;
	[sflag:s5] =	ssyncset.done $0x0  }
0x84: {  	s20 =	sadd.s32 $0x200, s19;
	[sflag:s5] =	ssyncadd.s32 $0xFFFFC000  }
0x85: {  	[spmem:s3] =	stream.indirect.scatter.add.f32 [tilespmem:s25], [sflag:$0x7], $0x80, s20, s29, $0xb8;
	[tilespmem:$0x1EA00] =	vst v63  }
0x86: {  	_ =	swait.ge [sflag:s26], $0x4000  }
0x87: {  	p0 =	seq.s32 s11, $0x9800;
	[sflag:s26] =	ssyncset.done $0x0  }
0x88: {  	s20 =	simm.s32 @!p0 $0x0;
	[sflag:s26] =	ssyncadd.s32 $0xFFFFC000  }
0x89: {  	[tilespmem:s20], [sflag:$0x1] =	stream.linear.gather @!p0 [hbm4b:s24+s20], $0x80, $0x38;
	[tilespmem:$0x1EA00] =	vst v63  }
0x8a: {  	_ =	swait.ge [sflag:s12], $0x80  }
0x8b: {  	[sflag:s12] =	ssyncset.done $0x0  }
0x8c: {  	[sflag:s12] =	ssyncadd.s32 $0xFFFFFF80  }
0x8d: {  	[tilespmem:s25], [sflag:$0x5] =	stream.indirect.gather [hbm4b:s1+s29], $0x80, s30, s29, $0xb8;
	[tilespmem:$0x1EA00] =	vst v63  }
0x8e: {  	_ =	swait.ge [sflag:s13], $0x4000  }
0x8f: {  	[sflag:s13] =	ssyncset.done $0x0  }
0x90: {  	s21 =	sadd.s32 $0x280, s19;
	[sflag:s13] =	ssyncadd.s32 $0xFFFFC000  }
0x91: {  	[spmem:s3] =	stream.indirect.scatter.add.f32 [tilespmem:s28], [sflag:$0x7], $0x80, s21, s29, $0xb8;
	[tilespmem:$0x1EA00] =	vst v63  }
0x92: {  	_ =	swait.ge [sflag:s26], $0x4000  }
0x93: {  	[sflag:s26] =	ssyncset.done $0x0  }
0x94: {  	s18 =	simm.s32 @!p0 $0x80;
	s21 =	sadd.s32 @!p0 $0xFFFFFFE0, s22;
	[sflag:s26] =	ssyncadd.s32 $0xFFFFC000  }
0x95: {  	[tilespmem:s18], [sflag:$0x2] =	stream.linear.gather @!p0 [hbm4b:s21+s20], $0x80, $0x38;
	[tilespmem:$0x1EA00] =	vst v63  }
0x96: {  	_ =	swait.ge [sflag:s14], $0x80  }
0x97: {  	[sflag:s14] =	ssyncset.done $0x0  }
0x98: {  	[sflag:s14] =	ssyncadd.s32 $0xFFFFFF80  }
0x99: {  	[tilespmem:s28], [sflag:$0x6] =	stream.indirect.gather [hbm4b:s1+s29], $0x80, s31, s29, $0xb8;
	[tilespmem:$0x1EA00] =	vst v63  }
0x9a: {  	_ =	swait.ge [sflag:s5], $0x4000  }
0x9b: {  	[sflag:s5] =	ssyncset.done $0x0  }
.Ltmp2:
0x9c: {  	s21 =	sadd.s32 $0x300, s19;
	[sflag:s5] =	ssyncadd.s32 $0xFFFFC000;
	(pc) =	sbr.rel @p0 .LBB2_4-.Ltmp2, $4  }
0x9d: {  	[spmem:s3] =	stream.indirect.scatter.add.f32 [tilespmem:s25], [sflag:$0x7], $0x80, s21, s29, $0xb8;
	[tilespmem:$0x1EA00] =	vst v63  }
0x9e: {  	_ =	swait.ge [sflag:s26], $0x4000  }
0x9f: {  	[sflag:s26] =	ssyncset.done $0x0  }
0xa0: {  	s19 =	sadd.s32 $0x380, s19;
	[sflag:s26] =	ssyncadd.s32 $0xFFFFC000  }
0xa1: {  	[tilespmem:s30], [sflag:$0x3] =	stream.linear.gather [hbm4b:s23+s4], $0x80, $0x38;
	[tilespmem:$0x1EA00] =	vst v63  }
0xa2: {  	_ =	swait.ge [sflag:s2], $0x80  }
0xa3: {  	[sflag:s2] =	ssyncset.done $0x0  }
0xa4: {  	[sflag:s2] =	ssyncadd.s32 $0xFFFFFF80  }
0xa5: {  	[tilespmem:s25], [sflag:$0x5] =	stream.indirect.gather [hbm4b:s1+s29], $0x80, s4, s29, $0xb8;
	[tilespmem:$0x1EA00] =	vst v63  }
0xa6: {  	_ =	swait.ge [sflag:s13], $0x4000  }
0xa7: {  	[sflag:s13] =	ssyncset.done $0x0  }
0xa8: {  	[sflag:s13] =	ssyncadd.s32 $0xFFFFC000  }
0xa9: {  	[spmem:s3] =	stream.indirect.scatter.add.f32 [tilespmem:s28], [sflag:$0x7], $0x80, s19, s29, $0xb8;
	[tilespmem:$0x1EA00] =	vst v63  }
.Ltmp3:
0xaa: {  	_ =	swait.ge [sflag:s26], $0x4000;
	(pc) =	sbr.rel .LBB2_2-.Ltmp3, $4  }
0xab: {  	[sflag:s26] =	ssyncset.done $0x0  }
0xac: {  	s11 =	sadd.s32 $0x800, s11;
	[sflag:s26] =	ssyncadd.s32 $0xFFFFC000  }
0xad: {  	[tilespmem:s31], [sflag:$0x4] =	stream.linear.gather [hbm4b:s22+s4], $0x80, $0x38;
	[tilespmem:$0x1EA00] =	vst v63  }
0xae: {  	s23 =	sadd.s32 $0x40, s23;
	s24 =	sadd.s32 $0x40, s24;
	s22 =	sadd.s32 $0x40, s22  }
.LBB2_5:
0xaf: {  	_ =	sfence.sel $0x180000  }
0xb0: {  	[bflag:$0x0] =	sbarrier.arrive $0xFFFF  }
0xb1: {  	_ =	strace $0x9000004A  }
0xb2: {  	s0 =	stileid.u32;
	[bflag:$0x2] =	sbarrier.arrive $0xFFFF  }
0xb3: {  	p0 =	sne.s32 s0, $0x0;
	s0 =	rddreg [dreg:$0x3]  }
0xb4: {  	s0 =	sadd.s32 @!p0 $0x100000, s0  }
0xb5: {  	[sflag:s0] =	ssyncadd.tile.s32 @!p0 $0x1;
	_ =	shalt  }
.Lfunc_end2:
_tile_overlayer_lowered:
.L_overlay_start_2:
0xb6: {  	(tag) =	ssettag $0x2  }
0xb7: {  	s0 =	rddreg [dreg:$0x0];
	s2 =	stileid.u32  }
0xb8: {  	s1 =	rddreg [dreg:$0x1];
	p0 =	sne.s32 s2, $0x0  }
0xb9: {  	s3 =	rddreg [dreg:$0x2];
	[bflag:$0x3] =	sbarrier.arrive $0xFFFF;
	s2 =	simm.s32 @!p0 $0x1C07  }
0xba: {  	[timem:s3], [sflag:s2] =	dma.local @!p0 [hbm:s0], s1  }
0xbb: {  	s0 =	simm.s32 @!p0 $0x7  }
0xbc: {  	_ =	swait.ge @!p0 [sflag:s0], s1  }
0xbd: {  	s1 =	ssub.s32 @!p0 $0x0, s1;
	[sflag:s0] =	ssyncset.done @!p0 $0x0  }
0xbe: {  	[sflag:s0] =	ssyncadd.s32 @!p0 s1  }
0xbf: {  	[bflag:$0x3] =	sbarrier.arrive $0xFFFF  }
0xc0: {  	_ =	shalt  }

</sc_bundles>
